<compile_context>
chip_gen: v7x
topology: tpu7x:2x2x1
jax: 0.10.2.dev20260603
libtpu: 0.0.44.dev20260713+nightly
codegen_flags: <defaults>
</compile_context>

<pallas_src>
import functools

import jax
import jax.numpy as jnp
from jax import lax
from jax.experimental import pallas as pl
from jax.experimental.pallas import tpu as pltpu
from jax.experimental.pallas import tpu_sc as plsc

N = 10000
E = 320000
NC = 2
NS = 16
NW = NC * NS
EPW = E // NW
K = 128
NCHUNK = EPW // K
KT = EPW - NCHUNK * K
NB = 6
NP = 10240
RPS = NP // NS


def _sc_mesh():
    return plsc.VectorSubcoreMesh(core_axis_name="c", subcore_axis_name="s")


_SC_PARAMS = pltpu.CompilerParams(use_tc_tiling_on_sc=False)



@functools.partial(
    pl.kernel,
    out_type=jax.ShapeDtypeStruct((NC, NP, 1), jnp.float32),
    mesh=_sc_mesh(),
    scratch_types=[
        pltpu.VMEM((NCHUNK, K), jnp.int32),
        pltpu.VMEM((KT,), jnp.int32),
        pltpu.VMEM((K, 1), jnp.float32),
        pltpu.VMEM((KT, 1), jnp.float32),
        pltpu.VMEM_SHARED((NP, 1), jnp.float32),
        pltpu.SemaphoreType.DMA,
        pltpu.SemaphoreType.DMA,
    ],
    compiler_params=_SC_PARAMS,
)
def _deg_kernel(adjm_hbm, adjt_hbm, ones_hbm, zeros_hbm, out_hbm,
                didx_v, didx_t, ones_v, ones_t, acc, isem, ssem):
    c = lax.axis_index("c")
    s = lax.axis_index("s")
    w = c * NS + s
    dd = pltpu.async_copy(adjm_hbm.at[1, w], didx_v, isem)
    dt = pltpu.async_copy(adjt_hbm.at[1, w], didx_t, isem)
    pltpu.sync_copy(ones_hbm.at[pl.ds(0, K)], ones_v)
    pltpu.sync_copy(ones_hbm.at[pl.ds(0, KT)], ones_t)
    pltpu.sync_copy(zeros_hbm.at[pl.ds(s * RPS, RPS)],
                    acc.at[pl.ds(s * RPS, RPS)])
    dd.wait()
    dt.wait()
    plsc.subcore_barrier()

    def chunk(j, carry):
        pltpu.async_copy(ones_v, acc.at[didx_v.at[j]], ssem, add=True)
        return carry

    lax.fori_loop(0, NCHUNK, chunk, 0)
    pltpu.sync_copy(ones_t, acc.at[didx_t], add=True)

    def drain(j, carry):
        pltpu.make_async_copy(ones_v, acc.at[didx_v.at[0]], ssem).wait()
        return carry

    lax.fori_loop(0, NCHUNK, drain, 0)
    plsc.subcore_barrier()
    pltpu.sync_copy(acc.at[pl.ds(s * RPS, RPS)],
                    out_hbm.at[c, pl.ds(s * RPS, RPS)])


def _make_edge_sum(F):
    @functools.partial(
        pl.kernel,
        out_type=jax.ShapeDtypeStruct((NC, NP, F), jnp.float32),
        mesh=_sc_mesh(),
        scratch_types=(
            [pltpu.VMEM((NCHUNK, K), jnp.int32),
             pltpu.VMEM((NCHUNK, K), jnp.int32),
             pltpu.VMEM((KT,), jnp.int32),
             pltpu.VMEM((KT,), jnp.int32),
             pltpu.VMEM((KT, F), jnp.float32)]
            + [pltpu.VMEM((K, F), jnp.float32) for _ in range(NB)]
            + [pltpu.VMEM_SHARED((NP, F), jnp.float32)]
            + [pltpu.SemaphoreType.DMA for _ in range(NB + 1)]
        ),
        compiler_params=_SC_PARAMS,
    )
    def edge_sum(adjm_hbm, adjt_hbm, y_hbm, zeros_hbm, out_hbm,
                 sidx_v, didx_v, sidx_t, didx_t, rows_t,
                 r0, r1, r2, r3, r4, r5, acc,
                 g0, g1, g2, g3, g4, g5, isem):
        rows = (r0, r1, r2, r3, r4, r5)
        gsem = (g0, g1, g2, g3, g4, g5)
        c = lax.axis_index("c")
        s = lax.axis_index("s")
        w = c * NS + s
        ds = pltpu.async_copy(adjm_hbm.at[0, w], sidx_v, isem)
        dd = pltpu.async_copy(adjm_hbm.at[1, w], didx_v, isem)
        dst_ = pltpu.async_copy(adjt_hbm.at[0, w], sidx_t, isem)
        ddt = pltpu.async_copy(adjt_hbm.at[1, w], didx_t, isem)
        pltpu.sync_copy(zeros_hbm.at[pl.ds(s * RPS, RPS)],
                        acc.at[pl.ds(s * RPS, RPS)])
        ds.wait()
        dd.wait()
        dst_.wait()
        ddt.wait()
        for b in range(NB):
            pltpu.async_copy(y_hbm.at[sidx_v.at[b]], rows[b], gsem[b])
        tl = pltpu.async_copy(y_hbm.at[sidx_t], rows_t, isem)
        plsc.subcore_barrier()

        def group(g, carry):
            for b in range(NB):
                j = g * NB + b
                pltpu.make_async_copy(y_hbm.at[sidx_v.at[j]], rows[b],
                                      gsem[b]).wait()
                pltpu.sync_copy(rows[b], acc.at[didx_v.at[j]], add=True)

                @pl.when(j + NB < NCHUNK)
                def _():
                    pltpu.async_copy(y_hbm.at[sidx_v.at[j + NB]], rows[b],
                                     gsem[b])
            return carry

        lax.fori_loop(0, NCHUNK // NB, group, 0)
        tl.wait()
        pltpu.sync_copy(rows_t, acc.at[didx_t], add=True)
        plsc.subcore_barrier()
        pltpu.sync_copy(acc.at[pl.ds(s * RPS, RPS)],
                        out_hbm.at[c, pl.ds(s * RPS, RPS)])

    return edge_sum


_edge_sum64 = _make_edge_sum(64)
_edge_sum32 = _make_edge_sum(32)



BLK = 2000
G = N // BLK


def _mm1_body(x_ref, w1_ref, xw_ref):
    xw_ref[...] = jnp.dot(x_ref[...], w1_ref[...],
                          preferred_element_type=jnp.float32)


def _mm1(x, w1):
    return pl.pallas_call(
        _mm1_body,
        grid=(G,),
        in_specs=[
            pl.BlockSpec((BLK, 128), lambda i: (i, 0)),
            pl.BlockSpec((128, 64), lambda i: (0, 0)),
        ],
        out_specs=pl.BlockSpec((BLK, 64), lambda i: (i, 0)),
        out_shape=jax.ShapeDtypeStruct((N, 64), jnp.float32),
    )(x, w1)


def _scale1_body(d0_ref, d1_ref, xw_ref, y1_ref, dinv_ref):
    deg = 1.0 + d0_ref[0] + d1_ref[0]
    dinv = lax.rsqrt(deg)
    y1_ref[...] = xw_ref[...] * dinv
    dinv_ref[...] = dinv


def _scale1(degp, xw):
    return pl.pallas_call(
        _scale1_body,
        grid=(G,),
        in_specs=[
            pl.BlockSpec((1, BLK, 1), lambda i: (0, i, 0)),
            pl.BlockSpec((1, BLK, 1), lambda i: (1, i, 0)),
            pl.BlockSpec((BLK, 64), lambda i: (i, 0)),
        ],
        out_specs=(
            pl.BlockSpec((BLK, 64), lambda i: (i, 0)),
            pl.BlockSpec((BLK, 1), lambda i: (i, 0)),
        ),
        out_shape=(
            jax.ShapeDtypeStruct((N, 64), jnp.float32),
            jax.ShapeDtypeStruct((N, 1), jnp.float32),
        ),
    )(degp, degp, xw)


def _comb_body(p0_ref, p1_ref, y_ref, dinv_ref, b_ref, wn_ref, out_ref):
    dinv = dinv_ref[...]
    h = dinv * (p0_ref[0] + p1_ref[0] + y_ref[...]) + b_ref[...]
    h = jnp.maximum(h, 0.0)
    out_ref[...] = dinv * jnp.dot(h, wn_ref[...],
                                  preferred_element_type=jnp.float32)


def _comb(p, y, dinv, b, wn):
    f = y.shape[1]
    f2 = wn.shape[1]
    return pl.pallas_call(
        _comb_body,
        grid=(G,),
        in_specs=[
            pl.BlockSpec((1, BLK, f), lambda i: (0, i, 0)),
            pl.BlockSpec((1, BLK, f), lambda i: (1, i, 0)),
            pl.BlockSpec((BLK, f), lambda i: (i, 0)),
            pl.BlockSpec((BLK, 1), lambda i: (i, 0)),
            pl.BlockSpec((1, f), lambda i: (0, 0)),
            pl.BlockSpec((f, f2), lambda i: (0, 0)),
        ],
        out_specs=pl.BlockSpec((BLK, f2), lambda i: (i, 0)),
        out_shape=jax.ShapeDtypeStruct((N, f2), jnp.float32),
    )(p, p, y, dinv, b, wn)


def _final_body(p_ref, y_ref, dinv_ref, b3_ref, wm_ref, wfc1_ref, bfc1_ref,
                wfc2_ref, bfc2_ref, ws_ref, bs_ref, out_ref):
    dinv = dinv_ref[...]
    h = dinv * (p_ref[0, 0:N] + p_ref[1, 0:N] + y_ref[...]) + b3_ref[...]
    h = jnp.maximum(h, 0.0)
    hmean = jnp.sum(h, axis=0, keepdims=True) * (1.0 / N)
    gc = jnp.dot(hmean, wm_ref[...], preferred_element_type=jnp.float32)
    tg = jnp.tanh(gc)
    logit = jnp.dot(h, tg.T, preferred_element_type=jnp.float32)
    scores = 1.0 / (1.0 + jnp.exp(-logit))
    pooled = jnp.sum(h * scores, axis=0, keepdims=True)
    s1 = jnp.maximum(
        jnp.dot(pooled, wfc1_ref[...], preferred_element_type=jnp.float32)
        + bfc1_ref[...], 0.0)
    s2 = jnp.maximum(
        jnp.dot(s1, wfc2_ref[...], preferred_element_type=jnp.float32)
        + bfc2_ref[...], 0.0)
    logits = jnp.dot(s2, ws_ref[...],
                     preferred_element_type=jnp.float32) + bs_ref[...]
    zmax = jnp.max(logits, axis=1, keepdims=True)
    z = logits - zmax
    out_ref[...] = z - jnp.log(jnp.sum(jnp.exp(z), axis=1, keepdims=True))


def _final(p, y, dinv, b3, wm, wfc1, bfc1, wfc2, bfc2, ws, bs):
    return pl.pallas_call(
        _final_body,
        out_shape=jax.ShapeDtypeStruct((1, bs.shape[1]), jnp.float32),
    )(p, y, dinv, b3, wm, wfc1, bfc1, wfc2, bfc2, ws, bs)



def kernel(adj, features, W1, b1, W2, b2, W3, b3, Wm, Wfc1, bfc1, Wfc2, bfc2,
           Ws, bs):
    adj32 = adj.astype(jnp.int32)
    nm = NW * NCHUNK * K
    adjm = adj32[:, :nm].reshape(2, NW, NCHUNK, K)
    adjt = adj32[:, nm:].reshape(2, NW, KT)
    z64 = jnp.zeros((NP, 64), jnp.float32)
    z32 = jnp.zeros((NP, 32), jnp.float32)
    z1 = jnp.zeros((NP, 1), jnp.float32)
    ones = jnp.ones((K, 1), jnp.float32)

    degp = _deg_kernel(adjm, adjt, ones, z1)
    xw1 = _mm1(features, W1)
    y1, dinv = _scale1(degp, xw1)
    p1 = _edge_sum64(adjm, adjt, y1, z64)
    y2 = _comb(p1, y1, dinv, b1.reshape(1, -1), W2)
    p2 = _edge_sum32(adjm, adjt, y2, z32)
    y3 = _comb(p2, y2, dinv, b2.reshape(1, -1), W3)
    p3 = _edge_sum32(adjm, adjt, y3, z32)
    return _final(p3, y3, dinv, b3.reshape(1, -1), Wm, Wfc1,
                  bfc1.reshape(1, -1), Wfc2, bfc2.reshape(1, -1), Ws,
                  bs.reshape(1, -1))

# --- scband reference (transcript-rebuilt; emitter-appended) ---
"""Pipeline reference for scband-gcn-19808389169214 (READ-ONLY COPY).

The authoritative reference and input builder live on the scoring server;
editing this copy changes nothing except your own understanding.
"""

import jax, jax.numpy as jnp
import numpy as np

N = 10000
E = 320000
D = 128
C = 10

def _glorot(key, shape):
    fan_in, fan_out = shape[0], shape[1]
    lim = jnp.sqrt(6.0 / (fan_in + fan_out))
    return jax.random.uniform(key, shape, jnp.float32, -lim, lim)

def setup_inputs(seed: int = 0):
    key = jax.random.key(seed)
    ks = jax.random.split(key, 16)
    adj = jax.random.randint(ks[0], (2, E), 0, N)
    features = jax.random.normal(ks[1], (N, D), jnp.float32)
    W1 = _glorot(ks[2], (D, 64)); b1 = jnp.zeros((64,), jnp.float32)
    W2 = _glorot(ks[3], (64, 32)); b2 = jnp.zeros((32,), jnp.float32)
    W3 = _glorot(ks[4], (32, 32)); b3 = jnp.zeros((32,), jnp.float32)
    Wm = _glorot(ks[5], (32, 32))
    Wfc1 = _glorot(ks[6], (32, 32)); bfc1 = jnp.zeros((32,), jnp.float32)
    Wfc2 = _glorot(ks[7], (32, 8)); bfc2 = jnp.zeros((8,), jnp.float32)
    Ws = _glorot(ks[8], (8, C)); bs = jnp.zeros((C,), jnp.float32)
    return {"adj": adj, "features": features, "W1": W1, "b1": b1, "W2": W2, "b2": b2, "W3": W3, "b3": b3, "Wm": Wm, "Wfc1": Wfc1, "bfc1": bfc1, "Wfc2": Wfc2, "bfc2": bfc2, "Ws": Ws, "bs": bs}

def _gcn_conv(x, src, dst, W, b):
    n = x.shape[0]
    loops = jnp.arange(n, dtype=src.dtype)
    s = jnp.concatenate([src, loops])
    d = jnp.concatenate([dst, loops])
    deg = jnp.zeros((n,), x.dtype).at[d].add(1.0)
    dinv = jnp.where(deg > 0, 1.0 / jnp.sqrt(deg), 0.0)
    norm = dinv[s] * dinv[d]
    xw = x @ W
    out = jnp.zeros((n, W.shape[1]), x.dtype).at[d].add(norm[:, None] * xw[s])
    return out + b

def reference(adj, features, W1, b1, W2, b2, W3, b3, Wm, Wfc1, bfc1, Wfc2, bfc2, Ws, bs):
    src, dst = adj[0], adj[1]
    h = jax.nn.relu(_gcn_conv(features, src, dst, W1, b1))
    h = jax.nn.relu(_gcn_conv(h, src, dst, W2, b2))
    h = jax.nn.relu(_gcn_conv(h, src, dst, W3, b3))
    global_context = jnp.mean(h @ Wm, axis=0)
    transformed_global = jnp.tanh(global_context)
    sigmoid_scores = jax.nn.sigmoid(h @ transformed_global[:, None])
    representation = h.T @ sigmoid_scores
    pooled = representation.T
    s1 = jax.nn.relu(pooled @ Wfc1 + bfc1)
    s2 = jax.nn.relu(s1 @ Wfc2 + bfc2)
    logits = s2 @ Ws + bs
    return jax.nn.log_softmax(logits, axis=1)

if __name__ == "__main__":
    import jax
    _d = setup_inputs()
    print(jax.jit(kernel)(*tuple(_d.values())))

</pallas_src>

<mosaic_0001>
#map = affine_map<(d0, d1) -> (0, 0, 0, 0)>
#map1 = affine_map<(d0, d1) -> (0, 0, 0)>
#map2 = affine_map<(d0, d1) -> (0, 0)>
module attributes {stable_mosaic.version = 14 : i64} {
  func.func @edge_sum(%arg0: i32, %arg1: i32, %arg2: memref<2x32x78x128xi32, #tpu.memory_space<hbm>>, %arg3: memref<2x32x16xi32, #tpu.memory_space<hbm>>, %arg4: memref<10000x32xf32, #tpu.memory_space<hbm>>, %arg5: memref<10240x32xf32, #tpu.memory_space<hbm>>, %arg6: memref<2x10240x32xf32, #tpu.memory_space<hbm>>, %arg7: memref<78x128xi32, #tpu.memory_space<vmem>>, %arg8: memref<78x128xi32, #tpu.memory_space<vmem>>, %arg9: memref<16xi32, #tpu.memory_space<vmem>>, %arg10: memref<16xi32, #tpu.memory_space<vmem>>, %arg11: memref<16x32xf32, #tpu.memory_space<vmem>>, %arg12: memref<128x32xf32, #tpu.memory_space<vmem>>, %arg13: memref<128x32xf32, #tpu.memory_space<vmem>>, %arg14: memref<128x32xf32, #tpu.memory_space<vmem>>, %arg15: memref<128x32xf32, #tpu.memory_space<vmem>>, %arg16: memref<128x32xf32, #tpu.memory_space<vmem>>, %arg17: memref<128x32xf32, #tpu.memory_space<vmem>>, %arg18: memref<10240x32xf32, #tpu.memory_space<vmem_shared>>, %arg19: memref<!tpu.dma_semaphore, #tpu.memory_space<semaphore_mem>>, %arg20: memref<!tpu.dma_semaphore, #tpu.memory_space<semaphore_mem>>, %arg21: memref<!tpu.dma_semaphore, #tpu.memory_space<semaphore_mem>>, %arg22: memref<!tpu.dma_semaphore, #tpu.memory_space<semaphore_mem>>, %arg23: memref<!tpu.dma_semaphore, #tpu.memory_space<semaphore_mem>>, %arg24: memref<!tpu.dma_semaphore, #tpu.memory_space<semaphore_mem>>, %arg25: memref<!tpu.dma_semaphore, #tpu.memory_space<semaphore_mem>>) attributes {dimension_semantics = [#tpu.dimension_semantics<core_parallel>, #tpu.dimension_semantics<subcore_parallel>], iteration_bounds = array<i64: 2, 16>, scalar_prefetch = 0 : i64, scratch_operands = 19 : i64, tpu.core_type = #tpu.core_type<sc_vector_subcore>, window_params = [{transform_indices = #map}, {transform_indices = #map1}, {transform_indices = #map2}, {transform_indices = #map2}, {transform_indices = #map1}]} {
    %mul3A = arith.constant 16 : i32
    %mul3A_0 = arith.muli %arg0, %mul3A : i32
    %add3A = arith.addi %mul3A_0, %arg1 : i32
    %dma_start3A = arith.constant 0 : i32
    %dma_start3A_1 = arith.constant 0 : i32
    %dma_start3A_2 = arith.constant 0 : i32
    %dma_start3A_3 = tpu.memref_slice %arg2[%dma_start3A, %add3A, %dma_start3A_1, %dma_start3A_2] : memref<2x32x78x128xi32, #tpu.memory_space<hbm>> -> memref<1x1x78x128xi32, #tpu.memory_space<hbm>>
    %dma_start3A_4 = tpu.memref_squeeze %dma_start3A_3 : memref<1x1x78x128xi32, #tpu.memory_space<hbm>> -> memref<78x128xi32, #tpu.memory_space<hbm>>
    %dma_start3A_5 = arith.constant 0 : i32
    %dma_start3A_6 = arith.constant 0 : i32
    %dma_start3A_7 = tpu.memref_slice %arg2[%dma_start3A, %add3A, %dma_start3A_5, %dma_start3A_6] : memref<2x32x78x128xi32, #tpu.memory_space<hbm>> -> memref<1x1x78x128xi32, #tpu.memory_space<hbm>>
    %dma_start3A_8 = tpu.memref_squeeze %dma_start3A_7 : memref<1x1x78x128xi32, #tpu.memory_space<hbm>> -> memref<78x128xi32, #tpu.memory_space<hbm>>
    tpu.enqueue_dma source(%dma_start3A_8 : memref<78x128xi32, #tpu.memory_space<hbm>>) target(%arg7 : memref<78x128xi32, #tpu.memory_space<vmem>>) target_semaphore(%arg25 : memref<!tpu.dma_semaphore, #tpu.memory_space<semaphore_mem>>)
    %dma_start3A_9 = arith.constant 1 : i32
    %dma_start3A_10 = arith.constant 0 : i32
    %dma_start3A_11 = arith.constant 0 : i32
    %dma_start3A_12 = tpu.memref_slice %arg2[%dma_start3A_9, %add3A, %dma_start3A_10, %dma_start3A_11] : memref<2x32x78x128xi32, #tpu.memory_space<hbm>> -> memref<1x1x78x128xi32, #tpu.memory_space<hbm>>
    %dma_start3A_13 = tpu.memref_squeeze %dma_start3A_12 : memref<1x1x78x128xi32, #tpu.memory_space<hbm>> -> memref<78x128xi32, #tpu.memory_space<hbm>>
    %dma_start3A_14 = arith.constant 0 : i32
    %dma_start3A_15 = arith.constant 0 : i32
    %dma_start3A_16 = tpu.memref_slice %arg2[%dma_start3A_9, %add3A, %dma_start3A_14, %dma_start3A_15] : memref<2x32x78x128xi32, #tpu.memory_space<hbm>> -> memref<1x1x78x128xi32, #tpu.memory_space<hbm>>
    %dma_start3A_17 = tpu.memref_squeeze %dma_start3A_16 : memref<1x1x78x128xi32, #tpu.memory_space<hbm>> -> memref<78x128xi32, #tpu.memory_space<hbm>>
    tpu.enqueue_dma source(%dma_start3A_17 : memref<78x128xi32, #tpu.memory_space<hbm>>) target(%arg8 : memref<78x128xi32, #tpu.memory_space<vmem>>) target_semaphore(%arg25 : memref<!tpu.dma_semaphore, #tpu.memory_space<semaphore_mem>>)
    %dma_start3A_18 = arith.constant 0 : i32
    %dma_start3A_19 = arith.constant 0 : i32
    %dma_start3A_20 = tpu.memref_slice %arg3[%dma_start3A_18, %add3A, %dma_start3A_19] : memref<2x32x16xi32, #tpu.memory_space<hbm>> -> memref<1x1x16xi32, #tpu.memory_space<hbm>>
    %dma_start3A_21 = tpu.memref_squeeze %dma_start3A_20 : memref<1x1x16xi32, #tpu.memory_space<hbm>> -> memref<16xi32, #tpu.memory_space<hbm>>
    %dma_start3A_22 = arith.constant 0 : i32
    %dma_start3A_23 = tpu.memref_slice %arg3[%dma_start3A_18, %add3A, %dma_start3A_22] : memref<2x32x16xi32, #tpu.memory_space<hbm>> -> memref<1x1x16xi32, #tpu.memory_space<hbm>>
    %dma_start3A_24 = tpu.memref_squeeze %dma_start3A_23 : memref<1x1x16xi32, #tpu.memory_space<hbm>> -> memref<16xi32, #tpu.memory_space<hbm>>
    tpu.enqueue_dma source(%dma_start3A_24 : memref<16xi32, #tpu.memory_space<hbm>>) target(%arg9 : memref<16xi32, #tpu.memory_space<vmem>>) target_semaphore(%arg25 : memref<!tpu.dma_semaphore, #tpu.memory_space<semaphore_mem>>)
    %dma_start3A_25 = arith.constant 1 : i32
    %dma_start3A_26 = arith.constant 0 : i32
    %dma_start3A_27 = tpu.memref_slice %arg3[%dma_start3A_25, %add3A, %dma_start3A_26] : memref<2x32x16xi32, #tpu.memory_space<hbm>> -> memref<1x1x16xi32, #tpu.memory_space<hbm>>
    %dma_start3A_28 = tpu.memref_squeeze %dma_start3A_27 : memref<1x1x16xi32, #tpu.memory_space<hbm>> -> memref<16xi32, #tpu.memory_space<hbm>>
    %dma_start3A_29 = arith.constant 0 : i32
    %dma_start3A_30 = tpu.memref_slice %arg3[%dma_start3A_25, %add3A, %dma_start3A_29] : memref<2x32x16xi32, #tpu.memory_space<hbm>> -> memref<1x1x16xi32, #tpu.memory_space<hbm>>
    %dma_start3A_31 = tpu.memref_squeeze %dma_start3A_30 : memref<1x1x16xi32, #tpu.memory_space<hbm>> -> memref<16xi32, #tpu.memory_space<hbm>>
    tpu.enqueue_dma source(%dma_start3A_31 : memref<16xi32, #tpu.memory_space<hbm>>) target(%arg10 : memref<16xi32, #tpu.memory_space<vmem>>) target_semaphore(%arg25 : memref<!tpu.dma_semaphore, #tpu.memory_space<semaphore_mem>>)
    %mul3A_32 = arith.constant 640 : i32
    %mul3A_33 = arith.muli %arg1, %mul3A_32 : i32
    %mul3A_34 = arith.constant 640 : i32
    %mul3A_35 = arith.muli %arg1, %mul3A_34 : i32
    "tpu.region"() ({
      %run_scoped3A = tpu.sem_alloc : memref<!tpu.dma_semaphore, #tpu.memory_space<semaphore_mem>>
      %dma_start3A_125 = arith.constant 0 : i32
      %dma_start3A_126 = tpu.memref_slice %arg18[%mul3A_35, %dma_start3A_125] : memref<10240x32xf32, #tpu.memory_space<vmem_shared>> -> memref<640x32xf32, #tpu.memory_space<vmem_shared>>
      %dma_start3A_127 = arith.constant 0 : i32
      %dma_start3A_128 = tpu.memref_slice %arg5[%mul3A_33, %dma_start3A_127] : memref<10240x32xf32, #tpu.memory_space<hbm>> -> memref<640x32xf32, #tpu.memory_space<hbm>>
      tpu.enqueue_dma source(%dma_start3A_128 : memref<640x32xf32, #tpu.memory_space<hbm>>) target(%dma_start3A_126 : memref<640x32xf32, #tpu.memory_space<vmem_shared>>) target_semaphore(%run_scoped3A : memref<!tpu.dma_semaphore, #tpu.memory_space<semaphore_mem>>)
      %dma_wait3A_129 = arith.constant 0 : i32
      %dma_wait3A_130 = tpu.memref_slice %arg18[%mul3A_35, %dma_wait3A_129] : memref<10240x32xf32, #tpu.memory_space<vmem_shared>> -> memref<640x32xf32, #tpu.memory_space<vmem_shared>>
      %dma_wait3A_131 = arith.constant 0 : i32
      %dma_wait3A_132 = tpu.memref_slice %arg5[%mul3A_33, %dma_wait3A_131] : memref<10240x32xf32, #tpu.memory_space<hbm>> -> memref<640x32xf32, #tpu.memory_space<hbm>>
      tpu.wait_dma2 semaphore(%run_scoped3A : memref<!tpu.dma_semaphore, #tpu.memory_space<semaphore_mem>>) src(%dma_wait3A_132 : memref<640x32xf32, #tpu.memory_space<hbm>>) dst(%dma_wait3A_130 : memref<640x32xf32, #tpu.memory_space<vmem_shared>>)
      tpu.yield
    }) : () -> ()
    %dma_wait3A = arith.constant 0 : i32
    %dma_wait3A_36 = arith.constant 0 : i32
    %dma_wait3A_37 = arith.constant 0 : i32
    %dma_wait3A_38 = tpu.memref_slice %arg2[%dma_wait3A, %add3A, %dma_wait3A_36, %dma_wait3A_37] : memref<2x32x78x128xi32, #tpu.memory_space<hbm>> -> memref<1x1x78x128xi32, #tpu.memory_space<hbm>>
    %dma_wait3A_39 = tpu.memref_squeeze %dma_wait3A_38 : memref<1x1x78x128xi32, #tpu.memory_space<hbm>> -> memref<78x128xi32, #tpu.memory_space<hbm>>
    %dma_wait3A_40 = arith.constant 0 : i32
    %dma_wait3A_41 = arith.constant 0 : i32
    %dma_wait3A_42 = tpu.memref_slice %arg2[%dma_wait3A, %add3A, %dma_wait3A_40, %dma_wait3A_41] : memref<2x32x78x128xi32, #tpu.memory_space<hbm>> -> memref<1x1x78x128xi32, #tpu.memory_space<hbm>>
    %dma_wait3A_43 = tpu.memref_squeeze %dma_wait3A_42 : memref<1x1x78x128xi32, #tpu.memory_space<hbm>> -> memref<78x128xi32, #tpu.memory_space<hbm>>
    tpu.wait_dma2 semaphore(%arg25 : memref<!tpu.dma_semaphore, #tpu.memory_space<semaphore_mem>>) src(%dma_wait3A_43 : memref<78x128xi32, #tpu.memory_space<hbm>>) dst(%arg7 : memref<78x128xi32, #tpu.memory_space<vmem>>)
    %dma_wait3A_44 = arith.constant 1 : i32
    %dma_wait3A_45 = arith.constant 0 : i32
    %dma_wait3A_46 = arith.constant 0 : i32
    %dma_wait3A_47 = tpu.memref_slice %arg2[%dma_wait3A_44, %add3A, %dma_wait3A_45, %dma_wait3A_46] : memref<2x32x78x128xi32, #tpu.memory_space<hbm>> -> memref<1x1x78x128xi32, #tpu.memory_space<hbm>>
    %dma_wait3A_48 = tpu.memref_squeeze %dma_wait3A_47 : memref<1x1x78x128xi32, #tpu.memory_space<hbm>> -> memref<78x128xi32, #tpu.memory_space<hbm>>
    %dma_wait3A_49 = arith.constant 0 : i32
    %dma_wait3A_50 = arith.constant 0 : i32
    %dma_wait3A_51 = tpu.memref_slice %arg2[%dma_wait3A_44, %add3A, %dma_wait3A_49, %dma_wait3A_50] : memref<2x32x78x128xi32, #tpu.memory_space<hbm>> -> memref<1x1x78x128xi32, #tpu.memory_space<hbm>>
    %dma_wait3A_52 = tpu.memref_squeeze %dma_wait3A_51 : memref<1x1x78x128xi32, #tpu.memory_space<hbm>> -> memref<78x128xi32, #tpu.memory_space<hbm>>
    tpu.wait_dma2 semaphore(%arg25 : memref<!tpu.dma_semaphore, #tpu.memory_space<semaphore_mem>>) src(%dma_wait3A_52 : memref<78x128xi32, #tpu.memory_space<hbm>>) dst(%arg8 : memref<78x128xi32, #tpu.memory_space<vmem>>)
    %dma_wait3A_53 = arith.constant 0 : i32
    %dma_wait3A_54 = arith.constant 0 : i32
    %dma_wait3A_55 = tpu.memref_slice %arg3[%dma_wait3A_53, %add3A, %dma_wait3A_54] : memref<2x32x16xi32, #tpu.memory_space<hbm>> -> memref<1x1x16xi32, #tpu.memory_space<hbm>>
    %dma_wait3A_56 = tpu.memref_squeeze %dma_wait3A_55 : memref<1x1x16xi32, #tpu.memory_space<hbm>> -> memref<16xi32, #tpu.memory_space<hbm>>
    %dma_wait3A_57 = arith.constant 0 : i32
    %dma_wait3A_58 = tpu.memref_slice %arg3[%dma_wait3A_53, %add3A, %dma_wait3A_57] : memref<2x32x16xi32, #tpu.memory_space<hbm>> -> memref<1x1x16xi32, #tpu.memory_space<hbm>>
    %dma_wait3A_59 = tpu.memref_squeeze %dma_wait3A_58 : memref<1x1x16xi32, #tpu.memory_space<hbm>> -> memref<16xi32, #tpu.memory_space<hbm>>
    tpu.wait_dma2 semaphore(%arg25 : memref<!tpu.dma_semaphore, #tpu.memory_space<semaphore_mem>>) src(%dma_wait3A_59 : memref<16xi32, #tpu.memory_space<hbm>>) dst(%arg9 : memref<16xi32, #tpu.memory_space<vmem>>)
    %dma_wait3A_60 = arith.constant 1 : i32
    %dma_wait3A_61 = arith.constant 0 : i32
    %dma_wait3A_62 = tpu.memref_slice %arg3[%dma_wait3A_60, %add3A, %dma_wait3A_61] : memref<2x32x16xi32, #tpu.memory_space<hbm>> -> memref<1x1x16xi32, #tpu.memory_space<hbm>>
    %dma_wait3A_63 = tpu.memref_squeeze %dma_wait3A_62 : memref<1x1x16xi32, #tpu.memory_space<hbm>> -> memref<16xi32, #tpu.memory_space<hbm>>
    %dma_wait3A_64 = arith.constant 0 : i32
    %dma_wait3A_65 = tpu.memref_slice %arg3[%dma_wait3A_60, %add3A, %dma_wait3A_64] : memref<2x32x16xi32, #tpu.memory_space<hbm>> -> memref<1x1x16xi32, #tpu.memory_space<hbm>>
    %dma_wait3A_66 = tpu.memref_squeeze %dma_wait3A_65 : memref<1x1x16xi32, #tpu.memory_space<hbm>> -> memref<16xi32, #tpu.memory_space<hbm>>
    tpu.wait_dma2 semaphore(%arg25 : memref<!tpu.dma_semaphore, #tpu.memory_space<semaphore_mem>>) src(%dma_wait3A_66 : memref<16xi32, #tpu.memory_space<hbm>>) dst(%arg10 : memref<16xi32, #tpu.memory_space<vmem>>)
    %dma_start3A_67 = arith.constant 0 : i32
    %dma_start3A_68 = arith.constant 0 : i32
    %dma_start3A_69 = tpu.memref_slice %arg7[%dma_start3A_67, %dma_start3A_68] : memref<78x128xi32, #tpu.memory_space<vmem>> -> memref<1x128xi32, #tpu.memory_space<vmem>>
    %dma_start3A_70 = tpu.memref_squeeze %dma_start3A_69 : memref<1x128xi32, #tpu.memory_space<vmem>> -> memref<128xi32, #tpu.memory_space<vmem>>
    %dma_start3A_71 = arith.constant 0 : i32
    %dma_start3A_72 = arith.constant 0 : i32
    %dma_start3A_73 = tpu.memref_slice %arg4[%dma_start3A_71, %dma_start3A_72] : memref<10000x32xf32, #tpu.memory_space<hbm>> -> memref<10000x32xf32, #tpu.memory_space<hbm>>
    tpu.enqueue_indirect_dma source(%dma_start3A_73 : memref<10000x32xf32, #tpu.memory_space<hbm>>) target(%arg12 : memref<128x32xf32, #tpu.memory_space<vmem>>) offsets(%dma_start3A_70 : memref<128xi32, #tpu.memory_space<vmem>>) semaphore(%arg19 : memref<!tpu.dma_semaphore, #tpu.memory_space<semaphore_mem>>)
    %dma_start3A_74 = arith.constant 1 : i32
    %dma_start3A_75 = arith.constant 0 : i32
    %dma_start3A_76 = tpu.memref_slice %arg7[%dma_start3A_74, %dma_start3A_75] : memref<78x128xi32, #tpu.memory_space<vmem>> -> memref<1x128xi32, #tpu.memory_space<vmem>>
    %dma_start3A_77 = tpu.memref_squeeze %dma_start3A_76 : memref<1x128xi32, #tpu.memory_space<vmem>> -> memref<128xi32, #tpu.memory_space<vmem>>
    %dma_start3A_78 = arith.constant 0 : i32
    %dma_start3A_79 = arith.constant 0 : i32
    %dma_start3A_80 = tpu.memref_slice %arg4[%dma_start3A_78, %dma_start3A_79] : memref<10000x32xf32, #tpu.memory_space<hbm>> -> memref<10000x32xf32, #tpu.memory_space<hbm>>
    tpu.enqueue_indirect_dma source(%dma_start3A_80 : memref<10000x32xf32, #tpu.memory_space<hbm>>) target(%arg13 : memref<128x32xf32, #tpu.memory_space<vmem>>) offsets(%dma_start3A_77 : memref<128xi32, #tpu.memory_space<vmem>>) semaphore(%arg20 : memref<!tpu.dma_semaphore, #tpu.memory_space<semaphore_mem>>)
    %dma_start3A_81 = arith.constant 2 : i32
    %dma_start3A_82 = arith.constant 0 : i32
    %dma_start3A_83 = tpu.memref_slice %arg7[%dma_start3A_81, %dma_start3A_82] : memref<78x128xi32, #tpu.memory_space<vmem>> -> memref<1x128xi32, #tpu.memory_space<vmem>>
    %dma_start3A_84 = tpu.memref_squeeze %dma_start3A_83 : memref<1x128xi32, #tpu.memory_space<vmem>> -> memref<128xi32, #tpu.memory_space<vmem>>
    %dma_start3A_85 = arith.constant 0 : i32
    %dma_start3A_86 = arith.constant 0 : i32
    %dma_start3A_87 = tpu.memref_slice %arg4[%dma_start3A_85, %dma_start3A_86] : memref<10000x32xf32, #tpu.memory_space<hbm>> -> memref<10000x32xf32, #tpu.memory_space<hbm>>
    tpu.enqueue_indirect_dma source(%dma_start3A_87 : memref<10000x32xf32, #tpu.memory_space<hbm>>) target(%arg14 : memref<128x32xf32, #tpu.memory_space<vmem>>) offsets(%dma_start3A_84 : memref<128xi32, #tpu.memory_space<vmem>>) semaphore(%arg21 : memref<!tpu.dma_semaphore, #tpu.memory_space<semaphore_mem>>)
    %dma_start3A_88 = arith.constant 3 : i32
    %dma_start3A_89 = arith.constant 0 : i32
    %dma_start3A_90 = tpu.memref_slice %arg7[%dma_start3A_88, %dma_start3A_89] : memref<78x128xi32, #tpu.memory_space<vmem>> -> memref<1x128xi32, #tpu.memory_space<vmem>>
    %dma_start3A_91 = tpu.memref_squeeze %dma_start3A_90 : memref<1x128xi32, #tpu.memory_space<vmem>> -> memref<128xi32, #tpu.memory_space<vmem>>
    %dma_start3A_92 = arith.constant 0 : i32
    %dma_start3A_93 = arith.constant 0 : i32
    %dma_start3A_94 = tpu.memref_slice %arg4[%dma_start3A_92, %dma_start3A_93] : memref<10000x32xf32, #tpu.memory_space<hbm>> -> memref<10000x32xf32, #tpu.memory_space<hbm>>
    tpu.enqueue_indirect_dma source(%dma_start3A_94 : memref<10000x32xf32, #tpu.memory_space<hbm>>) target(%arg15 : memref<128x32xf32, #tpu.memory_space<vmem>>) offsets(%dma_start3A_91 : memref<128xi32, #tpu.memory_space<vmem>>) semaphore(%arg22 : memref<!tpu.dma_semaphore, #tpu.memory_space<semaphore_mem>>)
    %dma_start3A_95 = arith.constant 4 : i32
    %dma_start3A_96 = arith.constant 0 : i32
    %dma_start3A_97 = tpu.memref_slice %arg7[%dma_start3A_95, %dma_start3A_96] : memref<78x128xi32, #tpu.memory_space<vmem>> -> memref<1x128xi32, #tpu.memory_space<vmem>>
    %dma_start3A_98 = tpu.memref_squeeze %dma_start3A_97 : memref<1x128xi32, #tpu.memory_space<vmem>> -> memref<128xi32, #tpu.memory_space<vmem>>
    %dma_start3A_99 = arith.constant 0 : i32
    %dma_start3A_100 = arith.constant 0 : i32
    %dma_start3A_101 = tpu.memref_slice %arg4[%dma_start3A_99, %dma_start3A_100] : memref<10000x32xf32, #tpu.memory_space<hbm>> -> memref<10000x32xf32, #tpu.memory_space<hbm>>
    tpu.enqueue_indirect_dma source(%dma_start3A_101 : memref<10000x32xf32, #tpu.memory_space<hbm>>) target(%arg16 : memref<128x32xf32, #tpu.memory_space<vmem>>) offsets(%dma_start3A_98 : memref<128xi32, #tpu.memory_space<vmem>>) semaphore(%arg23 : memref<!tpu.dma_semaphore, #tpu.memory_space<semaphore_mem>>)
    %dma_start3A_102 = arith.constant 5 : i32
    %dma_start3A_103 = arith.constant 0 : i32
    %dma_start3A_104 = tpu.memref_slice %arg7[%dma_start3A_102, %dma_start3A_103] : memref<78x128xi32, #tpu.memory_space<vmem>> -> memref<1x128xi32, #tpu.memory_space<vmem>>
    %dma_start3A_105 = tpu.memref_squeeze %dma_start3A_104 : memref<1x128xi32, #tpu.memory_space<vmem>> -> memref<128xi32, #tpu.memory_space<vmem>>
    %dma_start3A_106 = arith.constant 0 : i32
    %dma_start3A_107 = arith.constant 0 : i32
    %dma_start3A_108 = tpu.memref_slice %arg4[%dma_start3A_106, %dma_start3A_107] : memref<10000x32xf32, #tpu.memory_space<hbm>> -> memref<10000x32xf32, #tpu.memory_space<hbm>>
    tpu.enqueue_indirect_dma source(%dma_start3A_108 : memref<10000x32xf32, #tpu.memory_space<hbm>>) target(%arg17 : memref<128x32xf32, #tpu.memory_space<vmem>>) offsets(%dma_start3A_105 : memref<128xi32, #tpu.memory_space<vmem>>) semaphore(%arg24 : memref<!tpu.dma_semaphore, #tpu.memory_space<semaphore_mem>>)
    %dma_start3A_109 = arith.constant 0 : i32
    %dma_start3A_110 = arith.constant 0 : i32
    %dma_start3A_111 = tpu.memref_slice %arg4[%dma_start3A_109, %dma_start3A_110] : memref<10000x32xf32, #tpu.memory_space<hbm>> -> memref<10000x32xf32, #tpu.memory_space<hbm>>
    tpu.enqueue_indirect_dma source(%dma_start3A_111 : memref<10000x32xf32, #tpu.memory_space<hbm>>) target(%arg11 : memref<16x32xf32, #tpu.memory_space<vmem>>) offsets(%arg9 : memref<16xi32, #tpu.memory_space<vmem>>) semaphore(%arg25 : memref<!tpu.dma_semaphore, #tpu.memory_space<semaphore_mem>>)
    %barrier3A = arith.constant 0 : index
    tpu.barrier barrier_id(%barrier3A)
    %scan3A = arith.constant 0 : i32
    %scan3A_112 = arith.constant 0 : i32
    %scan3A_113 = arith.constant 13 : i32
    %scan3A_114 = arith.addi %scan3A_112, %scan3A_113 : i32
    %scan3A_115 = arith.constant 1 : i32
    scf.for %scan3A_125 = %scan3A_112 to %scan3A_114 step %scan3A_115  : i32 {
      %mul3A_126 = arith.constant 6 : i32
      %mul3A_127 = arith.muli %scan3A_125, %mul3A_126 : i32
      %add3A_128 = arith.constant 0 : i32
      %add3A_129 = arith.addi %mul3A_127, %add3A_128 : i32
      %dma_wait3A_130 = arith.constant 0 : i32
      %dma_wait3A_131 = tpu.memref_slice %arg7[%add3A_129, %dma_wait3A_130] : memref<78x128xi32, #tpu.memory_space<vmem>> -> memref<1x128xi32, #tpu.memory_space<vmem>>
      %dma_wait3A_132 = tpu.memref_squeeze %dma_wait3A_131 : memref<1x128xi32, #tpu.memory_space<vmem>> -> memref<128xi32, #tpu.memory_space<vmem>>
      %dma_wait3A_133 = arith.constant 0 : i32
      %dma_wait3A_134 = arith.constant 0 : i32
      %dma_wait3A_135 = tpu.memref_slice %arg4[%dma_wait3A_133, %dma_wait3A_134] : memref<10000x32xf32, #tpu.memory_space<hbm>> -> memref<10000x32xf32, #tpu.memory_space<hbm>>
      tpu.wait_indirect_dma semaphore(%arg19 : memref<!tpu.dma_semaphore, #tpu.memory_space<semaphore_mem>>) src(%dma_wait3A_135 : memref<10000x32xf32, #tpu.memory_space<hbm>>) dst(%arg12 : memref<128x32xf32, #tpu.memory_space<vmem>>)
      "tpu.region"() ({
        %run_scoped3A = tpu.sem_alloc : memref<!tpu.dma_semaphore, #tpu.memory_space<semaphore_mem>>
        %dma_start3A_225 = arith.constant 0 : i32
        %dma_start3A_226 = tpu.memref_slice %arg8[%add3A_129, %dma_start3A_225] : memref<78x128xi32, #tpu.memory_space<vmem>> -> memref<1x128xi32, #tpu.memory_space<vmem>>
        %dma_start3A_227 = tpu.memref_squeeze %dma_start3A_226 : memref<1x128xi32, #tpu.memory_space<vmem>> -> memref<128xi32, #tpu.memory_space<vmem>>
        %dma_start3A_228 = arith.constant 0 : i32
        %dma_start3A_229 = arith.constant 0 : i32
        %dma_start3A_230 = tpu.memref_slice %arg18[%dma_start3A_228, %dma_start3A_229] : memref<10240x32xf32, #tpu.memory_space<vmem_shared>> -> memref<10240x32xf32, #tpu.memory_space<vmem_shared>>
        tpu.enqueue_indirect_dma source(%arg12 : memref<128x32xf32, #tpu.memory_space<vmem>>) target(%dma_start3A_230 : memref<10240x32xf32, #tpu.memory_space<vmem_shared>>) offsets(%dma_start3A_227 : memref<128xi32, #tpu.memory_space<vmem>>) semaphore(%run_scoped3A : memref<!tpu.dma_semaphore, #tpu.memory_space<semaphore_mem>>) {add = true}
        %dma_wait3A_231 = arith.constant 0 : i32
        %dma_wait3A_232 = tpu.memref_slice %arg8[%add3A_129, %dma_wait3A_231] : memref<78x128xi32, #tpu.memory_space<vmem>> -> memref<1x128xi32, #tpu.memory_space<vmem>>
        %dma_wait3A_233 = tpu.memref_squeeze %dma_wait3A_232 : memref<1x128xi32, #tpu.memory_space<vmem>> -> memref<128xi32, #tpu.memory_space<vmem>>
        %dma_wait3A_234 = arith.constant 0 : i32
        %dma_wait3A_235 = arith.constant 0 : i32
        %dma_wait3A_236 = tpu.memref_slice %arg18[%dma_wait3A_234, %dma_wait3A_235] : memref<10240x32xf32, #tpu.memory_space<vmem_shared>> -> memref<10240x32xf32, #tpu.memory_space<vmem_shared>>
        tpu.wait_indirect_dma semaphore(%run_scoped3A : memref<!tpu.dma_semaphore, #tpu.memory_space<semaphore_mem>>) src(%arg12 : memref<128x32xf32, #tpu.memory_space<vmem>>) dst(%dma_wait3A_236 : memref<10240x32xf32, #tpu.memory_space<vmem_shared>>)
        tpu.yield
      }) : () -> ()
      %add3A_136 = arith.constant 6 : i32
      %add3A_137 = arith.addi %add3A_129, %add3A_136 : i32
      %lt3A = arith.constant 78 : i32
      %lt3A_138 = arith.cmpi slt, %add3A_137, %lt3A : i32
      %convert_element_type3A = arith.extui %lt3A_138 : i1 to i32
      %cond3A = arith.constant 0 : i32
      %cond3A_139 = arith.cmpi ne, %convert_element_type3A, %cond3A : i32
      scf.if %cond3A_139 {
        %add3A_225 = arith.constant 6 : i32
        %add3A_226 = arith.addi %add3A_129, %add3A_225 : i32
        %dma_start3A_227 = arith.constant 0 : i32
        %dma_start3A_228 = tpu.memref_slice %arg7[%add3A_226, %dma_start3A_227] : memref<78x128xi32, #tpu.memory_space<vmem>> -> memref<1x128xi32, #tpu.memory_space<vmem>>
        %dma_start3A_229 = tpu.memref_squeeze %dma_start3A_228 : memref<1x128xi32, #tpu.memory_space<vmem>> -> memref<128xi32, #tpu.memory_space<vmem>>
        %dma_start3A_230 = arith.constant 0 : i32
        %dma_start3A_231 = arith.constant 0 : i32
        %dma_start3A_232 = tpu.memref_slice %arg4[%dma_start3A_230, %dma_start3A_231] : memref<10000x32xf32, #tpu.memory_space<hbm>> -> memref<10000x32xf32, #tpu.memory_space<hbm>>
        tpu.enqueue_indirect_dma source(%dma_start3A_232 : memref<10000x32xf32, #tpu.memory_space<hbm>>) target(%arg12 : memref<128x32xf32, #tpu.memory_space<vmem>>) offsets(%dma_start3A_229 : memref<128xi32, #tpu.memory_space<vmem>>) semaphore(%arg19 : memref<!tpu.dma_semaphore, #tpu.memory_space<semaphore_mem>>)
      } else {
      }
      %mul3A_140 = arith.constant 6 : i32
      %mul3A_141 = arith.muli %scan3A_125, %mul3A_140 : i32
      %add3A_142 = arith.constant 1 : i32
      %add3A_143 = arith.addi %mul3A_141, %add3A_142 : i32
      %dma_wait3A_144 = arith.constant 0 : i32
      %dma_wait3A_145 = tpu.memref_slice %arg7[%add3A_143, %dma_wait3A_144] : memref<78x128xi32, #tpu.memory_space<vmem>> -> memref<1x128xi32, #tpu.memory_space<vmem>>
      %dma_wait3A_146 = tpu.memref_squeeze %dma_wait3A_145 : memref<1x128xi32, #tpu.memory_space<vmem>> -> memref<128xi32, #tpu.memory_space<vmem>>
      %dma_wait3A_147 = arith.constant 0 : i32
      %dma_wait3A_148 = arith.constant 0 : i32
      %dma_wait3A_149 = tpu.memref_slice %arg4[%dma_wait3A_147, %dma_wait3A_148] : memref<10000x32xf32, #tpu.memory_space<hbm>> -> memref<10000x32xf32, #tpu.memory_space<hbm>>
      tpu.wait_indirect_dma semaphore(%arg20 : memref<!tpu.dma_semaphore, #tpu.memory_space<semaphore_mem>>) src(%dma_wait3A_149 : memref<10000x32xf32, #tpu.memory_space<hbm>>) dst(%arg13 : memref<128x32xf32, #tpu.memory_space<vmem>>)
      "tpu.region"() ({
        %run_scoped3A = tpu.sem_alloc : memref<!tpu.dma_semaphore, #tpu.memory_space<semaphore_mem>>
        %dma_start3A_225 = arith.constant 0 : i32
        %dma_start3A_226 = tpu.memref_slice %arg8[%add3A_143, %dma_start3A_225] : memref<78x128xi32, #tpu.memory_space<vmem>> -> memref<1x128xi32, #tpu.memory_space<vmem>>
        %dma_start3A_227 = tpu.memref_squeeze %dma_start3A_226 : memref<1x128xi32, #tpu.memory_space<vmem>> -> memref<128xi32, #tpu.memory_space<vmem>>
        %dma_start3A_228 = arith.constant 0 : i32
        %dma_start3A_229 = arith.constant 0 : i32
        %dma_start3A_230 = tpu.memref_slice %arg18[%dma_start3A_228, %dma_start3A_229] : memref<10240x32xf32, #tpu.memory_space<vmem_shared>> -> memref<10240x32xf32, #tpu.memory_space<vmem_shared>>
        tpu.enqueue_indirect_dma source(%arg13 : memref<128x32xf32, #tpu.memory_space<vmem>>) target(%dma_start3A_230 : memref<10240x32xf32, #tpu.memory_space<vmem_shared>>) offsets(%dma_start3A_227 : memref<128xi32, #tpu.memory_space<vmem>>) semaphore(%run_scoped3A : memref<!tpu.dma_semaphore, #tpu.memory_space<semaphore_mem>>) {add = true}
        %dma_wait3A_231 = arith.constant 0 : i32
        %dma_wait3A_232 = tpu.memref_slice %arg8[%add3A_143, %dma_wait3A_231] : memref<78x128xi32, #tpu.memory_space<vmem>> -> memref<1x128xi32, #tpu.memory_space<vmem>>
        %dma_wait3A_233 = tpu.memref_squeeze %dma_wait3A_232 : memref<1x128xi32, #tpu.memory_space<vmem>> -> memref<128xi32, #tpu.memory_space<vmem>>
        %dma_wait3A_234 = arith.constant 0 : i32
        %dma_wait3A_235 = arith.constant 0 : i32
        %dma_wait3A_236 = tpu.memref_slice %arg18[%dma_wait3A_234, %dma_wait3A_235] : memref<10240x32xf32, #tpu.memory_space<vmem_shared>> -> memref<10240x32xf32, #tpu.memory_space<vmem_shared>>
        tpu.wait_indirect_dma semaphore(%run_scoped3A : memref<!tpu.dma_semaphore, #tpu.memory_space<semaphore_mem>>) src(%arg13 : memref<128x32xf32, #tpu.memory_space<vmem>>) dst(%dma_wait3A_236 : memref<10240x32xf32, #tpu.memory_space<vmem_shared>>)
        tpu.yield
      }) : () -> ()
      %add3A_150 = arith.constant 6 : i32
      %add3A_151 = arith.addi %add3A_143, %add3A_150 : i32
      %lt3A_152 = arith.constant 78 : i32
      %lt3A_153 = arith.cmpi slt, %add3A_151, %lt3A_152 : i32
      %convert_element_type3A_154 = arith.extui %lt3A_153 : i1 to i32
      %cond3A_155 = arith.constant 0 : i32
      %cond3A_156 = arith.cmpi ne, %convert_element_type3A_154, %cond3A_155 : i32
      scf.if %cond3A_156 {
        %add3A_225 = arith.constant 6 : i32
        %add3A_226 = arith.addi %add3A_143, %add3A_225 : i32
        %dma_start3A_227 = arith.constant 0 : i32
        %dma_start3A_228 = tpu.memref_slice %arg7[%add3A_226, %dma_start3A_227] : memref<78x128xi32, #tpu.memory_space<vmem>> -> memref<1x128xi32, #tpu.memory_space<vmem>>
        %dma_start3A_229 = tpu.memref_squeeze %dma_start3A_228 : memref<1x128xi32, #tpu.memory_space<vmem>> -> memref<128xi32, #tpu.memory_space<vmem>>
        %dma_start3A_230 = arith.constant 0 : i32
        %dma_start3A_231 = arith.constant 0 : i32
        %dma_start3A_232 = tpu.memref_slice %arg4[%dma_start3A_230, %dma_start3A_231] : memref<10000x32xf32, #tpu.memory_space<hbm>> -> memref<10000x32xf32, #tpu.memory_space<hbm>>
        tpu.enqueue_indirect_dma source(%dma_start3A_232 : memref<10000x32xf32, #tpu.memory_space<hbm>>) target(%arg13 : memref<128x32xf32, #tpu.memory_space<vmem>>) offsets(%dma_start3A_229 : memref<128xi32, #tpu.memory_space<vmem>>) semaphore(%arg20 : memref<!tpu.dma_semaphore, #tpu.memory_space<semaphore_mem>>)
      } else {
      }
      %mul3A_157 = arith.constant 6 : i32
      %mul3A_158 = arith.muli %scan3A_125, %mul3A_157 : i32
      %add3A_159 = arith.constant 2 : i32
      %add3A_160 = arith.addi %mul3A_158, %add3A_159 : i32
      %dma_wait3A_161 = arith.constant 0 : i32
      %dma_wait3A_162 = tpu.memref_slice %arg7[%add3A_160, %dma_wait3A_161] : memref<78x128xi32, #tpu.memory_space<vmem>> -> memref<1x128xi32, #tpu.memory_space<vmem>>
      %dma_wait3A_163 = tpu.memref_squeeze %dma_wait3A_162 : memref<1x128xi32, #tpu.memory_space<vmem>> -> memref<128xi32, #tpu.memory_space<vmem>>
      %dma_wait3A_164 = arith.constant 0 : i32
      %dma_wait3A_165 = arith.constant 0 : i32
      %dma_wait3A_166 = tpu.memref_slice %arg4[%dma_wait3A_164, %dma_wait3A_165] : memref<10000x32xf32, #tpu.memory_space<hbm>> -> memref<10000x32xf32, #tpu.memory_space<hbm>>
      tpu.wait_indirect_dma semaphore(%arg21 : memref<!tpu.dma_semaphore, #tpu.memory_space<semaphore_mem>>) src(%dma_wait3A_166 : memref<10000x32xf32, #tpu.memory_space<hbm>>) dst(%arg14 : memref<128x32xf32, #tpu.memory_space<vmem>>)
      "tpu.region"() ({
        %run_scoped3A = tpu.sem_alloc : memref<!tpu.dma_semaphore, #tpu.memory_space<semaphore_mem>>
        %dma_start3A_225 = arith.constant 0 : i32
        %dma_start3A_226 = tpu.memref_slice %arg8[%add3A_160, %dma_start3A_225] : memref<78x128xi32, #tpu.memory_space<vmem>> -> memref<1x128xi32, #tpu.memory_space<vmem>>
        %dma_start3A_227 = tpu.memref_squeeze %dma_start3A_226 : memref<1x128xi32, #tpu.memory_space<vmem>> -> memref<128xi32, #tpu.memory_space<vmem>>
        %dma_start3A_228 = arith.constant 0 : i32
        %dma_start3A_229 = arith.constant 0 : i32
        %dma_start3A_230 = tpu.memref_slice %arg18[%dma_start3A_228, %dma_start3A_229] : memref<10240x32xf32, #tpu.memory_space<vmem_shared>> -> memref<10240x32xf32, #tpu.memory_space<vmem_shared>>
        tpu.enqueue_indirect_dma source(%arg14 : memref<128x32xf32, #tpu.memory_space<vmem>>) target(%dma_start3A_230 : memref<10240x32xf32, #tpu.memory_space<vmem_shared>>) offsets(%dma_start3A_227 : memref<128xi32, #tpu.memory_space<vmem>>) semaphore(%run_scoped3A : memref<!tpu.dma_semaphore, #tpu.memory_space<semaphore_mem>>) {add = true}
        %dma_wait3A_231 = arith.constant 0 : i32
        %dma_wait3A_232 = tpu.memref_slice %arg8[%add3A_160, %dma_wait3A_231] : memref<78x128xi32, #tpu.memory_space<vmem>> -> memref<1x128xi32, #tpu.memory_space<vmem>>
        %dma_wait3A_233 = tpu.memref_squeeze %dma_wait3A_232 : memref<1x128xi32, #tpu.memory_space<vmem>> -> memref<128xi32, #tpu.memory_space<vmem>>
        %dma_wait3A_234 = arith.constant 0 : i32
        %dma_wait3A_235 = arith.constant 0 : i32
        %dma_wait3A_236 = tpu.memref_slice %arg18[%dma_wait3A_234, %dma_wait3A_235] : memref<10240x32xf32, #tpu.memory_space<vmem_shared>> -> memref<10240x32xf32, #tpu.memory_space<vmem_shared>>
        tpu.wait_indirect_dma semaphore(%run_scoped3A : memref<!tpu.dma_semaphore, #tpu.memory_space<semaphore_mem>>) src(%arg14 : memref<128x32xf32, #tpu.memory_space<vmem>>) dst(%dma_wait3A_236 : memref<10240x32xf32, #tpu.memory_space<vmem_shared>>)
        tpu.yield
      }) : () -> ()
      %add3A_167 = arith.constant 6 : i32
      %add3A_168 = arith.addi %add3A_160, %add3A_167 : i32
      %lt3A_169 = arith.constant 78 : i32
      %lt3A_170 = arith.cmpi slt, %add3A_168, %lt3A_169 : i32
      %convert_element_type3A_171 = arith.extui %lt3A_170 : i1 to i32
      %cond3A_172 = arith.constant 0 : i32
      %cond3A_173 = arith.cmpi ne, %convert_element_type3A_171, %cond3A_172 : i32
      scf.if %cond3A_173 {
        %add3A_225 = arith.constant 6 : i32
        %add3A_226 = arith.addi %add3A_160, %add3A_225 : i32
        %dma_start3A_227 = arith.constant 0 : i32
        %dma_start3A_228 = tpu.memref_slice %arg7[%add3A_226, %dma_start3A_227] : memref<78x128xi32, #tpu.memory_space<vmem>> -> memref<1x128xi32, #tpu.memory_space<vmem>>
        %dma_start3A_229 = tpu.memref_squeeze %dma_start3A_228 : memref<1x128xi32, #tpu.memory_space<vmem>> -> memref<128xi32, #tpu.memory_space<vmem>>
        %dma_start3A_230 = arith.constant 0 : i32
        %dma_start3A_231 = arith.constant 0 : i32
        %dma_start3A_232 = tpu.memref_slice %arg4[%dma_start3A_230, %dma_start3A_231] : memref<10000x32xf32, #tpu.memory_space<hbm>> -> memref<10000x32xf32, #tpu.memory_space<hbm>>
        tpu.enqueue_indirect_dma source(%dma_start3A_232 : memref<10000x32xf32, #tpu.memory_space<hbm>>) target(%arg14 : memref<128x32xf32, #tpu.memory_space<vmem>>) offsets(%dma_start3A_229 : memref<128xi32, #tpu.memory_space<vmem>>) semaphore(%arg21 : memref<!tpu.dma_semaphore, #tpu.memory_space<semaphore_mem>>)
      } else {
      }
      %mul3A_174 = arith.constant 6 : i32
      %mul3A_175 = arith.muli %scan3A_125, %mul3A_174 : i32
      %add3A_176 = arith.constant 3 : i32
      %add3A_177 = arith.addi %mul3A_175, %add3A_176 : i32
      %dma_wait3A_178 = arith.constant 0 : i32
      %dma_wait3A_179 = tpu.memref_slice %arg7[%add3A_177, %dma_wait3A_178] : memref<78x128xi32, #tpu.memory_space<vmem>> -> memref<1x128xi32, #tpu.memory_space<vmem>>
      %dma_wait3A_180 = tpu.memref_squeeze %dma_wait3A_179 : memref<1x128xi32, #tpu.memory_space<vmem>> -> memref<128xi32, #tpu.memory_space<vmem>>
      %dma_wait3A_181 = arith.constant 0 : i32
      %dma_wait3A_182 = arith.constant 0 : i32
      %dma_wait3A_183 = tpu.memref_slice %arg4[%dma_wait3A_181, %dma_wait3A_182] : memref<10000x32xf32, #tpu.memory_space<hbm>> -> memref<10000x32xf32, #tpu.memory_space<hbm>>
      tpu.wait_indirect_dma semaphore(%arg22 : memref<!tpu.dma_semaphore, #tpu.memory_space<semaphore_mem>>) src(%dma_wait3A_183 : memref<10000x32xf32, #tpu.memory_space<hbm>>) dst(%arg15 : memref<128x32xf32, #tpu.memory_space<vmem>>)
      "tpu.region"() ({
        %run_scoped3A = tpu.sem_alloc : memref<!tpu.dma_semaphore, #tpu.memory_space<semaphore_mem>>
        %dma_start3A_225 = arith.constant 0 : i32
        %dma_start3A_226 = tpu.memref_slice %arg8[%add3A_177, %dma_start3A_225] : memref<78x128xi32, #tpu.memory_space<vmem>> -> memref<1x128xi32, #tpu.memory_space<vmem>>
        %dma_start3A_227 = tpu.memref_squeeze %dma_start3A_226 : memref<1x128xi32, #tpu.memory_space<vmem>> -> memref<128xi32, #tpu.memory_space<vmem>>
        %dma_start3A_228 = arith.constant 0 : i32
        %dma_start3A_229 = arith.constant 0 : i32
        %dma_start3A_230 = tpu.memref_slice %arg18[%dma_start3A_228, %dma_start3A_229] : memref<10240x32xf32, #tpu.memory_space<vmem_shared>> -> memref<10240x32xf32, #tpu.memory_space<vmem_shared>>
        tpu.enqueue_indirect_dma source(%arg15 : memref<128x32xf32, #tpu.memory_space<vmem>>) target(%dma_start3A_230 : memref<10240x32xf32, #tpu.memory_space<vmem_shared>>) offsets(%dma_start3A_227 : memref<128xi32, #tpu.memory_space<vmem>>) semaphore(%run_scoped3A : memref<!tpu.dma_semaphore, #tpu.memory_space<semaphore_mem>>) {add = true}
        %dma_wait3A_231 = arith.constant 0 : i32
        %dma_wait3A_232 = tpu.memref_slice %arg8[%add3A_177, %dma_wait3A_231] : memref<78x128xi32, #tpu.memory_space<vmem>> -> memref<1x128xi32, #tpu.memory_space<vmem>>
        %dma_wait3A_233 = tpu.memref_squeeze %dma_wait3A_232 : memref<1x128xi32, #tpu.memory_space<vmem>> -> memref<128xi32, #tpu.memory_space<vmem>>
        %dma_wait3A_234 = arith.constant 0 : i32
        %dma_wait3A_235 = arith.constant 0 : i32
        %dma_wait3A_236 = tpu.memref_slice %arg18[%dma_wait3A_234, %dma_wait3A_235] : memref<10240x32xf32, #tpu.memory_space<vmem_shared>> -> memref<10240x32xf32, #tpu.memory_space<vmem_shared>>
        tpu.wait_indirect_dma semaphore(%run_scoped3A : memref<!tpu.dma_semaphore, #tpu.memory_space<semaphore_mem>>) src(%arg15 : memref<128x32xf32, #tpu.memory_space<vmem>>) dst(%dma_wait3A_236 : memref<10240x32xf32, #tpu.memory_space<vmem_shared>>)
        tpu.yield
      }) : () -> ()
      %add3A_184 = arith.constant 6 : i32
      %add3A_185 = arith.addi %add3A_177, %add3A_184 : i32
      %lt3A_186 = arith.constant 78 : i32
      %lt3A_187 = arith.cmpi slt, %add3A_185, %lt3A_186 : i32
      %convert_element_type3A_188 = arith.extui %lt3A_187 : i1 to i32
      %cond3A_189 = arith.constant 0 : i32
      %cond3A_190 = arith.cmpi ne, %convert_element_type3A_188, %cond3A_189 : i32
      scf.if %cond3A_190 {
        %add3A_225 = arith.constant 6 : i32
        %add3A_226 = arith.addi %add3A_177, %add3A_225 : i32
        %dma_start3A_227 = arith.constant 0 : i32
        %dma_start3A_228 = tpu.memref_slice %arg7[%add3A_226, %dma_start3A_227] : memref<78x128xi32, #tpu.memory_space<vmem>> -> memref<1x128xi32, #tpu.memory_space<vmem>>
        %dma_start3A_229 = tpu.memref_squeeze %dma_start3A_228 : memref<1x128xi32, #tpu.memory_space<vmem>> -> memref<128xi32, #tpu.memory_space<vmem>>
        %dma_start3A_230 = arith.constant 0 : i32
        %dma_start3A_231 = arith.constant 0 : i32
        %dma_start3A_232 = tpu.memref_slice %arg4[%dma_start3A_230, %dma_start3A_231] : memref<10000x32xf32, #tpu.memory_space<hbm>> -> memref<10000x32xf32, #tpu.memory_space<hbm>>
        tpu.enqueue_indirect_dma source(%dma_start3A_232 : memref<10000x32xf32, #tpu.memory_space<hbm>>) target(%arg15 : memref<128x32xf32, #tpu.memory_space<vmem>>) offsets(%dma_start3A_229 : memref<128xi32, #tpu.memory_space<vmem>>) semaphore(%arg22 : memref<!tpu.dma_semaphore, #tpu.memory_space<semaphore_mem>>)
      } else {
      }
      %mul3A_191 = arith.constant 6 : i32
      %mul3A_192 = arith.muli %scan3A_125, %mul3A_191 : i32
      %add3A_193 = arith.constant 4 : i32
      %add3A_194 = arith.addi %mul3A_192, %add3A_193 : i32
      %dma_wait3A_195 = arith.constant 0 : i32
      %dma_wait3A_196 = tpu.memref_slice %arg7[%add3A_194, %dma_wait3A_195] : memref<78x128xi32, #tpu.memory_space<vmem>> -> memref<1x128xi32, #tpu.memory_space<vmem>>
      %dma_wait3A_197 = tpu.memref_squeeze %dma_wait3A_196 : memref<1x128xi32, #tpu.memory_space<vmem>> -> memref<128xi32, #tpu.memory_space<vmem>>
      %dma_wait3A_198 = arith.constant 0 : i32
      %dma_wait3A_199 = arith.constant 0 : i32
      %dma_wait3A_200 = tpu.memref_slice %arg4[%dma_wait3A_198, %dma_wait3A_199] : memref<10000x32xf32, #tpu.memory_space<hbm>> -> memref<10000x32xf32, #tpu.memory_space<hbm>>
      tpu.wait_indirect_dma semaphore(%arg23 : memref<!tpu.dma_semaphore, #tpu.memory_space<semaphore_mem>>) src(%dma_wait3A_200 : memref<10000x32xf32, #tpu.memory_space<hbm>>) dst(%arg16 : memref<128x32xf32, #tpu.memory_space<vmem>>)
      "tpu.region"() ({
        %run_scoped3A = tpu.sem_alloc : memref<!tpu.dma_semaphore, #tpu.memory_space<semaphore_mem>>
        %dma_start3A_225 = arith.constant 0 : i32
        %dma_start3A_226 = tpu.memref_slice %arg8[%add3A_194, %dma_start3A_225] : memref<78x128xi32, #tpu.memory_space<vmem>> -> memref<1x128xi32, #tpu.memory_space<vmem>>
        %dma_start3A_227 = tpu.memref_squeeze %dma_start3A_226 : memref<1x128xi32, #tpu.memory_space<vmem>> -> memref<128xi32, #tpu.memory_space<vmem>>
        %dma_start3A_228 = arith.constant 0 : i32
        %dma_start3A_229 = arith.constant 0 : i32
        %dma_start3A_230 = tpu.memref_slice %arg18[%dma_start3A_228, %dma_start3A_229] : memref<10240x32xf32, #tpu.memory_space<vmem_shared>> -> memref<10240x32xf32, #tpu.memory_space<vmem_shared>>
        tpu.enqueue_indirect_dma source(%arg16 : memref<128x32xf32, #tpu.memory_space<vmem>>) target(%dma_start3A_230 : memref<10240x32xf32, #tpu.memory_space<vmem_shared>>) offsets(%dma_start3A_227 : memref<128xi32, #tpu.memory_space<vmem>>) semaphore(%run_scoped3A : memref<!tpu.dma_semaphore, #tpu.memory_space<semaphore_mem>>) {add = true}
        %dma_wait3A_231 = arith.constant 0 : i32
        %dma_wait3A_232 = tpu.memref_slice %arg8[%add3A_194, %dma_wait3A_231] : memref<78x128xi32, #tpu.memory_space<vmem>> -> memref<1x128xi32, #tpu.memory_space<vmem>>
        %dma_wait3A_233 = tpu.memref_squeeze %dma_wait3A_232 : memref<1x128xi32, #tpu.memory_space<vmem>> -> memref<128xi32, #tpu.memory_space<vmem>>
        %dma_wait3A_234 = arith.constant 0 : i32
        %dma_wait3A_235 = arith.constant 0 : i32
        %dma_wait3A_236 = tpu.memref_slice %arg18[%dma_wait3A_234, %dma_wait3A_235] : memref<10240x32xf32, #tpu.memory_space<vmem_shared>> -> memref<10240x32xf32, #tpu.memory_space<vmem_shared>>
        tpu.wait_indirect_dma semaphore(%run_scoped3A : memref<!tpu.dma_semaphore, #tpu.memory_space<semaphore_mem>>) src(%arg16 : memref<128x32xf32, #tpu.memory_space<vmem>>) dst(%dma_wait3A_236 : memref<10240x32xf32, #tpu.memory_space<vmem_shared>>)
        tpu.yield
      }) : () -> ()
      %add3A_201 = arith.constant 6 : i32
      %add3A_202 = arith.addi %add3A_194, %add3A_201 : i32
      %lt3A_203 = arith.constant 78 : i32
      %lt3A_204 = arith.cmpi slt, %add3A_202, %lt3A_203 : i32
      %convert_element_type3A_205 = arith.extui %lt3A_204 : i1 to i32
      %cond3A_206 = arith.constant 0 : i32
      %cond3A_207 = arith.cmpi ne, %convert_element_type3A_205, %cond3A_206 : i32
      scf.if %cond3A_207 {
        %add3A_225 = arith.constant 6 : i32
        %add3A_226 = arith.addi %add3A_194, %add3A_225 : i32
        %dma_start3A_227 = arith.constant 0 : i32
        %dma_start3A_228 = tpu.memref_slice %arg7[%add3A_226, %dma_start3A_227] : memref<78x128xi32, #tpu.memory_space<vmem>> -> memref<1x128xi32, #tpu.memory_space<vmem>>
        %dma_start3A_229 = tpu.memref_squeeze %dma_start3A_228 : memref<1x128xi32, #tpu.memory_space<vmem>> -> memref<128xi32, #tpu.memory_space<vmem>>
        %dma_start3A_230 = arith.constant 0 : i32
        %dma_start3A_231 = arith.constant 0 : i32
        %dma_start3A_232 = tpu.memref_slice %arg4[%dma_start3A_230, %dma_start3A_231] : memref<10000x32xf32, #tpu.memory_space<hbm>> -> memref<10000x32xf32, #tpu.memory_space<hbm>>
        tpu.enqueue_indirect_dma source(%dma_start3A_232 : memref<10000x32xf32, #tpu.memory_space<hbm>>) target(%arg16 : memref<128x32xf32, #tpu.memory_space<vmem>>) offsets(%dma_start3A_229 : memref<128xi32, #tpu.memory_space<vmem>>) semaphore(%arg23 : memref<!tpu.dma_semaphore, #tpu.memory_space<semaphore_mem>>)
      } else {
      }
      %mul3A_208 = arith.constant 6 : i32
      %mul3A_209 = arith.muli %scan3A_125, %mul3A_208 : i32
      %add3A_210 = arith.constant 5 : i32
      %add3A_211 = arith.addi %mul3A_209, %add3A_210 : i32
      %dma_wait3A_212 = arith.constant 0 : i32
      %dma_wait3A_213 = tpu.memref_slice %arg7[%add3A_211, %dma_wait3A_212] : memref<78x128xi32, #tpu.memory_space<vmem>> -> memref<1x128xi32, #tpu.memory_space<vmem>>
      %dma_wait3A_214 = tpu.memref_squeeze %dma_wait3A_213 : memref<1x128xi32, #tpu.memory_space<vmem>> -> memref<128xi32, #tpu.memory_space<vmem>>
      %dma_wait3A_215 = arith.constant 0 : i32
      %dma_wait3A_216 = arith.constant 0 : i32
      %dma_wait3A_217 = tpu.memref_slice %arg4[%dma_wait3A_215, %dma_wait3A_216] : memref<10000x32xf32, #tpu.memory_space<hbm>> -> memref<10000x32xf32, #tpu.memory_space<hbm>>
      tpu.wait_indirect_dma semaphore(%arg24 : memref<!tpu.dma_semaphore, #tpu.memory_space<semaphore_mem>>) src(%dma_wait3A_217 : memref<10000x32xf32, #tpu.memory_space<hbm>>) dst(%arg17 : memref<128x32xf32, #tpu.memory_space<vmem>>)
      "tpu.region"() ({
        %run_scoped3A = tpu.sem_alloc : memref<!tpu.dma_semaphore, #tpu.memory_space<semaphore_mem>>
        %dma_start3A_225 = arith.constant 0 : i32
        %dma_start3A_226 = tpu.memref_slice %arg8[%add3A_211, %dma_start3A_225] : memref<78x128xi32, #tpu.memory_space<vmem>> -> memref<1x128xi32, #tpu.memory_space<vmem>>
        %dma_start3A_227 = tpu.memref_squeeze %dma_start3A_226 : memref<1x128xi32, #tpu.memory_space<vmem>> -> memref<128xi32, #tpu.memory_space<vmem>>
        %dma_start3A_228 = arith.constant 0 : i32
        %dma_start3A_229 = arith.constant 0 : i32
        %dma_start3A_230 = tpu.memref_slice %arg18[%dma_start3A_228, %dma_start3A_229] : memref<10240x32xf32, #tpu.memory_space<vmem_shared>> -> memref<10240x32xf32, #tpu.memory_space<vmem_shared>>
        tpu.enqueue_indirect_dma source(%arg17 : memref<128x32xf32, #tpu.memory_space<vmem>>) target(%dma_start3A_230 : memref<10240x32xf32, #tpu.memory_space<vmem_shared>>) offsets(%dma_start3A_227 : memref<128xi32, #tpu.memory_space<vmem>>) semaphore(%run_scoped3A : memref<!tpu.dma_semaphore, #tpu.memory_space<semaphore_mem>>) {add = true}
        %dma_wait3A_231 = arith.constant 0 : i32
        %dma_wait3A_232 = tpu.memref_slice %arg8[%add3A_211, %dma_wait3A_231] : memref<78x128xi32, #tpu.memory_space<vmem>> -> memref<1x128xi32, #tpu.memory_space<vmem>>
        %dma_wait3A_233 = tpu.memref_squeeze %dma_wait3A_232 : memref<1x128xi32, #tpu.memory_space<vmem>> -> memref<128xi32, #tpu.memory_space<vmem>>
        %dma_wait3A_234 = arith.constant 0 : i32
        %dma_wait3A_235 = arith.constant 0 : i32
        %dma_wait3A_236 = tpu.memref_slice %arg18[%dma_wait3A_234, %dma_wait3A_235] : memref<10240x32xf32, #tpu.memory_space<vmem_shared>> -> memref<10240x32xf32, #tpu.memory_space<vmem_shared>>
        tpu.wait_indirect_dma semaphore(%run_scoped3A : memref<!tpu.dma_semaphore, #tpu.memory_space<semaphore_mem>>) src(%arg17 : memref<128x32xf32, #tpu.memory_space<vmem>>) dst(%dma_wait3A_236 : memref<10240x32xf32, #tpu.memory_space<vmem_shared>>)
        tpu.yield
      }) : () -> ()
      %add3A_218 = arith.constant 6 : i32
      %add3A_219 = arith.addi %add3A_211, %add3A_218 : i32
      %lt3A_220 = arith.constant 78 : i32
      %lt3A_221 = arith.cmpi slt, %add3A_219, %lt3A_220 : i32
      %convert_element_type3A_222 = arith.extui %lt3A_221 : i1 to i32
      %cond3A_223 = arith.constant 0 : i32
      %cond3A_224 = arith.cmpi ne, %convert_element_type3A_222, %cond3A_223 : i32
      scf.if %cond3A_224 {
        %add3A_225 = arith.constant 6 : i32
        %add3A_226 = arith.addi %add3A_211, %add3A_225 : i32
        %dma_start3A_227 = arith.constant 0 : i32
        %dma_start3A_228 = tpu.memref_slice %arg7[%add3A_226, %dma_start3A_227] : memref<78x128xi32, #tpu.memory_space<vmem>> -> memref<1x128xi32, #tpu.memory_space<vmem>>
        %dma_start3A_229 = tpu.memref_squeeze %dma_start3A_228 : memref<1x128xi32, #tpu.memory_space<vmem>> -> memref<128xi32, #tpu.memory_space<vmem>>
        %dma_start3A_230 = arith.constant 0 : i32
        %dma_start3A_231 = arith.constant 0 : i32
        %dma_start3A_232 = tpu.memref_slice %arg4[%dma_start3A_230, %dma_start3A_231] : memref<10000x32xf32, #tpu.memory_space<hbm>> -> memref<10000x32xf32, #tpu.memory_space<hbm>>
        tpu.enqueue_indirect_dma source(%dma_start3A_232 : memref<10000x32xf32, #tpu.memory_space<hbm>>) target(%arg17 : memref<128x32xf32, #tpu.memory_space<vmem>>) offsets(%dma_start3A_229 : memref<128xi32, #tpu.memory_space<vmem>>) semaphore(%arg24 : memref<!tpu.dma_semaphore, #tpu.memory_space<semaphore_mem>>)
      } else {
      }
    }
    %scan3A_116 = arith.constant 13 : i32
    %dma_wait3A_117 = arith.constant 0 : i32
    %dma_wait3A_118 = arith.constant 0 : i32
    %dma_wait3A_119 = tpu.memref_slice %arg4[%dma_wait3A_117, %dma_wait3A_118] : memref<10000x32xf32, #tpu.memory_space<hbm>> -> memref<10000x32xf32, #tpu.memory_space<hbm>>
    tpu.wait_indirect_dma semaphore(%arg25 : memref<!tpu.dma_semaphore, #tpu.memory_space<semaphore_mem>>) src(%dma_wait3A_119 : memref<10000x32xf32, #tpu.memory_space<hbm>>) dst(%arg11 : memref<16x32xf32, #tpu.memory_space<vmem>>)
    "tpu.region"() ({
      %run_scoped3A = tpu.sem_alloc : memref<!tpu.dma_semaphore, #tpu.memory_space<semaphore_mem>>
      %dma_start3A_125 = arith.constant 0 : i32
      %dma_start3A_126 = arith.constant 0 : i32
      %dma_start3A_127 = tpu.memref_slice %arg18[%dma_start3A_125, %dma_start3A_126] : memref<10240x32xf32, #tpu.memory_space<vmem_shared>> -> memref<10240x32xf32, #tpu.memory_space<vmem_shared>>
      tpu.enqueue_indirect_dma source(%arg11 : memref<16x32xf32, #tpu.memory_space<vmem>>) target(%dma_start3A_127 : memref<10240x32xf32, #tpu.memory_space<vmem_shared>>) offsets(%arg10 : memref<16xi32, #tpu.memory_space<vmem>>) semaphore(%run_scoped3A : memref<!tpu.dma_semaphore, #tpu.memory_space<semaphore_mem>>) {add = true}
      %dma_wait3A_128 = arith.constant 0 : i32
      %dma_wait3A_129 = arith.constant 0 : i32
      %dma_wait3A_130 = tpu.memref_slice %arg18[%dma_wait3A_128, %dma_wait3A_129] : memref<10240x32xf32, #tpu.memory_space<vmem_shared>> -> memref<10240x32xf32, #tpu.memory_space<vmem_shared>>
      tpu.wait_indirect_dma semaphore(%run_scoped3A : memref<!tpu.dma_semaphore, #tpu.memory_space<semaphore_mem>>) src(%arg11 : memref<16x32xf32, #tpu.memory_space<vmem>>) dst(%dma_wait3A_130 : memref<10240x32xf32, #tpu.memory_space<vmem_shared>>)
      tpu.yield
    }) : () -> ()
    %barrier3A_120 = arith.constant 0 : index
    tpu.barrier barrier_id(%barrier3A_120)
    %mul3A_121 = arith.constant 640 : i32
    %mul3A_122 = arith.muli %arg1, %mul3A_121 : i32
    %mul3A_123 = arith.constant 640 : i32
    %mul3A_124 = arith.muli %arg1, %mul3A_123 : i32
    "tpu.region"() ({
      %run_scoped3A = tpu.sem_alloc : memref<!tpu.dma_semaphore, #tpu.memory_space<semaphore_mem>>
      %dma_start3A_125 = arith.constant 0 : i32
      %dma_start3A_126 = tpu.memref_slice %arg6[%arg0, %mul3A_124, %dma_start3A_125] : memref<2x10240x32xf32, #tpu.memory_space<hbm>> -> memref<1x640x32xf32, #tpu.memory_space<hbm>>
      %dma_start3A_127 = tpu.memref_squeeze %dma_start3A_126 : memref<1x640x32xf32, #tpu.memory_space<hbm>> -> memref<640x32xf32, #tpu.memory_space<hbm>>
      %dma_start3A_128 = arith.constant 0 : i32
      %dma_start3A_129 = tpu.memref_slice %arg18[%mul3A_122, %dma_start3A_128] : memref<10240x32xf32, #tpu.memory_space<vmem_shared>> -> memref<640x32xf32, #tpu.memory_space<vmem_shared>>
      tpu.enqueue_dma source(%dma_start3A_129 : memref<640x32xf32, #tpu.memory_space<vmem_shared>>) target(%dma_start3A_127 : memref<640x32xf32, #tpu.memory_space<hbm>>) target_semaphore(%run_scoped3A : memref<!tpu.dma_semaphore, #tpu.memory_space<semaphore_mem>>)
      %dma_wait3A_130 = arith.constant 0 : i32
      %dma_wait3A_131 = tpu.memref_slice %arg6[%arg0, %mul3A_124, %dma_wait3A_130] : memref<2x10240x32xf32, #tpu.memory_space<hbm>> -> memref<1x640x32xf32, #tpu.memory_space<hbm>>
      %dma_wait3A_132 = tpu.memref_squeeze %dma_wait3A_131 : memref<1x640x32xf32, #tpu.memory_space<hbm>> -> memref<640x32xf32, #tpu.memory_space<hbm>>
      %dma_wait3A_133 = arith.constant 0 : i32
      %dma_wait3A_134 = tpu.memref_slice %arg18[%mul3A_122, %dma_wait3A_133] : memref<10240x32xf32, #tpu.memory_space<vmem_shared>> -> memref<640x32xf32, #tpu.memory_space<vmem_shared>>
      tpu.wait_dma2 semaphore(%run_scoped3A : memref<!tpu.dma_semaphore, #tpu.memory_space<semaphore_mem>>) src(%dma_wait3A_134 : memref<640x32xf32, #tpu.memory_space<vmem_shared>>) dst(%dma_wait3A_132 : memref<640x32xf32, #tpu.memory_space<hbm>>)
      tpu.yield
    }) : () -> ()
    return
  }
}

#map = affine_map<(d0, d1) -> (0, 0, 0, 0)>
#map1 = affine_map<(d0, d1) -> (0, 0, 0)>
#map2 = affine_map<(d0, d1) -> (0, 0)>
module attributes {stable_mosaic.version = 14 : i64} {
  func.func @_deg_kernel(%arg0: i32, %arg1: i32, %arg2: memref<2x32x78x128xi32, #tpu.memory_space<hbm>>, %arg3: memref<2x32x16xi32, #tpu.memory_space<hbm>>, %arg4: memref<128x1xf32, #tpu.memory_space<hbm>>, %arg5: memref<10240x1xf32, #tpu.memory_space<hbm>>, %arg6: memref<2x10240x1xf32, #tpu.memory_space<hbm>>, %arg7: memref<78x128xi32, #tpu.memory_space<vmem>>, %arg8: memref<16xi32, #tpu.memory_space<vmem>>, %arg9: memref<128x1xf32, #tpu.memory_space<vmem>>, %arg10: memref<16x1xf32, #tpu.memory_space<vmem>>, %arg11: memref<10240x1xf32, #tpu.memory_space<vmem_shared>>, %arg12: memref<!tpu.dma_semaphore, #tpu.memory_space<semaphore_mem>>, %arg13: memref<!tpu.dma_semaphore, #tpu.memory_space<semaphore_mem>>) attributes {dimension_semantics = [#tpu.dimension_semantics<core_parallel>, #tpu.dimension_semantics<subcore_parallel>], iteration_bounds = array<i64: 2, 16>, scalar_prefetch = 0 : i64, scratch_operands = 7 : i64, tpu.core_type = #tpu.core_type<sc_vector_subcore>, window_params = [{transform_indices = #map}, {transform_indices = #map1}, {transform_indices = #map2}, {transform_indices = #map2}, {transform_indices = #map1}]} {
    %mul3A = arith.constant 16 : i32
    %mul3A_0 = arith.muli %arg0, %mul3A : i32
    %add3A = arith.addi %mul3A_0, %arg1 : i32
    %dma_start3A = arith.constant 1 : i32
    %dma_start3A_1 = arith.constant 0 : i32
    %dma_start3A_2 = arith.constant 0 : i32
    %dma_start3A_3 = tpu.memref_slice %arg2[%dma_start3A, %add3A, %dma_start3A_1, %dma_start3A_2] : memref<2x32x78x128xi32, #tpu.memory_space<hbm>> -> memref<1x1x78x128xi32, #tpu.memory_space<hbm>>
    %dma_start3A_4 = tpu.memref_squeeze %dma_start3A_3 : memref<1x1x78x128xi32, #tpu.memory_space<hbm>> -> memref<78x128xi32, #tpu.memory_space<hbm>>
    %dma_start3A_5 = arith.constant 0 : i32
    %dma_start3A_6 = arith.constant 0 : i32
    %dma_start3A_7 = tpu.memref_slice %arg2[%dma_start3A, %add3A, %dma_start3A_5, %dma_start3A_6] : memref<2x32x78x128xi32, #tpu.memory_space<hbm>> -> memref<1x1x78x128xi32, #tpu.memory_space<hbm>>
    %dma_start3A_8 = tpu.memref_squeeze %dma_start3A_7 : memref<1x1x78x128xi32, #tpu.memory_space<hbm>> -> memref<78x128xi32, #tpu.memory_space<hbm>>
    tpu.enqueue_dma source(%dma_start3A_8 : memref<78x128xi32, #tpu.memory_space<hbm>>) target(%arg7 : memref<78x128xi32, #tpu.memory_space<vmem>>) target_semaphore(%arg12 : memref<!tpu.dma_semaphore, #tpu.memory_space<semaphore_mem>>)
    %dma_start3A_9 = arith.constant 1 : i32
    %dma_start3A_10 = arith.constant 0 : i32
    %dma_start3A_11 = tpu.memref_slice %arg3[%dma_start3A_9, %add3A, %dma_start3A_10] : memref<2x32x16xi32, #tpu.memory_space<hbm>> -> memref<1x1x16xi32, #tpu.memory_space<hbm>>
    %dma_start3A_12 = tpu.memref_squeeze %dma_start3A_11 : memref<1x1x16xi32, #tpu.memory_space<hbm>> -> memref<16xi32, #tpu.memory_space<hbm>>
    %dma_start3A_13 = arith.constant 0 : i32
    %dma_start3A_14 = tpu.memref_slice %arg3[%dma_start3A_9, %add3A, %dma_start3A_13] : memref<2x32x16xi32, #tpu.memory_space<hbm>> -> memref<1x1x16xi32, #tpu.memory_space<hbm>>
    %dma_start3A_15 = tpu.memref_squeeze %dma_start3A_14 : memref<1x1x16xi32, #tpu.memory_space<hbm>> -> memref<16xi32, #tpu.memory_space<hbm>>
    tpu.enqueue_dma source(%dma_start3A_15 : memref<16xi32, #tpu.memory_space<hbm>>) target(%arg8 : memref<16xi32, #tpu.memory_space<vmem>>) target_semaphore(%arg12 : memref<!tpu.dma_semaphore, #tpu.memory_space<semaphore_mem>>)
    "tpu.region"() ({
      %run_scoped3A = tpu.sem_alloc : memref<!tpu.dma_semaphore, #tpu.memory_space<semaphore_mem>>
      %dma_start3A_51 = arith.constant 0 : i32
      %dma_start3A_52 = arith.constant 0 : i32
      %dma_start3A_53 = tpu.memref_slice %arg4[%dma_start3A_51, %dma_start3A_52] : memref<128x1xf32, #tpu.memory_space<hbm>> -> memref<128x1xf32, #tpu.memory_space<hbm>>
      %dma_start3A_54 = arith.constant 0 : i32
      %dma_start3A_55 = arith.constant 0 : i32
      %dma_start3A_56 = tpu.memref_slice %arg4[%dma_start3A_54, %dma_start3A_55] : memref<128x1xf32, #tpu.memory_space<hbm>> -> memref<128x1xf32, #tpu.memory_space<hbm>>
      tpu.enqueue_dma source(%dma_start3A_56 : memref<128x1xf32, #tpu.memory_space<hbm>>) target(%arg9 : memref<128x1xf32, #tpu.memory_space<vmem>>) target_semaphore(%run_scoped3A : memref<!tpu.dma_semaphore, #tpu.memory_space<semaphore_mem>>)
      %dma_wait3A_57 = arith.constant 0 : i32
      %dma_wait3A_58 = arith.constant 0 : i32
      %dma_wait3A_59 = tpu.memref_slice %arg4[%dma_wait3A_57, %dma_wait3A_58] : memref<128x1xf32, #tpu.memory_space<hbm>> -> memref<128x1xf32, #tpu.memory_space<hbm>>
      %dma_wait3A_60 = arith.constant 0 : i32
      %dma_wait3A_61 = arith.constant 0 : i32
      %dma_wait3A_62 = tpu.memref_slice %arg4[%dma_wait3A_60, %dma_wait3A_61] : memref<128x1xf32, #tpu.memory_space<hbm>> -> memref<128x1xf32, #tpu.memory_space<hbm>>
      tpu.wait_dma2 semaphore(%run_scoped3A : memref<!tpu.dma_semaphore, #tpu.memory_space<semaphore_mem>>) src(%dma_wait3A_62 : memref<128x1xf32, #tpu.memory_space<hbm>>) dst(%arg9 : memref<128x1xf32, #tpu.memory_space<vmem>>)
      tpu.yield
    }) : () -> ()
    "tpu.region"() ({
      %run_scoped3A = tpu.sem_alloc : memref<!tpu.dma_semaphore, #tpu.memory_space<semaphore_mem>>
      %dma_start3A_51 = arith.constant 0 : i32
      %dma_start3A_52 = arith.constant 0 : i32
      %dma_start3A_53 = tpu.memref_slice %arg4[%dma_start3A_51, %dma_start3A_52] : memref<128x1xf32, #tpu.memory_space<hbm>> -> memref<16x1xf32, #tpu.memory_space<hbm>>
      %dma_start3A_54 = arith.constant 0 : i32
      %dma_start3A_55 = arith.constant 0 : i32
      %dma_start3A_56 = tpu.memref_slice %arg4[%dma_start3A_54, %dma_start3A_55] : memref<128x1xf32, #tpu.memory_space<hbm>> -> memref<16x1xf32, #tpu.memory_space<hbm>>
      tpu.enqueue_dma source(%dma_start3A_56 : memref<16x1xf32, #tpu.memory_space<hbm>>) target(%arg10 : memref<16x1xf32, #tpu.memory_space<vmem>>) target_semaphore(%run_scoped3A : memref<!tpu.dma_semaphore, #tpu.memory_space<semaphore_mem>>)
      %dma_wait3A_57 = arith.constant 0 : i32
      %dma_wait3A_58 = arith.constant 0 : i32
      %dma_wait3A_59 = tpu.memref_slice %arg4[%dma_wait3A_57, %dma_wait3A_58] : memref<128x1xf32, #tpu.memory_space<hbm>> -> memref<16x1xf32, #tpu.memory_space<hbm>>
      %dma_wait3A_60 = arith.constant 0 : i32
      %dma_wait3A_61 = arith.constant 0 : i32
      %dma_wait3A_62 = tpu.memref_slice %arg4[%dma_wait3A_60, %dma_wait3A_61] : memref<128x1xf32, #tpu.memory_space<hbm>> -> memref<16x1xf32, #tpu.memory_space<hbm>>
      tpu.wait_dma2 semaphore(%run_scoped3A : memref<!tpu.dma_semaphore, #tpu.memory_space<semaphore_mem>>) src(%dma_wait3A_62 : memref<16x1xf32, #tpu.memory_space<hbm>>) dst(%arg10 : memref<16x1xf32, #tpu.memory_space<vmem>>)
      tpu.yield
    }) : () -> ()
    %mul3A_16 = arith.constant 640 : i32
    %mul3A_17 = arith.muli %arg1, %mul3A_16 : i32
    %mul3A_18 = arith.constant 640 : i32
    %mul3A_19 = arith.muli %arg1, %mul3A_18 : i32
    "tpu.region"() ({
      %run_scoped3A = tpu.sem_alloc : memref<!tpu.dma_semaphore, #tpu.memory_space<semaphore_mem>>
      %dma_start3A_51 = arith.constant 0 : i32
      %dma_start3A_52 = tpu.memref_slice %arg11[%mul3A_19, %dma_start3A_51] : memref<10240x1xf32, #tpu.memory_space<vmem_shared>> -> memref<640x1xf32, #tpu.memory_space<vmem_shared>>
      %dma_start3A_53 = arith.constant 0 : i32
      %dma_start3A_54 = tpu.memref_slice %arg5[%mul3A_17, %dma_start3A_53] : memref<10240x1xf32, #tpu.memory_space<hbm>> -> memref<640x1xf32, #tpu.memory_space<hbm>>
      tpu.enqueue_dma source(%dma_start3A_54 : memref<640x1xf32, #tpu.memory_space<hbm>>) target(%dma_start3A_52 : memref<640x1xf32, #tpu.memory_space<vmem_shared>>) target_semaphore(%run_scoped3A : memref<!tpu.dma_semaphore, #tpu.memory_space<semaphore_mem>>)
      %dma_wait3A_55 = arith.constant 0 : i32
      %dma_wait3A_56 = tpu.memref_slice %arg11[%mul3A_19, %dma_wait3A_55] : memref<10240x1xf32, #tpu.memory_space<vmem_shared>> -> memref<640x1xf32, #tpu.memory_space<vmem_shared>>
      %dma_wait3A_57 = arith.constant 0 : i32
      %dma_wait3A_58 = tpu.memref_slice %arg5[%mul3A_17, %dma_wait3A_57] : memref<10240x1xf32, #tpu.memory_space<hbm>> -> memref<640x1xf32, #tpu.memory_space<hbm>>
      tpu.wait_dma2 semaphore(%run_scoped3A : memref<!tpu.dma_semaphore, #tpu.memory_space<semaphore_mem>>) src(%dma_wait3A_58 : memref<640x1xf32, #tpu.memory_space<hbm>>) dst(%dma_wait3A_56 : memref<640x1xf32, #tpu.memory_space<vmem_shared>>)
      tpu.yield
    }) : () -> ()
    %dma_wait3A = arith.constant 1 : i32
    %dma_wait3A_20 = arith.constant 0 : i32
    %dma_wait3A_21 = arith.constant 0 : i32
    %dma_wait3A_22 = tpu.memref_slice %arg2[%dma_wait3A, %add3A, %dma_wait3A_20, %dma_wait3A_21] : memref<2x32x78x128xi32, #tpu.memory_space<hbm>> -> memref<1x1x78x128xi32, #tpu.memory_space<hbm>>
    %dma_wait3A_23 = tpu.memref_squeeze %dma_wait3A_22 : memref<1x1x78x128xi32, #tpu.memory_space<hbm>> -> memref<78x128xi32, #tpu.memory_space<hbm>>
    %dma_wait3A_24 = arith.constant 0 : i32
    %dma_wait3A_25 = arith.constant 0 : i32
    %dma_wait3A_26 = tpu.memref_slice %arg2[%dma_wait3A, %add3A, %dma_wait3A_24, %dma_wait3A_25] : memref<2x32x78x128xi32, #tpu.memory_space<hbm>> -> memref<1x1x78x128xi32, #tpu.memory_space<hbm>>
    %dma_wait3A_27 = tpu.memref_squeeze %dma_wait3A_26 : memref<1x1x78x128xi32, #tpu.memory_space<hbm>> -> memref<78x128xi32, #tpu.memory_space<hbm>>
    tpu.wait_dma2 semaphore(%arg12 : memref<!tpu.dma_semaphore, #tpu.memory_space<semaphore_mem>>) src(%dma_wait3A_27 : memref<78x128xi32, #tpu.memory_space<hbm>>) dst(%arg7 : memref<78x128xi32, #tpu.memory_space<vmem>>)
    %dma_wait3A_28 = arith.constant 1 : i32
    %dma_wait3A_29 = arith.constant 0 : i32
    %dma_wait3A_30 = tpu.memref_slice %arg3[%dma_wait3A_28, %add3A, %dma_wait3A_29] : memref<2x32x16xi32, #tpu.memory_space<hbm>> -> memref<1x1x16xi32, #tpu.memory_space<hbm>>
    %dma_wait3A_31 = tpu.memref_squeeze %dma_wait3A_30 : memref<1x1x16xi32, #tpu.memory_space<hbm>> -> memref<16xi32, #tpu.memory_space<hbm>>
    %dma_wait3A_32 = arith.constant 0 : i32
    %dma_wait3A_33 = tpu.memref_slice %arg3[%dma_wait3A_28, %add3A, %dma_wait3A_32] : memref<2x32x16xi32, #tpu.memory_space<hbm>> -> memref<1x1x16xi32, #tpu.memory_space<hbm>>
    %dma_wait3A_34 = tpu.memref_squeeze %dma_wait3A_33 : memref<1x1x16xi32, #tpu.memory_space<hbm>> -> memref<16xi32, #tpu.memory_space<hbm>>
    tpu.wait_dma2 semaphore(%arg12 : memref<!tpu.dma_semaphore, #tpu.memory_space<semaphore_mem>>) src(%dma_wait3A_34 : memref<16xi32, #tpu.memory_space<hbm>>) dst(%arg8 : memref<16xi32, #tpu.memory_space<vmem>>)
    %barrier3A = arith.constant 0 : index
    tpu.barrier barrier_id(%barrier3A)
    %scan3A = arith.constant 0 : i32
    %scan3A_35 = arith.constant 0 : i32
    %scan3A_36 = arith.constant 78 : i32
    %scan3A_37 = arith.addi %scan3A_35, %scan3A_36 : i32
    %scan3A_38 = arith.constant 1 : i32
    scf.for %scan3A_51 = %scan3A_35 to %scan3A_37 step %scan3A_38  : i32 {
      %dma_start3A_52 = arith.constant 0 : i32
      %dma_start3A_53 = tpu.memref_slice %arg7[%scan3A_51, %dma_start3A_52] : memref<78x128xi32, #tpu.memory_space<vmem>> -> memref<1x128xi32, #tpu.memory_space<vmem>>
      %dma_start3A_54 = tpu.memref_squeeze %dma_start3A_53 : memref<1x128xi32, #tpu.memory_space<vmem>> -> memref<128xi32, #tpu.memory_space<vmem>>
      %dma_start3A_55 = arith.constant 0 : i32
      %dma_start3A_56 = arith.constant 0 : i32
      %dma_start3A_57 = tpu.memref_slice %arg11[%dma_start3A_55, %dma_start3A_56] : memref<10240x1xf32, #tpu.memory_space<vmem_shared>> -> memref<10240x1xf32, #tpu.memory_space<vmem_shared>>
      tpu.enqueue_indirect_dma source(%arg9 : memref<128x1xf32, #tpu.memory_space<vmem>>) target(%dma_start3A_57 : memref<10240x1xf32, #tpu.memory_space<vmem_shared>>) offsets(%dma_start3A_54 : memref<128xi32, #tpu.memory_space<vmem>>) semaphore(%arg13 : memref<!tpu.dma_semaphore, #tpu.memory_space<semaphore_mem>>) {add = true}
    }
    %scan3A_39 = arith.constant 78 : i32
    "tpu.region"() ({
      %run_scoped3A = tpu.sem_alloc : memref<!tpu.dma_semaphore, #tpu.memory_space<semaphore_mem>>
      %dma_start3A_51 = arith.constant 0 : i32
      %dma_start3A_52 = arith.constant 0 : i32
      %dma_start3A_53 = tpu.memref_slice %arg11[%dma_start3A_51, %dma_start3A_52] : memref<10240x1xf32, #tpu.memory_space<vmem_shared>> -> memref<10240x1xf32, #tpu.memory_space<vmem_shared>>
      tpu.enqueue_indirect_dma source(%arg10 : memref<16x1xf32, #tpu.memory_space<vmem>>) target(%dma_start3A_53 : memref<10240x1xf32, #tpu.memory_space<vmem_shared>>) offsets(%arg8 : memref<16xi32, #tpu.memory_space<vmem>>) semaphore(%run_scoped3A : memref<!tpu.dma_semaphore, #tpu.memory_space<semaphore_mem>>) {add = true}
      %dma_wait3A_54 = arith.constant 0 : i32
      %dma_wait3A_55 = arith.constant 0 : i32
      %dma_wait3A_56 = tpu.memref_slice %arg11[%dma_wait3A_54, %dma_wait3A_55] : memref<10240x1xf32, #tpu.memory_space<vmem_shared>> -> memref<10240x1xf32, #tpu.memory_space<vmem_shared>>
      tpu.wait_indirect_dma semaphore(%run_scoped3A : memref<!tpu.dma_semaphore, #tpu.memory_space<semaphore_mem>>) src(%arg10 : memref<16x1xf32, #tpu.memory_space<vmem>>) dst(%dma_wait3A_56 : memref<10240x1xf32, #tpu.memory_space<vmem_shared>>)
      tpu.yield
    }) : () -> ()
    %scan3A_40 = arith.constant 0 : i32
    %scan3A_41 = arith.constant 0 : i32
    %scan3A_42 = arith.constant 78 : i32
    %scan3A_43 = arith.addi %scan3A_41, %scan3A_42 : i32
    %scan3A_44 = arith.constant 1 : i32
    scf.for %scan3A_51 = %scan3A_41 to %scan3A_43 step %scan3A_44  : i32 {
      %dma_wait3A_52 = arith.constant 0 : i32
      %dma_wait3A_53 = arith.constant 0 : i32
      %dma_wait3A_54 = tpu.memref_slice %arg7[%dma_wait3A_52, %dma_wait3A_53] : memref<78x128xi32, #tpu.memory_space<vmem>> -> memref<1x128xi32, #tpu.memory_space<vmem>>
      %dma_wait3A_55 = tpu.memref_squeeze %dma_wait3A_54 : memref<1x128xi32, #tpu.memory_space<vmem>> -> memref<128xi32, #tpu.memory_space<vmem>>
      %dma_wait3A_56 = arith.constant 0 : i32
      %dma_wait3A_57 = arith.constant 0 : i32
      %dma_wait3A_58 = tpu.memref_slice %arg11[%dma_wait3A_56, %dma_wait3A_57] : memref<10240x1xf32, #tpu.memory_space<vmem_shared>> -> memref<10240x1xf32, #tpu.memory_space<vmem_shared>>
      tpu.wait_indirect_dma semaphore(%arg13 : memref<!tpu.dma_semaphore, #tpu.memory_space<semaphore_mem>>) src(%arg9 : memref<128x1xf32, #tpu.memory_space<vmem>>) dst(%dma_wait3A_58 : memref<10240x1xf32, #tpu.memory_space<vmem_shared>>)
    }
    %scan3A_45 = arith.constant 78 : i32
    %barrier3A_46 = arith.constant 0 : index
    tpu.barrier barrier_id(%barrier3A_46)
    %mul3A_47 = arith.constant 640 : i32
    %mul3A_48 = arith.muli %arg1, %mul3A_47 : i32
    %mul3A_49 = arith.constant 640 : i32
    %mul3A_50 = arith.muli %arg1, %mul3A_49 : i32
    "tpu.region"() ({
      %run_scoped3A = tpu.sem_alloc : memref<!tpu.dma_semaphore, #tpu.memory_space<semaphore_mem>>
      %dma_start3A_51 = arith.constant 0 : i32
      %dma_start3A_52 = tpu.memref_slice %arg6[%arg0, %mul3A_50, %dma_start3A_51] : memref<2x10240x1xf32, #tpu.memory_space<hbm>> -> memref<1x640x1xf32, #tpu.memory_space<hbm>>
      %dma_start3A_53 = tpu.memref_squeeze %dma_start3A_52 : memref<1x640x1xf32, #tpu.memory_space<hbm>> -> memref<640x1xf32, #tpu.memory_space<hbm>>
      %dma_start3A_54 = arith.constant 0 : i32
      %dma_start3A_55 = tpu.memref_slice %arg11[%mul3A_48, %dma_start3A_54] : memref<10240x1xf32, #tpu.memory_space<vmem_shared>> -> memref<640x1xf32, #tpu.memory_space<vmem_shared>>
      tpu.enqueue_dma source(%dma_start3A_55 : memref<640x1xf32, #tpu.memory_space<vmem_shared>>) target(%dma_start3A_53 : memref<640x1xf32, #tpu.memory_space<hbm>>) target_semaphore(%run_scoped3A : memref<!tpu.dma_semaphore, #tpu.memory_space<semaphore_mem>>)
      %dma_wait3A_56 = arith.constant 0 : i32
      %dma_wait3A_57 = tpu.memref_slice %arg6[%arg0, %mul3A_50, %dma_wait3A_56] : memref<2x10240x1xf32, #tpu.memory_space<hbm>> -> memref<1x640x1xf32, #tpu.memory_space<hbm>>
      %dma_wait3A_58 = tpu.memref_squeeze %dma_wait3A_57 : memref<1x640x1xf32, #tpu.memory_space<hbm>> -> memref<640x1xf32, #tpu.memory_space<hbm>>
      %dma_wait3A_59 = arith.constant 0 : i32
      %dma_wait3A_60 = tpu.memref_slice %arg11[%mul3A_48, %dma_wait3A_59] : memref<10240x1xf32, #tpu.memory_space<vmem_shared>> -> memref<640x1xf32, #tpu.memory_space<vmem_shared>>
      tpu.wait_dma2 semaphore(%run_scoped3A : memref<!tpu.dma_semaphore, #tpu.memory_space<semaphore_mem>>) src(%dma_wait3A_60 : memref<640x1xf32, #tpu.memory_space<vmem_shared>>) dst(%dma_wait3A_58 : memref<640x1xf32, #tpu.memory_space<hbm>>)
      tpu.yield
    }) : () -> ()
    return
  }
}

#map = affine_map<(d0, d1) -> (0, 0, 0, 0)>
#map1 = affine_map<(d0, d1) -> (0, 0, 0)>
#map2 = affine_map<(d0, d1) -> (0, 0)>
module attributes {stable_mosaic.version = 14 : i64} {
  func.func @edge_sum(%arg0: i32, %arg1: i32, %arg2: memref<2x32x78x128xi32, #tpu.memory_space<hbm>>, %arg3: memref<2x32x16xi32, #tpu.memory_space<hbm>>, %arg4: memref<10000x32xf32, #tpu.memory_space<hbm>>, %arg5: memref<10240x32xf32, #tpu.memory_space<hbm>>, %arg6: memref<2x10240x32xf32, #tpu.memory_space<hbm>>, %arg7: memref<78x128xi32, #tpu.memory_space<vmem>>, %arg8: memref<78x128xi32, #tpu.memory_space<vmem>>, %arg9: memref<16xi32, #tpu.memory_space<vmem>>, %arg10: memref<16xi32, #tpu.memory_space<vmem>>, %arg11: memref<16x32xf32, #tpu.memory_space<vmem>>, %arg12: memref<128x32xf32, #tpu.memory_space<vmem>>, %arg13: memref<128x32xf32, #tpu.memory_space<vmem>>, %arg14: memref<128x32xf32, #tpu.memory_space<vmem>>, %arg15: memref<128x32xf32, #tpu.memory_space<vmem>>, %arg16: memref<128x32xf32, #tpu.memory_space<vmem>>, %arg17: memref<128x32xf32, #tpu.memory_space<vmem>>, %arg18: memref<10240x32xf32, #tpu.memory_space<vmem_shared>>, %arg19: memref<!tpu.dma_semaphore, #tpu.memory_space<semaphore_mem>>, %arg20: memref<!tpu.dma_semaphore, #tpu.memory_space<semaphore_mem>>, %arg21: memref<!tpu.dma_semaphore, #tpu.memory_space<semaphore_mem>>, %arg22: memref<!tpu.dma_semaphore, #tpu.memory_space<semaphore_mem>>, %arg23: memref<!tpu.dma_semaphore, #tpu.memory_space<semaphore_mem>>, %arg24: memref<!tpu.dma_semaphore, #tpu.memory_space<semaphore_mem>>, %arg25: memref<!tpu.dma_semaphore, #tpu.memory_space<semaphore_mem>>) attributes {dimension_semantics = [#tpu.dimension_semantics<core_parallel>, #tpu.dimension_semantics<subcore_parallel>], iteration_bounds = array<i64: 2, 16>, scalar_prefetch = 0 : i64, scratch_operands = 19 : i64, tpu.core_type = #tpu.core_type<sc_vector_subcore>, window_params = [{transform_indices = #map}, {transform_indices = #map1}, {transform_indices = #map2}, {transform_indices = #map2}, {transform_indices = #map1}]} {
    %mul3A = arith.constant 16 : i32
    %mul3A_0 = arith.muli %arg0, %mul3A : i32
    %add3A = arith.addi %mul3A_0, %arg1 : i32
    %dma_start3A = arith.constant 0 : i32
    %dma_start3A_1 = arith.constant 0 : i32
    %dma_start3A_2 = arith.constant 0 : i32
    %dma_start3A_3 = tpu.memref_slice %arg2[%dma_start3A, %add3A, %dma_start3A_1, %dma_start3A_2] : memref<2x32x78x128xi32, #tpu.memory_space<hbm>> -> memref<1x1x78x128xi32, #tpu.memory_space<hbm>>
    %dma_start3A_4 = tpu.memref_squeeze %dma_start3A_3 : memref<1x1x78x128xi32, #tpu.memory_space<hbm>> -> memref<78x128xi32, #tpu.memory_space<hbm>>
    %dma_start3A_5 = arith.constant 0 : i32
    %dma_start3A_6 = arith.constant 0 : i32
    %dma_start3A_7 = tpu.memref_slice %arg2[%dma_start3A, %add3A, %dma_start3A_5, %dma_start3A_6] : memref<2x32x78x128xi32, #tpu.memory_space<hbm>> -> memref<1x1x78x128xi32, #tpu.memory_space<hbm>>
    %dma_start3A_8 = tpu.memref_squeeze %dma_start3A_7 : memref<1x1x78x128xi32, #tpu.memory_space<hbm>> -> memref<78x128xi32, #tpu.memory_space<hbm>>
    tpu.enqueue_dma source(%dma_start3A_8 : memref<78x128xi32, #tpu.memory_space<hbm>>) target(%arg7 : memref<78x128xi32, #tpu.memory_space<vmem>>) target_semaphore(%arg25 : memref<!tpu.dma_semaphore, #tpu.memory_space<semaphore_mem>>)
    %dma_start3A_9 = arith.constant 1 : i32
    %dma_start3A_10 = arith.constant 0 : i32
    %dma_start3A_11 = arith.constant 0 : i32
    %dma_start3A_12 = tpu.memref_slice %arg2[%dma_start3A_9, %add3A, %dma_start3A_10, %dma_start3A_11] : memref<2x32x78x128xi32, #tpu.memory_space<hbm>> -> memref<1x1x78x128xi32, #tpu.memory_space<hbm>>
    %dma_start3A_13 = tpu.memref_squeeze %dma_start3A_12 : memref<1x1x78x128xi32, #tpu.memory_space<hbm>> -> memref<78x128xi32, #tpu.memory_space<hbm>>
    %dma_start3A_14 = arith.constant 0 : i32
    %dma_start3A_15 = arith.constant 0 : i32
    %dma_start3A_16 = tpu.memref_slice %arg2[%dma_start3A_9, %add3A, %dma_start3A_14, %dma_start3A_15] : memref<2x32x78x128xi32, #tpu.memory_space<hbm>> -> memref<1x1x78x128xi32, #tpu.memory_space<hbm>>
    %dma_start3A_17 = tpu.memref_squeeze %dma_start3A_16 : memref<1x1x78x128xi32, #tpu.memory_space<hbm>> -> memref<78x128xi32, #tpu.memory_space<hbm>>
    tpu.enqueue_dma source(%dma_start3A_17 : memref<78x128xi32, #tpu.memory_space<hbm>>) target(%arg8 : memref<78x128xi32, #tpu.memory_space<vmem>>) target_semaphore(%arg25 : memref<!tpu.dma_semaphore, #tpu.memory_space<semaphore_mem>>)
    %dma_start3A_18 = arith.constant 0 : i32
    %dma_start3A_19 = arith.constant 0 : i32
    %dma_start3A_20 = tpu.memref_slice %arg3[%dma_start3A_18, %add3A, %dma_start3A_19] : memref<2x32x16xi32, #tpu.memory_space<hbm>> -> memref<1x1x16xi32, #tpu.memory_space<hbm>>
    %dma_start3A_21 = tpu.memref_squeeze %dma_start3A_20 : memref<1x1x16xi32, #tpu.memory_space<hbm>> -> memref<16xi32, #tpu.memory_space<hbm>>
    %dma_start3A_22 = arith.constant 0 : i32
    %dma_start3A_23 = tpu.memref_slice %arg3[%dma_start3A_18, %add3A, %dma_start3A_22] : memref<2x32x16xi32, #tpu.memory_space<hbm>> -> memref<1x1x16xi32, #tpu.memory_space<hbm>>
    %dma_start3A_24 = tpu.memref_squeeze %dma_start3A_23 : memref<1x1x16xi32, #tpu.memory_space<hbm>> -> memref<16xi32, #tpu.memory_space<hbm>>
    tpu.enqueue_dma source(%dma_start3A_24 : memref<16xi32, #tpu.memory_space<hbm>>) target(%arg9 : memref<16xi32, #tpu.memory_space<vmem>>) target_semaphore(%arg25 : memref<!tpu.dma_semaphore, #tpu.memory_space<semaphore_mem>>)
    %dma_start3A_25 = arith.constant 1 : i32
    %dma_start3A_26 = arith.constant 0 : i32
    %dma_start3A_27 = tpu.memref_slice %arg3[%dma_start3A_25, %add3A, %dma_start3A_26] : memref<2x32x16xi32, #tpu.memory_space<hbm>> -> memref<1x1x16xi32, #tpu.memory_space<hbm>>
    %dma_start3A_28 = tpu.memref_squeeze %dma_start3A_27 : memref<1x1x16xi32, #tpu.memory_space<hbm>> -> memref<16xi32, #tpu.memory_space<hbm>>
    %dma_start3A_29 = arith.constant 0 : i32
    %dma_start3A_30 = tpu.memref_slice %arg3[%dma_start3A_25, %add3A, %dma_start3A_29] : memref<2x32x16xi32, #tpu.memory_space<hbm>> -> memref<1x1x16xi32, #tpu.memory_space<hbm>>
    %dma_start3A_31 = tpu.memref_squeeze %dma_start3A_30 : memref<1x1x16xi32, #tpu.memory_space<hbm>> -> memref<16xi32, #tpu.memory_space<hbm>>
    tpu.enqueue_dma source(%dma_start3A_31 : memref<16xi32, #tpu.memory_space<hbm>>) target(%arg10 : memref<16xi32, #tpu.memory_space<vmem>>) target_semaphore(%arg25 : memref<!tpu.dma_semaphore, #tpu.memory_space<semaphore_mem>>)
    %mul3A_32 = arith.constant 640 : i32
    %mul3A_33 = arith.muli %arg1, %mul3A_32 : i32
    %mul3A_34 = arith.constant 640 : i32
    %mul3A_35 = arith.muli %arg1, %mul3A_34 : i32
    "tpu.region"() ({
      %run_scoped3A = tpu.sem_alloc : memref<!tpu.dma_semaphore, #tpu.memory_space<semaphore_mem>>
      %dma_start3A_125 = arith.constant 0 : i32
      %dma_start3A_126 = tpu.memref_slice %arg18[%mul3A_35, %dma_start3A_125] : memref<10240x32xf32, #tpu.memory_space<vmem_shared>> -> memref<640x32xf32, #tpu.memory_space<vmem_shared>>
      %dma_start3A_127 = arith.constant 0 : i32
      %dma_start3A_128 = tpu.memref_slice %arg5[%mul3A_33, %dma_start3A_127] : memref<10240x32xf32, #tpu.memory_space<hbm>> -> memref<640x32xf32, #tpu.memory_space<hbm>>
      tpu.enqueue_dma source(%dma_start3A_128 : memref<640x32xf32, #tpu.memory_space<hbm>>) target(%dma_start3A_126 : memref<640x32xf32, #tpu.memory_space<vmem_shared>>) target_semaphore(%run_scoped3A : memref<!tpu.dma_semaphore, #tpu.memory_space<semaphore_mem>>)
      %dma_wait3A_129 = arith.constant 0 : i32
      %dma_wait3A_130 = tpu.memref_slice %arg18[%mul3A_35, %dma_wait3A_129] : memref<10240x32xf32, #tpu.memory_space<vmem_shared>> -> memref<640x32xf32, #tpu.memory_space<vmem_shared>>
      %dma_wait3A_131 = arith.constant 0 : i32
      %dma_wait3A_132 = tpu.memref_slice %arg5[%mul3A_33, %dma_wait3A_131] : memref<10240x32xf32, #tpu.memory_space<hbm>> -> memref<640x32xf32, #tpu.memory_space<hbm>>
      tpu.wait_dma2 semaphore(%run_scoped3A : memref<!tpu.dma_semaphore, #tpu.memory_space<semaphore_mem>>) src(%dma_wait3A_132 : memref<640x32xf32, #tpu.memory_space<hbm>>) dst(%dma_wait3A_130 : memref<640x32xf32, #tpu.memory_space<vmem_shared>>)
      tpu.yield
    }) : () -> ()
    %dma_wait3A = arith.constant 0 : i32
    %dma_wait3A_36 = arith.constant 0 : i32
    %dma_wait3A_37 = arith.constant 0 : i32
    %dma_wait3A_38 = tpu.memref_slice %arg2[%dma_wait3A, %add3A, %dma_wait3A_36, %dma_wait3A_37] : memref<2x32x78x128xi32, #tpu.memory_space<hbm>> -> memref<1x1x78x128xi32, #tpu.memory_space<hbm>>
    %dma_wait3A_39 = tpu.memref_squeeze %dma_wait3A_38 : memref<1x1x78x128xi32, #tpu.memory_space<hbm>> -> memref<78x128xi32, #tpu.memory_space<hbm>>
    %dma_wait3A_40 = arith.constant 0 : i32
    %dma_wait3A_41 = arith.constant 0 : i32
    %dma_wait3A_42 = tpu.memref_slice %arg2[%dma_wait3A, %add3A, %dma_wait3A_40, %dma_wait3A_41] : memref<2x32x78x128xi32, #tpu.memory_space<hbm>> -> memref<1x1x78x128xi32, #tpu.memory_space<hbm>>
    %dma_wait3A_43 = tpu.memref_squeeze %dma_wait3A_42 : memref<1x1x78x128xi32, #tpu.memory_space<hbm>> -> memref<78x128xi32, #tpu.memory_space<hbm>>
    tpu.wait_dma2 semaphore(%arg25 : memref<!tpu.dma_semaphore, #tpu.memory_space<semaphore_mem>>) src(%dma_wait3A_43 : memref<78x128xi32, #tpu.memory_space<hbm>>) dst(%arg7 : memref<78x128xi32, #tpu.memory_space<vmem>>)
    %dma_wait3A_44 = arith.constant 1 : i32
    %dma_wait3A_45 = arith.constant 0 : i32
    %dma_wait3A_46 = arith.constant 0 : i32
    %dma_wait3A_47 = tpu.memref_slice %arg2[%dma_wait3A_44, %add3A, %dma_wait3A_45, %dma_wait3A_46] : memref<2x32x78x128xi32, #tpu.memory_space<hbm>> -> memref<1x1x78x128xi32, #tpu.memory_space<hbm>>
    %dma_wait3A_48 = tpu.memref_squeeze %dma_wait3A_47 : memref<1x1x78x128xi32, #tpu.memory_space<hbm>> -> memref<78x128xi32, #tpu.memory_space<hbm>>
    %dma_wait3A_49 = arith.constant 0 : i32
    %dma_wait3A_50 = arith.constant 0 : i32
    %dma_wait3A_51 = tpu.memref_slice %arg2[%dma_wait3A_44, %add3A, %dma_wait3A_49, %dma_wait3A_50] : memref<2x32x78x128xi32, #tpu.memory_space<hbm>> -> memref<1x1x78x128xi32, #tpu.memory_space<hbm>>
    %dma_wait3A_52 = tpu.memref_squeeze %dma_wait3A_51 : memref<1x1x78x128xi32, #tpu.memory_space<hbm>> -> memref<78x128xi32, #tpu.memory_space<hbm>>
    tpu.wait_dma2 semaphore(%arg25 : memref<!tpu.dma_semaphore, #tpu.memory_space<semaphore_mem>>) src(%dma_wait3A_52 : memref<78x128xi32, #tpu.memory_space<hbm>>) dst(%arg8 : memref<78x128xi32, #tpu.memory_space<vmem>>)
    %dma_wait3A_53 = arith.constant 0 : i32
    %dma_wait3A_54 = arith.constant 0 : i32
    %dma_wait3A_55 = tpu.memref_slice %arg3[%dma_wait3A_53, %add3A, %dma_wait3A_54] : memref<2x32x16xi32, #tpu.memory_space<hbm>> -> memref<1x1x16xi32, #tpu.memory_space<hbm>>
    %dma_wait3A_56 = tpu.memref_squeeze %dma_wait3A_55 : memref<1x1x16xi32, #tpu.memory_space<hbm>> -> memref<16xi32, #tpu.memory_space<hbm>>
    %dma_wait3A_57 = arith.constant 0 : i32
    %dma_wait3A_58 = tpu.memref_slice %arg3[%dma_wait3A_53, %add3A, %dma_wait3A_57] : memref<2x32x16xi32, #tpu.memory_space<hbm>> -> memref<1x1x16xi32, #tpu.memory_space<hbm>>
    %dma_wait3A_59 = tpu.memref_squeeze %dma_wait3A_58 : memref<1x1x16xi32, #tpu.memory_space<hbm>> -> memref<16xi32, #tpu.memory_space<hbm>>
    tpu.wait_dma2 semaphore(%arg25 : memref<!tpu.dma_semaphore, #tpu.memory_space<semaphore_mem>>) src(%dma_wait3A_59 : memref<16xi32, #tpu.memory_space<hbm>>) dst(%arg9 : memref<16xi32, #tpu.memory_space<vmem>>)
    %dma_wait3A_60 = arith.constant 1 : i32
    %dma_wait3A_61 = arith.constant 0 : i32
    %dma_wait3A_62 = tpu.memref_slice %arg3[%dma_wait3A_60, %add3A, %dma_wait3A_61] : memref<2x32x16xi32, #tpu.memory_space<hbm>> -> memref<1x1x16xi32, #tpu.memory_space<hbm>>
    %dma_wait3A_63 = tpu.memref_squeeze %dma_wait3A_62 : memref<1x1x16xi32, #tpu.memory_space<hbm>> -> memref<16xi32, #tpu.memory_space<hbm>>
    %dma_wait3A_64 = arith.constant 0 : i32
    %dma_wait3A_65 = tpu.memref_slice %arg3[%dma_wait3A_60, %add3A, %dma_wait3A_64] : memref<2x32x16xi32, #tpu.memory_space<hbm>> -> memref<1x1x16xi32, #tpu.memory_space<hbm>>
    %dma_wait3A_66 = tpu.memref_squeeze %dma_wait3A_65 : memref<1x1x16xi32, #tpu.memory_space<hbm>> -> memref<16xi32, #tpu.memory_space<hbm>>
    tpu.wait_dma2 semaphore(%arg25 : memref<!tpu.dma_semaphore, #tpu.memory_space<semaphore_mem>>) src(%dma_wait3A_66 : memref<16xi32, #tpu.memory_space<hbm>>) dst(%arg10 : memref<16xi32, #tpu.memory_space<vmem>>)
    %dma_start3A_67 = arith.constant 0 : i32
    %dma_start3A_68 = arith.constant 0 : i32
    %dma_start3A_69 = tpu.memref_slice %arg7[%dma_start3A_67, %dma_start3A_68] : memref<78x128xi32, #tpu.memory_space<vmem>> -> memref<1x128xi32, #tpu.memory_space<vmem>>
    %dma_start3A_70 = tpu.memref_squeeze %dma_start3A_69 : memref<1x128xi32, #tpu.memory_space<vmem>> -> memref<128xi32, #tpu.memory_space<vmem>>
    %dma_start3A_71 = arith.constant 0 : i32
    %dma_start3A_72 = arith.constant 0 : i32
    %dma_start3A_73 = tpu.memref_slice %arg4[%dma_start3A_71, %dma_start3A_72] : memref<10000x32xf32, #tpu.memory_space<hbm>> -> memref<10000x32xf32, #tpu.memory_space<hbm>>
    tpu.enqueue_indirect_dma source(%dma_start3A_73 : memref<10000x32xf32, #tpu.memory_space<hbm>>) target(%arg12 : memref<128x32xf32, #tpu.memory_space<vmem>>) offsets(%dma_start3A_70 : memref<128xi32, #tpu.memory_space<vmem>>) semaphore(%arg19 : memref<!tpu.dma_semaphore, #tpu.memory_space<semaphore_mem>>)
    %dma_start3A_74 = arith.constant 1 : i32
    %dma_start3A_75 = arith.constant 0 : i32
    %dma_start3A_76 = tpu.memref_slice %arg7[%dma_start3A_74, %dma_start3A_75] : memref<78x128xi32, #tpu.memory_space<vmem>> -> memref<1x128xi32, #tpu.memory_space<vmem>>
    %dma_start3A_77 = tpu.memref_squeeze %dma_start3A_76 : memref<1x128xi32, #tpu.memory_space<vmem>> -> memref<128xi32, #tpu.memory_space<vmem>>
    %dma_start3A_78 = arith.constant 0 : i32
    %dma_start3A_79 = arith.constant 0 : i32
    %dma_start3A_80 = tpu.memref_slice %arg4[%dma_start3A_78, %dma_start3A_79] : memref<10000x32xf32, #tpu.memory_space<hbm>> -> memref<10000x32xf32, #tpu.memory_space<hbm>>
    tpu.enqueue_indirect_dma source(%dma_start3A_80 : memref<10000x32xf32, #tpu.memory_space<hbm>>) target(%arg13 : memref<128x32xf32, #tpu.memory_space<vmem>>) offsets(%dma_start3A_77 : memref<128xi32, #tpu.memory_space<vmem>>) semaphore(%arg20 : memref<!tpu.dma_semaphore, #tpu.memory_space<semaphore_mem>>)
    %dma_start3A_81 = arith.constant 2 : i32
    %dma_start3A_82 = arith.constant 0 : i32
    %dma_start3A_83 = tpu.memref_slice %arg7[%dma_start3A_81, %dma_start3A_82] : memref<78x128xi32, #tpu.memory_space<vmem>> -> memref<1x128xi32, #tpu.memory_space<vmem>>
    %dma_start3A_84 = tpu.memref_squeeze %dma_start3A_83 : memref<1x128xi32, #tpu.memory_space<vmem>> -> memref<128xi32, #tpu.memory_space<vmem>>
    %dma_start3A_85 = arith.constant 0 : i32
    %dma_start3A_86 = arith.constant 0 : i32
    %dma_start3A_87 = tpu.memref_slice %arg4[%dma_start3A_85, %dma_start3A_86] : memref<10000x32xf32, #tpu.memory_space<hbm>> -> memref<10000x32xf32, #tpu.memory_space<hbm>>
    tpu.enqueue_indirect_dma source(%dma_start3A_87 : memref<10000x32xf32, #tpu.memory_space<hbm>>) target(%arg14 : memref<128x32xf32, #tpu.memory_space<vmem>>) offsets(%dma_start3A_84 : memref<128xi32, #tpu.memory_space<vmem>>) semaphore(%arg21 : memref<!tpu.dma_semaphore, #tpu.memory_space<semaphore_mem>>)
    %dma_start3A_88 = arith.constant 3 : i32
    %dma_start3A_89 = arith.constant 0 : i32
    %dma_start3A_90 = tpu.memref_slice %arg7[%dma_start3A_88, %dma_start3A_89] : memref<78x128xi32, #tpu.memory_space<vmem>> -> memref<1x128xi32, #tpu.memory_space<vmem>>
    %dma_start3A_91 = tpu.memref_squeeze %dma_start3A_90 : memref<1x128xi32, #tpu.memory_space<vmem>> -> memref<128xi32, #tpu.memory_space<vmem>>
    %dma_start3A_92 = arith.constant 0 : i32
    %dma_start3A_93 = arith.constant 0 : i32
    %dma_start3A_94 = tpu.memref_slice %arg4[%dma_start3A_92, %dma_start3A_93] : memref<10000x32xf32, #tpu.memory_space<hbm>> -> memref<10000x32xf32, #tpu.memory_space<hbm>>
    tpu.enqueue_indirect_dma source(%dma_start3A_94 : memref<10000x32xf32, #tpu.memory_space<hbm>>) target(%arg15 : memref<128x32xf32, #tpu.memory_space<vmem>>) offsets(%dma_start3A_91 : memref<128xi32, #tpu.memory_space<vmem>>) semaphore(%arg22 : memref<!tpu.dma_semaphore, #tpu.memory_space<semaphore_mem>>)
    %dma_start3A_95 = arith.constant 4 : i32
    %dma_start3A_96 = arith.constant 0 : i32
    %dma_start3A_97 = tpu.memref_slice %arg7[%dma_start3A_95, %dma_start3A_96] : memref<78x128xi32, #tpu.memory_space<vmem>> -> memref<1x128xi32, #tpu.memory_space<vmem>>
    %dma_start3A_98 = tpu.memref_squeeze %dma_start3A_97 : memref<1x128xi32, #tpu.memory_space<vmem>> -> memref<128xi32, #tpu.memory_space<vmem>>
    %dma_start3A_99 = arith.constant 0 : i32
    %dma_start3A_100 = arith.constant 0 : i32
    %dma_start3A_101 = tpu.memref_slice %arg4[%dma_start3A_99, %dma_start3A_100] : memref<10000x32xf32, #tpu.memory_space<hbm>> -> memref<10000x32xf32, #tpu.memory_space<hbm>>
    tpu.enqueue_indirect_dma source(%dma_start3A_101 : memref<10000x32xf32, #tpu.memory_space<hbm>>) target(%arg16 : memref<128x32xf32, #tpu.memory_space<vmem>>) offsets(%dma_start3A_98 : memref<128xi32, #tpu.memory_space<vmem>>) semaphore(%arg23 : memref<!tpu.dma_semaphore, #tpu.memory_space<semaphore_mem>>)
    %dma_start3A_102 = arith.constant 5 : i32
    %dma_start3A_103 = arith.constant 0 : i32
    %dma_start3A_104 = tpu.memref_slice %arg7[%dma_start3A_102, %dma_start3A_103] : memref<78x128xi32, #tpu.memory_space<vmem>> -> memref<1x128xi32, #tpu.memory_space<vmem>>
    %dma_start3A_105 = tpu.memref_squeeze %dma_start3A_104 : memref<1x128xi32, #tpu.memory_space<vmem>> -> memref<128xi32, #tpu.memory_space<vmem>>
    %dma_start3A_106 = arith.constant 0 : i32
    %dma_start3A_107 = arith.constant 0 : i32
    %dma_start3A_108 = tpu.memref_slice %arg4[%dma_start3A_106, %dma_start3A_107] : memref<10000x32xf32, #tpu.memory_space<hbm>> -> memref<10000x32xf32, #tpu.memory_space<hbm>>
    tpu.enqueue_indirect_dma source(%dma_start3A_108 : memref<10000x32xf32, #tpu.memory_space<hbm>>) target(%arg17 : memref<128x32xf32, #tpu.memory_space<vmem>>) offsets(%dma_start3A_105 : memref<128xi32, #tpu.memory_space<vmem>>) semaphore(%arg24 : memref<!tpu.dma_semaphore, #tpu.memory_space<semaphore_mem>>)
    %dma_start3A_109 = arith.constant 0 : i32
    %dma_start3A_110 = arith.constant 0 : i32
    %dma_start3A_111 = tpu.memref_slice %arg4[%dma_start3A_109, %dma_start3A_110] : memref<10000x32xf32, #tpu.memory_space<hbm>> -> memref<10000x32xf32, #tpu.memory_space<hbm>>
    tpu.enqueue_indirect_dma source(%dma_start3A_111 : memref<10000x32xf32, #tpu.memory_space<hbm>>) target(%arg11 : memref<16x32xf32, #tpu.memory_space<vmem>>) offsets(%arg9 : memref<16xi32, #tpu.memory_space<vmem>>) semaphore(%arg25 : memref<!tpu.dma_semaphore, #tpu.memory_space<semaphore_mem>>)
    %barrier3A = arith.constant 0 : index
    tpu.barrier barrier_id(%barrier3A)
    %scan3A = arith.constant 0 : i32
    %scan3A_112 = arith.constant 0 : i32
    %scan3A_113 = arith.constant 13 : i32
    %scan3A_114 = arith.addi %scan3A_112, %scan3A_113 : i32
    %scan3A_115 = arith.constant 1 : i32
    scf.for %scan3A_125 = %scan3A_112 to %scan3A_114 step %scan3A_115  : i32 {
      %mul3A_126 = arith.constant 6 : i32
      %mul3A_127 = arith.muli %scan3A_125, %mul3A_126 : i32
      %add3A_128 = arith.constant 0 : i32
      %add3A_129 = arith.addi %mul3A_127, %add3A_128 : i32
      %dma_wait3A_130 = arith.constant 0 : i32
      %dma_wait3A_131 = tpu.memref_slice %arg7[%add3A_129, %dma_wait3A_130] : memref<78x128xi32, #tpu.memory_space<vmem>> -> memref<1x128xi32, #tpu.memory_space<vmem>>
      %dma_wait3A_132 = tpu.memref_squeeze %dma_wait3A_131 : memref<1x128xi32, #tpu.memory_space<vmem>> -> memref<128xi32, #tpu.memory_space<vmem>>
      %dma_wait3A_133 = arith.constant 0 : i32
      %dma_wait3A_134 = arith.constant 0 : i32
      %dma_wait3A_135 = tpu.memref_slice %arg4[%dma_wait3A_133, %dma_wait3A_134] : memref<10000x32xf32, #tpu.memory_space<hbm>> -> memref<10000x32xf32, #tpu.memory_space<hbm>>
      tpu.wait_indirect_dma semaphore(%arg19 : memref<!tpu.dma_semaphore, #tpu.memory_space<semaphore_mem>>) src(%dma_wait3A_135 : memref<10000x32xf32, #tpu.memory_space<hbm>>) dst(%arg12 : memref<128x32xf32, #tpu.memory_space<vmem>>)
      "tpu.region"() ({
        %run_scoped3A = tpu.sem_alloc : memref<!tpu.dma_semaphore, #tpu.memory_space<semaphore_mem>>
        %dma_start3A_225 = arith.constant 0 : i32
        %dma_start3A_226 = tpu.memref_slice %arg8[%add3A_129, %dma_start3A_225] : memref<78x128xi32, #tpu.memory_space<vmem>> -> memref<1x128xi32, #tpu.memory_space<vmem>>
        %dma_start3A_227 = tpu.memref_squeeze %dma_start3A_226 : memref<1x128xi32, #tpu.memory_space<vmem>> -> memref<128xi32, #tpu.memory_space<vmem>>
        %dma_start3A_228 = arith.constant 0 : i32
        %dma_start3A_229 = arith.constant 0 : i32
        %dma_start3A_230 = tpu.memref_slice %arg18[%dma_start3A_228, %dma_start3A_229] : memref<10240x32xf32, #tpu.memory_space<vmem_shared>> -> memref<10240x32xf32, #tpu.memory_space<vmem_shared>>
        tpu.enqueue_indirect_dma source(%arg12 : memref<128x32xf32, #tpu.memory_space<vmem>>) target(%dma_start3A_230 : memref<10240x32xf32, #tpu.memory_space<vmem_shared>>) offsets(%dma_start3A_227 : memref<128xi32, #tpu.memory_space<vmem>>) semaphore(%run_scoped3A : memref<!tpu.dma_semaphore, #tpu.memory_space<semaphore_mem>>) {add = true}
        %dma_wait3A_231 = arith.constant 0 : i32
        %dma_wait3A_232 = tpu.memref_slice %arg8[%add3A_129, %dma_wait3A_231] : memref<78x128xi32, #tpu.memory_space<vmem>> -> memref<1x128xi32, #tpu.memory_space<vmem>>
        %dma_wait3A_233 = tpu.memref_squeeze %dma_wait3A_232 : memref<1x128xi32, #tpu.memory_space<vmem>> -> memref<128xi32, #tpu.memory_space<vmem>>
        %dma_wait3A_234 = arith.constant 0 : i32
        %dma_wait3A_235 = arith.constant 0 : i32
        %dma_wait3A_236 = tpu.memref_slice %arg18[%dma_wait3A_234, %dma_wait3A_235] : memref<10240x32xf32, #tpu.memory_space<vmem_shared>> -> memref<10240x32xf32, #tpu.memory_space<vmem_shared>>
        tpu.wait_indirect_dma semaphore(%run_scoped3A : memref<!tpu.dma_semaphore, #tpu.memory_space<semaphore_mem>>) src(%arg12 : memref<128x32xf32, #tpu.memory_space<vmem>>) dst(%dma_wait3A_236 : memref<10240x32xf32, #tpu.memory_space<vmem_shared>>)
        tpu.yield
      }) : () -> ()
      %add3A_136 = arith.constant 6 : i32
      %add3A_137 = arith.addi %add3A_129, %add3A_136 : i32
      %lt3A = arith.constant 78 : i32
      %lt3A_138 = arith.cmpi slt, %add3A_137, %lt3A : i32
      %convert_element_type3A = arith.extui %lt3A_138 : i1 to i32
      %cond3A = arith.constant 0 : i32
      %cond3A_139 = arith.cmpi ne, %convert_element_type3A, %cond3A : i32
      scf.if %cond3A_139 {
        %add3A_225 = arith.constant 6 : i32
        %add3A_226 = arith.addi %add3A_129, %add3A_225 : i32
        %dma_start3A_227 = arith.constant 0 : i32
        %dma_start3A_228 = tpu.memref_slice %arg7[%add3A_226, %dma_start3A_227] : memref<78x128xi32, #tpu.memory_space<vmem>> -> memref<1x128xi32, #tpu.memory_space<vmem>>
        %dma_start3A_229 = tpu.memref_squeeze %dma_start3A_228 : memref<1x128xi32, #tpu.memory_space<vmem>> -> memref<128xi32, #tpu.memory_space<vmem>>
        %dma_start3A_230 = arith.constant 0 : i32
        %dma_start3A_231 = arith.constant 0 : i32
        %dma_start3A_232 = tpu.memref_slice %arg4[%dma_start3A_230, %dma_start3A_231] : memref<10000x32xf32, #tpu.memory_space<hbm>> -> memref<10000x32xf32, #tpu.memory_space<hbm>>
        tpu.enqueue_indirect_dma source(%dma_start3A_232 : memref<10000x32xf32, #tpu.memory_space<hbm>>) target(%arg12 : memref<128x32xf32, #tpu.memory_space<vmem>>) offsets(%dma_start3A_229 : memref<128xi32, #tpu.memory_space<vmem>>) semaphore(%arg19 : memref<!tpu.dma_semaphore, #tpu.memory_space<semaphore_mem>>)
      } else {
      }
      %mul3A_140 = arith.constant 6 : i32
      %mul3A_141 = arith.muli %scan3A_125, %mul3A_140 : i32
      %add3A_142 = arith.constant 1 : i32
      %add3A_143 = arith.addi %mul3A_141, %add3A_142 : i32
      %dma_wait3A_144 = arith.constant 0 : i32
      %dma_wait3A_145 = tpu.memref_slice %arg7[%add3A_143, %dma_wait3A_144] : memref<78x128xi32, #tpu.memory_space<vmem>> -> memref<1x128xi32, #tpu.memory_space<vmem>>
      %dma_wait3A_146 = tpu.memref_squeeze %dma_wait3A_145 : memref<1x128xi32, #tpu.memory_space<vmem>> -> memref<128xi32, #tpu.memory_space<vmem>>
      %dma_wait3A_147 = arith.constant 0 : i32
      %dma_wait3A_148 = arith.constant 0 : i32
      %dma_wait3A_149 = tpu.memref_slice %arg4[%dma_wait3A_147, %dma_wait3A_148] : memref<10000x32xf32, #tpu.memory_space<hbm>> -> memref<10000x32xf32, #tpu.memory_space<hbm>>
      tpu.wait_indirect_dma semaphore(%arg20 : memref<!tpu.dma_semaphore, #tpu.memory_space<semaphore_mem>>) src(%dma_wait3A_149 : memref<10000x32xf32, #tpu.memory_space<hbm>>) dst(%arg13 : memref<128x32xf32, #tpu.memory_space<vmem>>)
      "tpu.region"() ({
        %run_scoped3A = tpu.sem_alloc : memref<!tpu.dma_semaphore, #tpu.memory_space<semaphore_mem>>
        %dma_start3A_225 = arith.constant 0 : i32
        %dma_start3A_226 = tpu.memref_slice %arg8[%add3A_143, %dma_start3A_225] : memref<78x128xi32, #tpu.memory_space<vmem>> -> memref<1x128xi32, #tpu.memory_space<vmem>>
        %dma_start3A_227 = tpu.memref_squeeze %dma_start3A_226 : memref<1x128xi32, #tpu.memory_space<vmem>> -> memref<128xi32, #tpu.memory_space<vmem>>
        %dma_start3A_228 = arith.constant 0 : i32
        %dma_start3A_229 = arith.constant 0 : i32
        %dma_start3A_230 = tpu.memref_slice %arg18[%dma_start3A_228, %dma_start3A_229] : memref<10240x32xf32, #tpu.memory_space<vmem_shared>> -> memref<10240x32xf32, #tpu.memory_space<vmem_shared>>
        tpu.enqueue_indirect_dma source(%arg13 : memref<128x32xf32, #tpu.memory_space<vmem>>) target(%dma_start3A_230 : memref<10240x32xf32, #tpu.memory_space<vmem_shared>>) offsets(%dma_start3A_227 : memref<128xi32, #tpu.memory_space<vmem>>) semaphore(%run_scoped3A : memref<!tpu.dma_semaphore, #tpu.memory_space<semaphore_mem>>) {add = true}
        %dma_wait3A_231 = arith.constant 0 : i32
        %dma_wait3A_232 = tpu.memref_slice %arg8[%add3A_143, %dma_wait3A_231] : memref<78x128xi32, #tpu.memory_space<vmem>> -> memref<1x128xi32, #tpu.memory_space<vmem>>
        %dma_wait3A_233 = tpu.memref_squeeze %dma_wait3A_232 : memref<1x128xi32, #tpu.memory_space<vmem>> -> memref<128xi32, #tpu.memory_space<vmem>>
        %dma_wait3A_234 = arith.constant 0 : i32
        %dma_wait3A_235 = arith.constant 0 : i32
        %dma_wait3A_236 = tpu.memref_slice %arg18[%dma_wait3A_234, %dma_wait3A_235] : memref<10240x32xf32, #tpu.memory_space<vmem_shared>> -> memref<10240x32xf32, #tpu.memory_space<vmem_shared>>
        tpu.wait_indirect_dma semaphore(%run_scoped3A : memref<!tpu.dma_semaphore, #tpu.memory_space<semaphore_mem>>) src(%arg13 : memref<128x32xf32, #tpu.memory_space<vmem>>) dst(%dma_wait3A_236 : memref<10240x32xf32, #tpu.memory_space<vmem_shared>>)
        tpu.yield
      }) : () -> ()
      %add3A_150 = arith.constant 6 : i32
      %add3A_151 = arith.addi %add3A_143, %add3A_150 : i32
      %lt3A_152 = arith.constant 78 : i32
      %lt3A_153 = arith.cmpi slt, %add3A_151, %lt3A_152 : i32
      %convert_element_type3A_154 = arith.extui %lt3A_153 : i1 to i32
      %cond3A_155 = arith.constant 0 : i32
      %cond3A_156 = arith.cmpi ne, %convert_element_type3A_154, %cond3A_155 : i32
      scf.if %cond3A_156 {
        %add3A_225 = arith.constant 6 : i32
        %add3A_226 = arith.addi %add3A_143, %add3A_225 : i32
        %dma_start3A_227 = arith.constant 0 : i32
        %dma_start3A_228 = tpu.memref_slice %arg7[%add3A_226, %dma_start3A_227] : memref<78x128xi32, #tpu.memory_space<vmem>> -> memref<1x128xi32, #tpu.memory_space<vmem>>
        %dma_start3A_229 = tpu.memref_squeeze %dma_start3A_228 : memref<1x128xi32, #tpu.memory_space<vmem>> -> memref<128xi32, #tpu.memory_space<vmem>>
        %dma_start3A_230 = arith.constant 0 : i32
        %dma_start3A_231 = arith.constant 0 : i32
        %dma_start3A_232 = tpu.memref_slice %arg4[%dma_start3A_230, %dma_start3A_231] : memref<10000x32xf32, #tpu.memory_space<hbm>> -> memref<10000x32xf32, #tpu.memory_space<hbm>>
        tpu.enqueue_indirect_dma source(%dma_start3A_232 : memref<10000x32xf32, #tpu.memory_space<hbm>>) target(%arg13 : memref<128x32xf32, #tpu.memory_space<vmem>>) offsets(%dma_start3A_229 : memref<128xi32, #tpu.memory_space<vmem>>) semaphore(%arg20 : memref<!tpu.dma_semaphore, #tpu.memory_space<semaphore_mem>>)
      } else {
      }
      %mul3A_157 = arith.constant 6 : i32
      %mul3A_158 = arith.muli %scan3A_125, %mul3A_157 : i32
      %add3A_159 = arith.constant 2 : i32
      %add3A_160 = arith.addi %mul3A_158, %add3A_159 : i32
      %dma_wait3A_161 = arith.constant 0 : i32
      %dma_wait3A_162 = tpu.memref_slice %arg7[%add3A_160, %dma_wait3A_161] : memref<78x128xi32, #tpu.memory_space<vmem>> -> memref<1x128xi32, #tpu.memory_space<vmem>>
      %dma_wait3A_163 = tpu.memref_squeeze %dma_wait3A_162 : memref<1x128xi32, #tpu.memory_space<vmem>> -> memref<128xi32, #tpu.memory_space<vmem>>
      %dma_wait3A_164 = arith.constant 0 : i32
      %dma_wait3A_165 = arith.constant 0 : i32
      %dma_wait3A_166 = tpu.memref_slice %arg4[%dma_wait3A_164, %dma_wait3A_165] : memref<10000x32xf32, #tpu.memory_space<hbm>> -> memref<10000x32xf32, #tpu.memory_space<hbm>>
      tpu.wait_indirect_dma semaphore(%arg21 : memref<!tpu.dma_semaphore, #tpu.memory_space<semaphore_mem>>) src(%dma_wait3A_166 : memref<10000x32xf32, #tpu.memory_space<hbm>>) dst(%arg14 : memref<128x32xf32, #tpu.memory_space<vmem>>)
      "tpu.region"() ({
        %run_scoped3A = tpu.sem_alloc : memref<!tpu.dma_semaphore, #tpu.memory_space<semaphore_mem>>
        %dma_start3A_225 = arith.constant 0 : i32
        %dma_start3A_226 = tpu.memref_slice %arg8[%add3A_160, %dma_start3A_225] : memref<78x128xi32, #tpu.memory_space<vmem>> -> memref<1x128xi32, #tpu.memory_space<vmem>>
        %dma_start3A_227 = tpu.memref_squeeze %dma_start3A_226 : memref<1x128xi32, #tpu.memory_space<vmem>> -> memref<128xi32, #tpu.memory_space<vmem>>
        %dma_start3A_228 = arith.constant 0 : i32
        %dma_start3A_229 = arith.constant 0 : i32
        %dma_start3A_230 = tpu.memref_slice %arg18[%dma_start3A_228, %dma_start3A_229] : memref<10240x32xf32, #tpu.memory_space<vmem_shared>> -> memref<10240x32xf32, #tpu.memory_space<vmem_shared>>
        tpu.enqueue_indirect_dma source(%arg14 : memref<128x32xf32, #tpu.memory_space<vmem>>) target(%dma_start3A_230 : memref<10240x32xf32, #tpu.memory_space<vmem_shared>>) offsets(%dma_start3A_227 : memref<128xi32, #tpu.memory_space<vmem>>) semaphore(%run_scoped3A : memref<!tpu.dma_semaphore, #tpu.memory_space<semaphore_mem>>) {add = true}
        %dma_wait3A_231 = arith.constant 0 : i32
        %dma_wait3A_232 = tpu.memref_slice %arg8[%add3A_160, %dma_wait3A_231] : memref<78x128xi32, #tpu.memory_space<vmem>> -> memref<1x128xi32, #tpu.memory_space<vmem>>
        %dma_wait3A_233 = tpu.memref_squeeze %dma_wait3A_232 : memref<1x128xi32, #tpu.memory_space<vmem>> -> memref<128xi32, #tpu.memory_space<vmem>>
        %dma_wait3A_234 = arith.constant 0 : i32
        %dma_wait3A_235 = arith.constant 0 : i32
        %dma_wait3A_236 = tpu.memref_slice %arg18[%dma_wait3A_234, %dma_wait3A_235] : memref<10240x32xf32, #tpu.memory_space<vmem_shared>> -> memref<10240x32xf32, #tpu.memory_space<vmem_shared>>
        tpu.wait_indirect_dma semaphore(%run_scoped3A : memref<!tpu.dma_semaphore, #tpu.memory_space<semaphore_mem>>) src(%arg14 : memref<128x32xf32, #tpu.memory_space<vmem>>) dst(%dma_wait3A_236 : memref<10240x32xf32, #tpu.memory_space<vmem_shared>>)
        tpu.yield
      }) : () -> ()
      %add3A_167 = arith.constant 6 : i32
      %add3A_168 = arith.addi %add3A_160, %add3A_167 : i32
      %lt3A_169 = arith.constant 78 : i32
      %lt3A_170 = arith.cmpi slt, %add3A_168, %lt3A_169 : i32
      %convert_element_type3A_171 = arith.extui %lt3A_170 : i1 to i32
      %cond3A_172 = arith.constant 0 : i32
      %cond3A_173 = arith.cmpi ne, %convert_element_type3A_171, %cond3A_172 : i32
      scf.if %cond3A_173 {
        %add3A_225 = arith.constant 6 : i32
        %add3A_226 = arith.addi %add3A_160, %add3A_225 : i32
        %dma_start3A_227 = arith.constant 0 : i32
        %dma_start3A_228 = tpu.memref_slice %arg7[%add3A_226, %dma_start3A_227] : memref<78x128xi32, #tpu.memory_space<vmem>> -> memref<1x128xi32, #tpu.memory_space<vmem>>
        %dma_start3A_229 = tpu.memref_squeeze %dma_start3A_228 : memref<1x128xi32, #tpu.memory_space<vmem>> -> memref<128xi32, #tpu.memory_space<vmem>>
        %dma_start3A_230 = arith.constant 0 : i32
        %dma_start3A_231 = arith.constant 0 : i32
        %dma_start3A_232 = tpu.memref_slice %arg4[%dma_start3A_230, %dma_start3A_231] : memref<10000x32xf32, #tpu.memory_space<hbm>> -> memref<10000x32xf32, #tpu.memory_space<hbm>>
        tpu.enqueue_indirect_dma source(%dma_start3A_232 : memref<10000x32xf32, #tpu.memory_space<hbm>>) target(%arg14 : memref<128x32xf32, #tpu.memory_space<vmem>>) offsets(%dma_start3A_229 : memref<128xi32, #tpu.memory_space<vmem>>) semaphore(%arg21 : memref<!tpu.dma_semaphore, #tpu.memory_space<semaphore_mem>>)
      } else {
      }
      %mul3A_174 = arith.constant 6 : i32
      %mul3A_175 = arith.muli %scan3A_125, %mul3A_174 : i32
      %add3A_176 = arith.constant 3 : i32
      %add3A_177 = arith.addi %mul3A_175, %add3A_176 : i32
      %dma_wait3A_178 = arith.constant 0 : i32
      %dma_wait3A_179 = tpu.memref_slice %arg7[%add3A_177, %dma_wait3A_178] : memref<78x128xi32, #tpu.memory_space<vmem>> -> memref<1x128xi32, #tpu.memory_space<vmem>>
      %dma_wait3A_180 = tpu.memref_squeeze %dma_wait3A_179 : memref<1x128xi32, #tpu.memory_space<vmem>> -> memref<128xi32, #tpu.memory_space<vmem>>
      %dma_wait3A_181 = arith.constant 0 : i32
      %dma_wait3A_182 = arith.constant 0 : i32
      %dma_wait3A_183 = tpu.memref_slice %arg4[%dma_wait3A_181, %dma_wait3A_182] : memref<10000x32xf32, #tpu.memory_space<hbm>> -> memref<10000x32xf32, #tpu.memory_space<hbm>>
      tpu.wait_indirect_dma semaphore(%arg22 : memref<!tpu.dma_semaphore, #tpu.memory_space<semaphore_mem>>) src(%dma_wait3A_183 : memref<10000x32xf32, #tpu.memory_space<hbm>>) dst(%arg15 : memref<128x32xf32, #tpu.memory_space<vmem>>)
      "tpu.region"() ({
        %run_scoped3A = tpu.sem_alloc : memref<!tpu.dma_semaphore, #tpu.memory_space<semaphore_mem>>
        %dma_start3A_225 = arith.constant 0 : i32
        %dma_start3A_226 = tpu.memref_slice %arg8[%add3A_177, %dma_start3A_225] : memref<78x128xi32, #tpu.memory_space<vmem>> -> memref<1x128xi32, #tpu.memory_space<vmem>>
        %dma_start3A_227 = tpu.memref_squeeze %dma_start3A_226 : memref<1x128xi32, #tpu.memory_space<vmem>> -> memref<128xi32, #tpu.memory_space<vmem>>
        %dma_start3A_228 = arith.constant 0 : i32
        %dma_start3A_229 = arith.constant 0 : i32
        %dma_start3A_230 = tpu.memref_slice %arg18[%dma_start3A_228, %dma_start3A_229] : memref<10240x32xf32, #tpu.memory_space<vmem_shared>> -> memref<10240x32xf32, #tpu.memory_space<vmem_shared>>
        tpu.enqueue_indirect_dma source(%arg15 : memref<128x32xf32, #tpu.memory_space<vmem>>) target(%dma_start3A_230 : memref<10240x32xf32, #tpu.memory_space<vmem_shared>>) offsets(%dma_start3A_227 : memref<128xi32, #tpu.memory_space<vmem>>) semaphore(%run_scoped3A : memref<!tpu.dma_semaphore, #tpu.memory_space<semaphore_mem>>) {add = true}
        %dma_wait3A_231 = arith.constant 0 : i32
        %dma_wait3A_232 = tpu.memref_slice %arg8[%add3A_177, %dma_wait3A_231] : memref<78x128xi32, #tpu.memory_space<vmem>> -> memref<1x128xi32, #tpu.memory_space<vmem>>
        %dma_wait3A_233 = tpu.memref_squeeze %dma_wait3A_232 : memref<1x128xi32, #tpu.memory_space<vmem>> -> memref<128xi32, #tpu.memory_space<vmem>>
        %dma_wait3A_234 = arith.constant 0 : i32
        %dma_wait3A_235 = arith.constant 0 : i32
        %dma_wait3A_236 = tpu.memref_slice %arg18[%dma_wait3A_234, %dma_wait3A_235] : memref<10240x32xf32, #tpu.memory_space<vmem_shared>> -> memref<10240x32xf32, #tpu.memory_space<vmem_shared>>
        tpu.wait_indirect_dma semaphore(%run_scoped3A : memref<!tpu.dma_semaphore, #tpu.memory_space<semaphore_mem>>) src(%arg15 : memref<128x32xf32, #tpu.memory_space<vmem>>) dst(%dma_wait3A_236 : memref<10240x32xf32, #tpu.memory_space<vmem_shared>>)
        tpu.yield
      }) : () -> ()
      %add3A_184 = arith.constant 6 : i32
      %add3A_185 = arith.addi %add3A_177, %add3A_184 : i32
      %lt3A_186 = arith.constant 78 : i32
      %lt3A_187 = arith.cmpi slt, %add3A_185, %lt3A_186 : i32
      %convert_element_type3A_188 = arith.extui %lt3A_187 : i1 to i32
      %cond3A_189 = arith.constant 0 : i32
      %cond3A_190 = arith.cmpi ne, %convert_element_type3A_188, %cond3A_189 : i32
      scf.if %cond3A_190 {
        %add3A_225 = arith.constant 6 : i32
        %add3A_226 = arith.addi %add3A_177, %add3A_225 : i32
        %dma_start3A_227 = arith.constant 0 : i32
        %dma_start3A_228 = tpu.memref_slice %arg7[%add3A_226, %dma_start3A_227] : memref<78x128xi32, #tpu.memory_space<vmem>> -> memref<1x128xi32, #tpu.memory_space<vmem>>
        %dma_start3A_229 = tpu.memref_squeeze %dma_start3A_228 : memref<1x128xi32, #tpu.memory_space<vmem>> -> memref<128xi32, #tpu.memory_space<vmem>>
        %dma_start3A_230 = arith.constant 0 : i32
        %dma_start3A_231 = arith.constant 0 : i32
        %dma_start3A_232 = tpu.memref_slice %arg4[%dma_start3A_230, %dma_start3A_231] : memref<10000x32xf32, #tpu.memory_space<hbm>> -> memref<10000x32xf32, #tpu.memory_space<hbm>>
        tpu.enqueue_indirect_dma source(%dma_start3A_232 : memref<10000x32xf32, #tpu.memory_space<hbm>>) target(%arg15 : memref<128x32xf32, #tpu.memory_space<vmem>>) offsets(%dma_start3A_229 : memref<128xi32, #tpu.memory_space<vmem>>) semaphore(%arg22 : memref<!tpu.dma_semaphore, #tpu.memory_space<semaphore_mem>>)
      } else {
      }
      %mul3A_191 = arith.constant 6 : i32
      %mul3A_192 = arith.muli %scan3A_125, %mul3A_191 : i32
      %add3A_193 = arith.constant 4 : i32
      %add3A_194 = arith.addi %mul3A_192, %add3A_193 : i32
      %dma_wait3A_195 = arith.constant 0 : i32
      %dma_wait3A_196 = tpu.memref_slice %arg7[%add3A_194, %dma_wait3A_195] : memref<78x128xi32, #tpu.memory_space<vmem>> -> memref<1x128xi32, #tpu.memory_space<vmem>>
      %dma_wait3A_197 = tpu.memref_squeeze %dma_wait3A_196 : memref<1x128xi32, #tpu.memory_space<vmem>> -> memref<128xi32, #tpu.memory_space<vmem>>
      %dma_wait3A_198 = arith.constant 0 : i32
      %dma_wait3A_199 = arith.constant 0 : i32
      %dma_wait3A_200 = tpu.memref_slice %arg4[%dma_wait3A_198, %dma_wait3A_199] : memref<10000x32xf32, #tpu.memory_space<hbm>> -> memref<10000x32xf32, #tpu.memory_space<hbm>>
      tpu.wait_indirect_dma semaphore(%arg23 : memref<!tpu.dma_semaphore, #tpu.memory_space<semaphore_mem>>) src(%dma_wait3A_200 : memref<10000x32xf32, #tpu.memory_space<hbm>>) dst(%arg16 : memref<128x32xf32, #tpu.memory_space<vmem>>)
      "tpu.region"() ({
        %run_scoped3A = tpu.sem_alloc : memref<!tpu.dma_semaphore, #tpu.memory_space<semaphore_mem>>
        %dma_start3A_225 = arith.constant 0 : i32
        %dma_start3A_226 = tpu.memref_slice %arg8[%add3A_194, %dma_start3A_225] : memref<78x128xi32, #tpu.memory_space<vmem>> -> memref<1x128xi32, #tpu.memory_space<vmem>>
        %dma_start3A_227 = tpu.memref_squeeze %dma_start3A_226 : memref<1x128xi32, #tpu.memory_space<vmem>> -> memref<128xi32, #tpu.memory_space<vmem>>
        %dma_start3A_228 = arith.constant 0 : i32
        %dma_start3A_229 = arith.constant 0 : i32
        %dma_start3A_230 = tpu.memref_slice %arg18[%dma_start3A_228, %dma_start3A_229] : memref<10240x32xf32, #tpu.memory_space<vmem_shared>> -> memref<10240x32xf32, #tpu.memory_space<vmem_shared>>
        tpu.enqueue_indirect_dma source(%arg16 : memref<128x32xf32, #tpu.memory_space<vmem>>) target(%dma_start3A_230 : memref<10240x32xf32, #tpu.memory_space<vmem_shared>>) offsets(%dma_start3A_227 : memref<128xi32, #tpu.memory_space<vmem>>) semaphore(%run_scoped3A : memref<!tpu.dma_semaphore, #tpu.memory_space<semaphore_mem>>) {add = true}
        %dma_wait3A_231 = arith.constant 0 : i32
        %dma_wait3A_232 = tpu.memref_slice %arg8[%add3A_194, %dma_wait3A_231] : memref<78x128xi32, #tpu.memory_space<vmem>> -> memref<1x128xi32, #tpu.memory_space<vmem>>
        %dma_wait3A_233 = tpu.memref_squeeze %dma_wait3A_232 : memref<1x128xi32, #tpu.memory_space<vmem>> -> memref<128xi32, #tpu.memory_space<vmem>>
        %dma_wait3A_234 = arith.constant 0 : i32
        %dma_wait3A_235 = arith.constant 0 : i32
        %dma_wait3A_236 = tpu.memref_slice %arg18[%dma_wait3A_234, %dma_wait3A_235] : memref<10240x32xf32, #tpu.memory_space<vmem_shared>> -> memref<10240x32xf32, #tpu.memory_space<vmem_shared>>
        tpu.wait_indirect_dma semaphore(%run_scoped3A : memref<!tpu.dma_semaphore, #tpu.memory_space<semaphore_mem>>) src(%arg16 : memref<128x32xf32, #tpu.memory_space<vmem>>) dst(%dma_wait3A_236 : memref<10240x32xf32, #tpu.memory_space<vmem_shared>>)
        tpu.yield
      }) : () -> ()
      %add3A_201 = arith.constant 6 : i32
      %add3A_202 = arith.addi %add3A_194, %add3A_201 : i32
      %lt3A_203 = arith.constant 78 : i32
      %lt3A_204 = arith.cmpi slt, %add3A_202, %lt3A_203 : i32
      %convert_element_type3A_205 = arith.extui %lt3A_204 : i1 to i32
      %cond3A_206 = arith.constant 0 : i32
      %cond3A_207 = arith.cmpi ne, %convert_element_type3A_205, %cond3A_206 : i32
      scf.if %cond3A_207 {
        %add3A_225 = arith.constant 6 : i32
        %add3A_226 = arith.addi %add3A_194, %add3A_225 : i32
        %dma_start3A_227 = arith.constant 0 : i32
        %dma_start3A_228 = tpu.memref_slice %arg7[%add3A_226, %dma_start3A_227] : memref<78x128xi32, #tpu.memory_space<vmem>> -> memref<1x128xi32, #tpu.memory_space<vmem>>
        %dma_start3A_229 = tpu.memref_squeeze %dma_start3A_228 : memref<1x128xi32, #tpu.memory_space<vmem>> -> memref<128xi32, #tpu.memory_space<vmem>>
        %dma_start3A_230 = arith.constant 0 : i32
        %dma_start3A_231 = arith.constant 0 : i32
        %dma_start3A_232 = tpu.memref_slice %arg4[%dma_start3A_230, %dma_start3A_231] : memref<10000x32xf32, #tpu.memory_space<hbm>> -> memref<10000x32xf32, #tpu.memory_space<hbm>>
        tpu.enqueue_indirect_dma source(%dma_start3A_232 : memref<10000x32xf32, #tpu.memory_space<hbm>>) target(%arg16 : memref<128x32xf32, #tpu.memory_space<vmem>>) offsets(%dma_start3A_229 : memref<128xi32, #tpu.memory_space<vmem>>) semaphore(%arg23 : memref<!tpu.dma_semaphore, #tpu.memory_space<semaphore_mem>>)
      } else {
      }
      %mul3A_208 = arith.constant 6 : i32
      %mul3A_209 = arith.muli %scan3A_125, %mul3A_208 : i32
      %add3A_210 = arith.constant 5 : i32
      %add3A_211 = arith.addi %mul3A_209, %add3A_210 : i32
      %dma_wait3A_212 = arith.constant 0 : i32
      %dma_wait3A_213 = tpu.memref_slice %arg7[%add3A_211, %dma_wait3A_212] : memref<78x128xi32, #tpu.memory_space<vmem>> -> memref<1x128xi32, #tpu.memory_space<vmem>>
      %dma_wait3A_214 = tpu.memref_squeeze %dma_wait3A_213 : memref<1x128xi32, #tpu.memory_space<vmem>> -> memref<128xi32, #tpu.memory_space<vmem>>
      %dma_wait3A_215 = arith.constant 0 : i32
      %dma_wait3A_216 = arith.constant 0 : i32
      %dma_wait3A_217 = tpu.memref_slice %arg4[%dma_wait3A_215, %dma_wait3A_216] : memref<10000x32xf32, #tpu.memory_space<hbm>> -> memref<10000x32xf32, #tpu.memory_space<hbm>>
      tpu.wait_indirect_dma semaphore(%arg24 : memref<!tpu.dma_semaphore, #tpu.memory_space<semaphore_mem>>) src(%dma_wait3A_217 : memref<10000x32xf32, #tpu.memory_space<hbm>>) dst(%arg17 : memref<128x32xf32, #tpu.memory_space<vmem>>)
      "tpu.region"() ({
        %run_scoped3A = tpu.sem_alloc : memref<!tpu.dma_semaphore, #tpu.memory_space<semaphore_mem>>
        %dma_start3A_225 = arith.constant 0 : i32
        %dma_start3A_226 = tpu.memref_slice %arg8[%add3A_211, %dma_start3A_225] : memref<78x128xi32, #tpu.memory_space<vmem>> -> memref<1x128xi32, #tpu.memory_space<vmem>>
        %dma_start3A_227 = tpu.memref_squeeze %dma_start3A_226 : memref<1x128xi32, #tpu.memory_space<vmem>> -> memref<128xi32, #tpu.memory_space<vmem>>
        %dma_start3A_228 = arith.constant 0 : i32
        %dma_start3A_229 = arith.constant 0 : i32
        %dma_start3A_230 = tpu.memref_slice %arg18[%dma_start3A_228, %dma_start3A_229] : memref<10240x32xf32, #tpu.memory_space<vmem_shared>> -> memref<10240x32xf32, #tpu.memory_space<vmem_shared>>
        tpu.enqueue_indirect_dma source(%arg17 : memref<128x32xf32, #tpu.memory_space<vmem>>) target(%dma_start3A_230 : memref<10240x32xf32, #tpu.memory_space<vmem_shared>>) offsets(%dma_start3A_227 : memref<128xi32, #tpu.memory_space<vmem>>) semaphore(%run_scoped3A : memref<!tpu.dma_semaphore, #tpu.memory_space<semaphore_mem>>) {add = true}
        %dma_wait3A_231 = arith.constant 0 : i32
        %dma_wait3A_232 = tpu.memref_slice %arg8[%add3A_211, %dma_wait3A_231] : memref<78x128xi32, #tpu.memory_space<vmem>> -> memref<1x128xi32, #tpu.memory_space<vmem>>
        %dma_wait3A_233 = tpu.memref_squeeze %dma_wait3A_232 : memref<1x128xi32, #tpu.memory_space<vmem>> -> memref<128xi32, #tpu.memory_space<vmem>>
        %dma_wait3A_234 = arith.constant 0 : i32
        %dma_wait3A_235 = arith.constant 0 : i32
        %dma_wait3A_236 = tpu.memref_slice %arg18[%dma_wait3A_234, %dma_wait3A_235] : memref<10240x32xf32, #tpu.memory_space<vmem_shared>> -> memref<10240x32xf32, #tpu.memory_space<vmem_shared>>
        tpu.wait_indirect_dma semaphore(%run_scoped3A : memref<!tpu.dma_semaphore, #tpu.memory_space<semaphore_mem>>) src(%arg17 : memref<128x32xf32, #tpu.memory_space<vmem>>) dst(%dma_wait3A_236 : memref<10240x32xf32, #tpu.memory_space<vmem_shared>>)
        tpu.yield
      }) : () -> ()
      %add3A_218 = arith.constant 6 : i32
      %add3A_219 = arith.addi %add3A_211, %add3A_218 : i32
      %lt3A_220 = arith.constant 78 : i32
      %lt3A_221 = arith.cmpi slt, %add3A_219, %lt3A_220 : i32
      %convert_element_type3A_222 = arith.extui %lt3A_221 : i1 to i32
      %cond3A_223 = arith.constant 0 : i32
      %cond3A_224 = arith.cmpi ne, %convert_element_type3A_222, %cond3A_223 : i32
      scf.if %cond3A_224 {
        %add3A_225 = arith.constant 6 : i32
        %add3A_226 = arith.addi %add3A_211, %add3A_225 : i32
        %dma_start3A_227 = arith.constant 0 : i32
        %dma_start3A_228 = tpu.memref_slice %arg7[%add3A_226, %dma_start3A_227] : memref<78x128xi32, #tpu.memory_space<vmem>> -> memref<1x128xi32, #tpu.memory_space<vmem>>
        %dma_start3A_229 = tpu.memref_squeeze %dma_start3A_228 : memref<1x128xi32, #tpu.memory_space<vmem>> -> memref<128xi32, #tpu.memory_space<vmem>>
        %dma_start3A_230 = arith.constant 0 : i32
        %dma_start3A_231 = arith.constant 0 : i32
        %dma_start3A_232 = tpu.memref_slice %arg4[%dma_start3A_230, %dma_start3A_231] : memref<10000x32xf32, #tpu.memory_space<hbm>> -> memref<10000x32xf32, #tpu.memory_space<hbm>>
        tpu.enqueue_indirect_dma source(%dma_start3A_232 : memref<10000x32xf32, #tpu.memory_space<hbm>>) target(%arg17 : memref<128x32xf32, #tpu.memory_space<vmem>>) offsets(%dma_start3A_229 : memref<128xi32, #tpu.memory_space<vmem>>) semaphore(%arg24 : memref<!tpu.dma_semaphore, #tpu.memory_space<semaphore_mem>>)
      } else {
      }
    }
    %scan3A_116 = arith.constant 13 : i32
    %dma_wait3A_117 = arith.constant 0 : i32
    %dma_wait3A_118 = arith.constant 0 : i32
    %dma_wait3A_119 = tpu.memref_slice %arg4[%dma_wait3A_117, %dma_wait3A_118] : memref<10000x32xf32, #tpu.memory_space<hbm>> -> memref<10000x32xf32, #tpu.memory_space<hbm>>
    tpu.wait_indirect_dma semaphore(%arg25 : memref<!tpu.dma_semaphore, #tpu.memory_space<semaphore_mem>>) src(%dma_wait3A_119 : memref<10000x32xf32, #tpu.memory_space<hbm>>) dst(%arg11 : memref<16x32xf32, #tpu.memory_space<vmem>>)
    "tpu.region"() ({
      %run_scoped3A = tpu.sem_alloc : memref<!tpu.dma_semaphore, #tpu.memory_space<semaphore_mem>>
      %dma_start3A_125 = arith.constant 0 : i32
      %dma_start3A_126 = arith.constant 0 : i32
      %dma_start3A_127 = tpu.memref_slice %arg18[%dma_start3A_125, %dma_start3A_126] : memref<10240x32xf32, #tpu.memory_space<vmem_shared>> -> memref<10240x32xf32, #tpu.memory_space<vmem_shared>>
      tpu.enqueue_indirect_dma source(%arg11 : memref<16x32xf32, #tpu.memory_space<vmem>>) target(%dma_start3A_127 : memref<10240x32xf32, #tpu.memory_space<vmem_shared>>) offsets(%arg10 : memref<16xi32, #tpu.memory_space<vmem>>) semaphore(%run_scoped3A : memref<!tpu.dma_semaphore, #tpu.memory_space<semaphore_mem>>) {add = true}
      %dma_wait3A_128 = arith.constant 0 : i32
      %dma_wait3A_129 = arith.constant 0 : i32
      %dma_wait3A_130 = tpu.memref_slice %arg18[%dma_wait3A_128, %dma_wait3A_129] : memref<10240x32xf32, #tpu.memory_space<vmem_shared>> -> memref<10240x32xf32, #tpu.memory_space<vmem_shared>>
      tpu.wait_indirect_dma semaphore(%run_scoped3A : memref<!tpu.dma_semaphore, #tpu.memory_space<semaphore_mem>>) src(%arg11 : memref<16x32xf32, #tpu.memory_space<vmem>>) dst(%dma_wait3A_130 : memref<10240x32xf32, #tpu.memory_space<vmem_shared>>)
      tpu.yield
    }) : () -> ()
    %barrier3A_120 = arith.constant 0 : index
    tpu.barrier barrier_id(%barrier3A_120)
    %mul3A_121 = arith.constant 640 : i32
    %mul3A_122 = arith.muli %arg1, %mul3A_121 : i32
    %mul3A_123 = arith.constant 640 : i32
    %mul3A_124 = arith.muli %arg1, %mul3A_123 : i32
    "tpu.region"() ({
      %run_scoped3A = tpu.sem_alloc : memref<!tpu.dma_semaphore, #tpu.memory_space<semaphore_mem>>
      %dma_start3A_125 = arith.constant 0 : i32
      %dma_start3A_126 = tpu.memref_slice %arg6[%arg0, %mul3A_124, %dma_start3A_125] : memref<2x10240x32xf32, #tpu.memory_space<hbm>> -> memref<1x640x32xf32, #tpu.memory_space<hbm>>
      %dma_start3A_127 = tpu.memref_squeeze %dma_start3A_126 : memref<1x640x32xf32, #tpu.memory_space<hbm>> -> memref<640x32xf32, #tpu.memory_space<hbm>>
      %dma_start3A_128 = arith.constant 0 : i32
      %dma_start3A_129 = tpu.memref_slice %arg18[%mul3A_122, %dma_start3A_128] : memref<10240x32xf32, #tpu.memory_space<vmem_shared>> -> memref<640x32xf32, #tpu.memory_space<vmem_shared>>
      tpu.enqueue_dma source(%dma_start3A_129 : memref<640x32xf32, #tpu.memory_space<vmem_shared>>) target(%dma_start3A_127 : memref<640x32xf32, #tpu.memory_space<hbm>>) target_semaphore(%run_scoped3A : memref<!tpu.dma_semaphore, #tpu.memory_space<semaphore_mem>>)
      %dma_wait3A_130 = arith.constant 0 : i32
      %dma_wait3A_131 = tpu.memref_slice %arg6[%arg0, %mul3A_124, %dma_wait3A_130] : memref<2x10240x32xf32, #tpu.memory_space<hbm>> -> memref<1x640x32xf32, #tpu.memory_space<hbm>>
      %dma_wait3A_132 = tpu.memref_squeeze %dma_wait3A_131 : memref<1x640x32xf32, #tpu.memory_space<hbm>> -> memref<640x32xf32, #tpu.memory_space<hbm>>
      %dma_wait3A_133 = arith.constant 0 : i32
      %dma_wait3A_134 = tpu.memref_slice %arg18[%mul3A_122, %dma_wait3A_133] : memref<10240x32xf32, #tpu.memory_space<vmem_shared>> -> memref<640x32xf32, #tpu.memory_space<vmem_shared>>
      tpu.wait_dma2 semaphore(%run_scoped3A : memref<!tpu.dma_semaphore, #tpu.memory_space<semaphore_mem>>) src(%dma_wait3A_134 : memref<640x32xf32, #tpu.memory_space<vmem_shared>>) dst(%dma_wait3A_132 : memref<640x32xf32, #tpu.memory_space<hbm>>)
      tpu.yield
    }) : () -> ()
    return
  }
}

#map = affine_map<(d0, d1) -> (0, 0, 0, 0)>
#map1 = affine_map<(d0, d1) -> (0, 0, 0)>
#map2 = affine_map<(d0, d1) -> (0, 0)>
module attributes {stable_mosaic.version = 14 : i64} {
  func.func @edge_sum(%arg0: i32, %arg1: i32, %arg2: memref<2x32x78x128xi32, #tpu.memory_space<hbm>>, %arg3: memref<2x32x16xi32, #tpu.memory_space<hbm>>, %arg4: memref<10000x64xf32, #tpu.memory_space<hbm>>, %arg5: memref<10240x64xf32, #tpu.memory_space<hbm>>, %arg6: memref<2x10240x64xf32, #tpu.memory_space<hbm>>, %arg7: memref<78x128xi32, #tpu.memory_space<vmem>>, %arg8: memref<78x128xi32, #tpu.memory_space<vmem>>, %arg9: memref<16xi32, #tpu.memory_space<vmem>>, %arg10: memref<16xi32, #tpu.memory_space<vmem>>, %arg11: memref<16x64xf32, #tpu.memory_space<vmem>>, %arg12: memref<128x64xf32, #tpu.memory_space<vmem>>, %arg13: memref<128x64xf32, #tpu.memory_space<vmem>>, %arg14: memref<128x64xf32, #tpu.memory_space<vmem>>, %arg15: memref<128x64xf32, #tpu.memory_space<vmem>>, %arg16: memref<128x64xf32, #tpu.memory_space<vmem>>, %arg17: memref<128x64xf32, #tpu.memory_space<vmem>>, %arg18: memref<10240x64xf32, #tpu.memory_space<vmem_shared>>, %arg19: memref<!tpu.dma_semaphore, #tpu.memory_space<semaphore_mem>>, %arg20: memref<!tpu.dma_semaphore, #tpu.memory_space<semaphore_mem>>, %arg21: memref<!tpu.dma_semaphore, #tpu.memory_space<semaphore_mem>>, %arg22: memref<!tpu.dma_semaphore, #tpu.memory_space<semaphore_mem>>, %arg23: memref<!tpu.dma_semaphore, #tpu.memory_space<semaphore_mem>>, %arg24: memref<!tpu.dma_semaphore, #tpu.memory_space<semaphore_mem>>, %arg25: memref<!tpu.dma_semaphore, #tpu.memory_space<semaphore_mem>>) attributes {dimension_semantics = [#tpu.dimension_semantics<core_parallel>, #tpu.dimension_semantics<subcore_parallel>], iteration_bounds = array<i64: 2, 16>, scalar_prefetch = 0 : i64, scratch_operands = 19 : i64, tpu.core_type = #tpu.core_type<sc_vector_subcore>, window_params = [{transform_indices = #map}, {transform_indices = #map1}, {transform_indices = #map2}, {transform_indices = #map2}, {transform_indices = #map1}]} {
    %mul3A = arith.constant 16 : i32
    %mul3A_0 = arith.muli %arg0, %mul3A : i32
    %add3A = arith.addi %mul3A_0, %arg1 : i32
    %dma_start3A = arith.constant 0 : i32
    %dma_start3A_1 = arith.constant 0 : i32
    %dma_start3A_2 = arith.constant 0 : i32
    %dma_start3A_3 = tpu.memref_slice %arg2[%dma_start3A, %add3A, %dma_start3A_1, %dma_start3A_2] : memref<2x32x78x128xi32, #tpu.memory_space<hbm>> -> memref<1x1x78x128xi32, #tpu.memory_space<hbm>>
    %dma_start3A_4 = tpu.memref_squeeze %dma_start3A_3 : memref<1x1x78x128xi32, #tpu.memory_space<hbm>> -> memref<78x128xi32, #tpu.memory_space<hbm>>
    %dma_start3A_5 = arith.constant 0 : i32
    %dma_start3A_6 = arith.constant 0 : i32
    %dma_start3A_7 = tpu.memref_slice %arg2[%dma_start3A, %add3A, %dma_start3A_5, %dma_start3A_6] : memref<2x32x78x128xi32, #tpu.memory_space<hbm>> -> memref<1x1x78x128xi32, #tpu.memory_space<hbm>>
    %dma_start3A_8 = tpu.memref_squeeze %dma_start3A_7 : memref<1x1x78x128xi32, #tpu.memory_space<hbm>> -> memref<78x128xi32, #tpu.memory_space<hbm>>
    tpu.enqueue_dma source(%dma_start3A_8 : memref<78x128xi32, #tpu.memory_space<hbm>>) target(%arg7 : memref<78x128xi32, #tpu.memory_space<vmem>>) target_semaphore(%arg25 : memref<!tpu.dma_semaphore, #tpu.memory_space<semaphore_mem>>)
    %dma_start3A_9 = arith.constant 1 : i32
    %dma_start3A_10 = arith.constant 0 : i32
    %dma_start3A_11 = arith.constant 0 : i32
    %dma_start3A_12 = tpu.memref_slice %arg2[%dma_start3A_9, %add3A, %dma_start3A_10, %dma_start3A_11] : memref<2x32x78x128xi32, #tpu.memory_space<hbm>> -> memref<1x1x78x128xi32, #tpu.memory_space<hbm>>
    %dma_start3A_13 = tpu.memref_squeeze %dma_start3A_12 : memref<1x1x78x128xi32, #tpu.memory_space<hbm>> -> memref<78x128xi32, #tpu.memory_space<hbm>>
    %dma_start3A_14 = arith.constant 0 : i32
    %dma_start3A_15 = arith.constant 0 : i32
    %dma_start3A_16 = tpu.memref_slice %arg2[%dma_start3A_9, %add3A, %dma_start3A_14, %dma_start3A_15] : memref<2x32x78x128xi32, #tpu.memory_space<hbm>> -> memref<1x1x78x128xi32, #tpu.memory_space<hbm>>
    %dma_start3A_17 = tpu.memref_squeeze %dma_start3A_16 : memref<1x1x78x128xi32, #tpu.memory_space<hbm>> -> memref<78x128xi32, #tpu.memory_space<hbm>>
    tpu.enqueue_dma source(%dma_start3A_17 : memref<78x128xi32, #tpu.memory_space<hbm>>) target(%arg8 : memref<78x128xi32, #tpu.memory_space<vmem>>) target_semaphore(%arg25 : memref<!tpu.dma_semaphore, #tpu.memory_space<semaphore_mem>>)
    %dma_start3A_18 = arith.constant 0 : i32
    %dma_start3A_19 = arith.constant 0 : i32
    %dma_start3A_20 = tpu.memref_slice %arg3[%dma_start3A_18, %add3A, %dma_start3A_19] : memref<2x32x16xi32, #tpu.memory_space<hbm>> -> memref<1x1x16xi32, #tpu.memory_space<hbm>>
    %dma_start3A_21 = tpu.memref_squeeze %dma_start3A_20 : memref<1x1x16xi32, #tpu.memory_space<hbm>> -> memref<16xi32, #tpu.memory_space<hbm>>
    %dma_start3A_22 = arith.constant 0 : i32
    %dma_start3A_23 = tpu.memref_slice %arg3[%dma_start3A_18, %add3A, %dma_start3A_22] : memref<2x32x16xi32, #tpu.memory_space<hbm>> -> memref<1x1x16xi32, #tpu.memory_space<hbm>>
    %dma_start3A_24 = tpu.memref_squeeze %dma_start3A_23 : memref<1x1x16xi32, #tpu.memory_space<hbm>> -> memref<16xi32, #tpu.memory_space<hbm>>
    tpu.enqueue_dma source(%dma_start3A_24 : memref<16xi32, #tpu.memory_space<hbm>>) target(%arg9 : memref<16xi32, #tpu.memory_space<vmem>>) target_semaphore(%arg25 : memref<!tpu.dma_semaphore, #tpu.memory_space<semaphore_mem>>)
    %dma_start3A_25 = arith.constant 1 : i32
    %dma_start3A_26 = arith.constant 0 : i32
    %dma_start3A_27 = tpu.memref_slice %arg3[%dma_start3A_25, %add3A, %dma_start3A_26] : memref<2x32x16xi32, #tpu.memory_space<hbm>> -> memref<1x1x16xi32, #tpu.memory_space<hbm>>
    %dma_start3A_28 = tpu.memref_squeeze %dma_start3A_27 : memref<1x1x16xi32, #tpu.memory_space<hbm>> -> memref<16xi32, #tpu.memory_space<hbm>>
    %dma_start3A_29 = arith.constant 0 : i32
    %dma_start3A_30 = tpu.memref_slice %arg3[%dma_start3A_25, %add3A, %dma_start3A_29] : memref<2x32x16xi32, #tpu.memory_space<hbm>> -> memref<1x1x16xi32, #tpu.memory_space<hbm>>
    %dma_start3A_31 = tpu.memref_squeeze %dma_start3A_30 : memref<1x1x16xi32, #tpu.memory_space<hbm>> -> memref<16xi32, #tpu.memory_space<hbm>>
    tpu.enqueue_dma source(%dma_start3A_31 : memref<16xi32, #tpu.memory_space<hbm>>) target(%arg10 : memref<16xi32, #tpu.memory_space<vmem>>) target_semaphore(%arg25 : memref<!tpu.dma_semaphore, #tpu.memory_space<semaphore_mem>>)
    %mul3A_32 = arith.constant 640 : i32
    %mul3A_33 = arith.muli %arg1, %mul3A_32 : i32
    %mul3A_34 = arith.constant 640 : i32
    %mul3A_35 = arith.muli %arg1, %mul3A_34 : i32
    "tpu.region"() ({
      %run_scoped3A = tpu.sem_alloc : memref<!tpu.dma_semaphore, #tpu.memory_space<semaphore_mem>>
      %dma_start3A_125 = arith.constant 0 : i32
      %dma_start3A_126 = tpu.memref_slice %arg18[%mul3A_35, %dma_start3A_125] : memref<10240x64xf32, #tpu.memory_space<vmem_shared>> -> memref<640x64xf32, #tpu.memory_space<vmem_shared>>
      %dma_start3A_127 = arith.constant 0 : i32
      %dma_start3A_128 = tpu.memref_slice %arg5[%mul3A_33, %dma_start3A_127] : memref<10240x64xf32, #tpu.memory_space<hbm>> -> memref<640x64xf32, #tpu.memory_space<hbm>>
      tpu.enqueue_dma source(%dma_start3A_128 : memref<640x64xf32, #tpu.memory_space<hbm>>) target(%dma_start3A_126 : memref<640x64xf32, #tpu.memory_space<vmem_shared>>) target_semaphore(%run_scoped3A : memref<!tpu.dma_semaphore, #tpu.memory_space<semaphore_mem>>)
      %dma_wait3A_129 = arith.constant 0 : i32
      %dma_wait3A_130 = tpu.memref_slice %arg18[%mul3A_35, %dma_wait3A_129] : memref<10240x64xf32, #tpu.memory_space<vmem_shared>> -> memref<640x64xf32, #tpu.memory_space<vmem_shared>>
      %dma_wait3A_131 = arith.constant 0 : i32
      %dma_wait3A_132 = tpu.memref_slice %arg5[%mul3A_33, %dma_wait3A_131] : memref<10240x64xf32, #tpu.memory_space<hbm>> -> memref<640x64xf32, #tpu.memory_space<hbm>>
      tpu.wait_dma2 semaphore(%run_scoped3A : memref<!tpu.dma_semaphore, #tpu.memory_space<semaphore_mem>>) src(%dma_wait3A_132 : memref<640x64xf32, #tpu.memory_space<hbm>>) dst(%dma_wait3A_130 : memref<640x64xf32, #tpu.memory_space<vmem_shared>>)
      tpu.yield
    }) : () -> ()
    %dma_wait3A = arith.constant 0 : i32
    %dma_wait3A_36 = arith.constant 0 : i32
    %dma_wait3A_37 = arith.constant 0 : i32
    %dma_wait3A_38 = tpu.memref_slice %arg2[%dma_wait3A, %add3A, %dma_wait3A_36, %dma_wait3A_37] : memref<2x32x78x128xi32, #tpu.memory_space<hbm>> -> memref<1x1x78x128xi32, #tpu.memory_space<hbm>>
    %dma_wait3A_39 = tpu.memref_squeeze %dma_wait3A_38 : memref<1x1x78x128xi32, #tpu.memory_space<hbm>> -> memref<78x128xi32, #tpu.memory_space<hbm>>
    %dma_wait3A_40 = arith.constant 0 : i32
    %dma_wait3A_41 = arith.constant 0 : i32
    %dma_wait3A_42 = tpu.memref_slice %arg2[%dma_wait3A, %add3A, %dma_wait3A_40, %dma_wait3A_41] : memref<2x32x78x128xi32, #tpu.memory_space<hbm>> -> memref<1x1x78x128xi32, #tpu.memory_space<hbm>>
    %dma_wait3A_43 = tpu.memref_squeeze %dma_wait3A_42 : memref<1x1x78x128xi32, #tpu.memory_space<hbm>> -> memref<78x128xi32, #tpu.memory_space<hbm>>
    tpu.wait_dma2 semaphore(%arg25 : memref<!tpu.dma_semaphore, #tpu.memory_space<semaphore_mem>>) src(%dma_wait3A_43 : memref<78x128xi32, #tpu.memory_space<hbm>>) dst(%arg7 : memref<78x128xi32, #tpu.memory_space<vmem>>)
    %dma_wait3A_44 = arith.constant 1 : i32
    %dma_wait3A_45 = arith.constant 0 : i32
    %dma_wait3A_46 = arith.constant 0 : i32
    %dma_wait3A_47 = tpu.memref_slice %arg2[%dma_wait3A_44, %add3A, %dma_wait3A_45, %dma_wait3A_46] : memref<2x32x78x128xi32, #tpu.memory_space<hbm>> -> memref<1x1x78x128xi32, #tpu.memory_space<hbm>>
    %dma_wait3A_48 = tpu.memref_squeeze %dma_wait3A_47 : memref<1x1x78x128xi32, #tpu.memory_space<hbm>> -> memref<78x128xi32, #tpu.memory_space<hbm>>
    %dma_wait3A_49 = arith.constant 0 : i32
    %dma_wait3A_50 = arith.constant 0 : i32
    %dma_wait3A_51 = tpu.memref_slice %arg2[%dma_wait3A_44, %add3A, %dma_wait3A_49, %dma_wait3A_50] : memref<2x32x78x128xi32, #tpu.memory_space<hbm>> -> memref<1x1x78x128xi32, #tpu.memory_space<hbm>>
    %dma_wait3A_52 = tpu.memref_squeeze %dma_wait3A_51 : memref<1x1x78x128xi32, #tpu.memory_space<hbm>> -> memref<78x128xi32, #tpu.memory_space<hbm>>
    tpu.wait_dma2 semaphore(%arg25 : memref<!tpu.dma_semaphore, #tpu.memory_space<semaphore_mem>>) src(%dma_wait3A_52 : memref<78x128xi32, #tpu.memory_space<hbm>>) dst(%arg8 : memref<78x128xi32, #tpu.memory_space<vmem>>)
    %dma_wait3A_53 = arith.constant 0 : i32
    %dma_wait3A_54 = arith.constant 0 : i32
    %dma_wait3A_55 = tpu.memref_slice %arg3[%dma_wait3A_53, %add3A, %dma_wait3A_54] : memref<2x32x16xi32, #tpu.memory_space<hbm>> -> memref<1x1x16xi32, #tpu.memory_space<hbm>>
    %dma_wait3A_56 = tpu.memref_squeeze %dma_wait3A_55 : memref<1x1x16xi32, #tpu.memory_space<hbm>> -> memref<16xi32, #tpu.memory_space<hbm>>
    %dma_wait3A_57 = arith.constant 0 : i32
    %dma_wait3A_58 = tpu.memref_slice %arg3[%dma_wait3A_53, %add3A, %dma_wait3A_57] : memref<2x32x16xi32, #tpu.memory_space<hbm>> -> memref<1x1x16xi32, #tpu.memory_space<hbm>>
    %dma_wait3A_59 = tpu.memref_squeeze %dma_wait3A_58 : memref<1x1x16xi32, #tpu.memory_space<hbm>> -> memref<16xi32, #tpu.memory_space<hbm>>
    tpu.wait_dma2 semaphore(%arg25 : memref<!tpu.dma_semaphore, #tpu.memory_space<semaphore_mem>>) src(%dma_wait3A_59 : memref<16xi32, #tpu.memory_space<hbm>>) dst(%arg9 : memref<16xi32, #tpu.memory_space<vmem>>)
    %dma_wait3A_60 = arith.constant 1 : i32
    %dma_wait3A_61 = arith.constant 0 : i32
    %dma_wait3A_62 = tpu.memref_slice %arg3[%dma_wait3A_60, %add3A, %dma_wait3A_61] : memref<2x32x16xi32, #tpu.memory_space<hbm>> -> memref<1x1x16xi32, #tpu.memory_space<hbm>>
    %dma_wait3A_63 = tpu.memref_squeeze %dma_wait3A_62 : memref<1x1x16xi32, #tpu.memory_space<hbm>> -> memref<16xi32, #tpu.memory_space<hbm>>
    %dma_wait3A_64 = arith.constant 0 : i32
    %dma_wait3A_65 = tpu.memref_slice %arg3[%dma_wait3A_60, %add3A, %dma_wait3A_64] : memref<2x32x16xi32, #tpu.memory_space<hbm>> -> memref<1x1x16xi32, #tpu.memory_space<hbm>>
    %dma_wait3A_66 = tpu.memref_squeeze %dma_wait3A_65 : memref<1x1x16xi32, #tpu.memory_space<hbm>> -> memref<16xi32, #tpu.memory_space<hbm>>
    tpu.wait_dma2 semaphore(%arg25 : memref<!tpu.dma_semaphore, #tpu.memory_space<semaphore_mem>>) src(%dma_wait3A_66 : memref<16xi32, #tpu.memory_space<hbm>>) dst(%arg10 : memref<16xi32, #tpu.memory_space<vmem>>)
    %dma_start3A_67 = arith.constant 0 : i32
    %dma_start3A_68 = arith.constant 0 : i32
    %dma_start3A_69 = tpu.memref_slice %arg7[%dma_start3A_67, %dma_start3A_68] : memref<78x128xi32, #tpu.memory_space<vmem>> -> memref<1x128xi32, #tpu.memory_space<vmem>>
    %dma_start3A_70 = tpu.memref_squeeze %dma_start3A_69 : memref<1x128xi32, #tpu.memory_space<vmem>> -> memref<128xi32, #tpu.memory_space<vmem>>
    %dma_start3A_71 = arith.constant 0 : i32
    %dma_start3A_72 = arith.constant 0 : i32
    %dma_start3A_73 = tpu.memref_slice %arg4[%dma_start3A_71, %dma_start3A_72] : memref<10000x64xf32, #tpu.memory_space<hbm>> -> memref<10000x64xf32, #tpu.memory_space<hbm>>
    tpu.enqueue_indirect_dma source(%dma_start3A_73 : memref<10000x64xf32, #tpu.memory_space<hbm>>) target(%arg12 : memref<128x64xf32, #tpu.memory_space<vmem>>) offsets(%dma_start3A_70 : memref<128xi32, #tpu.memory_space<vmem>>) semaphore(%arg19 : memref<!tpu.dma_semaphore, #tpu.memory_space<semaphore_mem>>)
    %dma_start3A_74 = arith.constant 1 : i32
    %dma_start3A_75 = arith.constant 0 : i32
    %dma_start3A_76 = tpu.memref_slice %arg7[%dma_start3A_74, %dma_start3A_75] : memref<78x128xi32, #tpu.memory_space<vmem>> -> memref<1x128xi32, #tpu.memory_space<vmem>>
    %dma_start3A_77 = tpu.memref_squeeze %dma_start3A_76 : memref<1x128xi32, #tpu.memory_space<vmem>> -> memref<128xi32, #tpu.memory_space<vmem>>
    %dma_start3A_78 = arith.constant 0 : i32
    %dma_start3A_79 = arith.constant 0 : i32
    %dma_start3A_80 = tpu.memref_slice %arg4[%dma_start3A_78, %dma_start3A_79] : memref<10000x64xf32, #tpu.memory_space<hbm>> -> memref<10000x64xf32, #tpu.memory_space<hbm>>
    tpu.enqueue_indirect_dma source(%dma_start3A_80 : memref<10000x64xf32, #tpu.memory_space<hbm>>) target(%arg13 : memref<128x64xf32, #tpu.memory_space<vmem>>) offsets(%dma_start3A_77 : memref<128xi32, #tpu.memory_space<vmem>>) semaphore(%arg20 : memref<!tpu.dma_semaphore, #tpu.memory_space<semaphore_mem>>)
    %dma_start3A_81 = arith.constant 2 : i32
    %dma_start3A_82 = arith.constant 0 : i32
    %dma_start3A_83 = tpu.memref_slice %arg7[%dma_start3A_81, %dma_start3A_82] : memref<78x128xi32, #tpu.memory_space<vmem>> -> memref<1x128xi32, #tpu.memory_space<vmem>>
    %dma_start3A_84 = tpu.memref_squeeze %dma_start3A_83 : memref<1x128xi32, #tpu.memory_space<vmem>> -> memref<128xi32, #tpu.memory_space<vmem>>
    %dma_start3A_85 = arith.constant 0 : i32
    %dma_start3A_86 = arith.constant 0 : i32
    %dma_start3A_87 = tpu.memref_slice %arg4[%dma_start3A_85, %dma_start3A_86] : memref<10000x64xf32, #tpu.memory_space<hbm>> -> memref<10000x64xf32, #tpu.memory_space<hbm>>
    tpu.enqueue_indirect_dma source(%dma_start3A_87 : memref<10000x64xf32, #tpu.memory_space<hbm>>) target(%arg14 : memref<128x64xf32, #tpu.memory_space<vmem>>) offsets(%dma_start3A_84 : memref<128xi32, #tpu.memory_space<vmem>>) semaphore(%arg21 : memref<!tpu.dma_semaphore, #tpu.memory_space<semaphore_mem>>)
    %dma_start3A_88 = arith.constant 3 : i32
    %dma_start3A_89 = arith.constant 0 : i32
    %dma_start3A_90 = tpu.memref_slice %arg7[%dma_start3A_88, %dma_start3A_89] : memref<78x128xi32, #tpu.memory_space<vmem>> -> memref<1x128xi32, #tpu.memory_space<vmem>>
    %dma_start3A_91 = tpu.memref_squeeze %dma_start3A_90 : memref<1x128xi32, #tpu.memory_space<vmem>> -> memref<128xi32, #tpu.memory_space<vmem>>
    %dma_start3A_92 = arith.constant 0 : i32
    %dma_start3A_93 = arith.constant 0 : i32
    %dma_start3A_94 = tpu.memref_slice %arg4[%dma_start3A_92, %dma_start3A_93] : memref<10000x64xf32, #tpu.memory_space<hbm>> -> memref<10000x64xf32, #tpu.memory_space<hbm>>
    tpu.enqueue_indirect_dma source(%dma_start3A_94 : memref<10000x64xf32, #tpu.memory_space<hbm>>) target(%arg15 : memref<128x64xf32, #tpu.memory_space<vmem>>) offsets(%dma_start3A_91 : memref<128xi32, #tpu.memory_space<vmem>>) semaphore(%arg22 : memref<!tpu.dma_semaphore, #tpu.memory_space<semaphore_mem>>)
    %dma_start3A_95 = arith.constant 4 : i32
    %dma_start3A_96 = arith.constant 0 : i32
    %dma_start3A_97 = tpu.memref_slice %arg7[%dma_start3A_95, %dma_start3A_96] : memref<78x128xi32, #tpu.memory_space<vmem>> -> memref<1x128xi32, #tpu.memory_space<vmem>>
    %dma_start3A_98 = tpu.memref_squeeze %dma_start3A_97 : memref<1x128xi32, #tpu.memory_space<vmem>> -> memref<128xi32, #tpu.memory_space<vmem>>
    %dma_start3A_99 = arith.constant 0 : i32
    %dma_start3A_100 = arith.constant 0 : i32
    %dma_start3A_101 = tpu.memref_slice %arg4[%dma_start3A_99, %dma_start3A_100] : memref<10000x64xf32, #tpu.memory_space<hbm>> -> memref<10000x64xf32, #tpu.memory_space<hbm>>
    tpu.enqueue_indirect_dma source(%dma_start3A_101 : memref<10000x64xf32, #tpu.memory_space<hbm>>) target(%arg16 : memref<128x64xf32, #tpu.memory_space<vmem>>) offsets(%dma_start3A_98 : memref<128xi32, #tpu.memory_space<vmem>>) semaphore(%arg23 : memref<!tpu.dma_semaphore, #tpu.memory_space<semaphore_mem>>)
    %dma_start3A_102 = arith.constant 5 : i32
    %dma_start3A_103 = arith.constant 0 : i32
    %dma_start3A_104 = tpu.memref_slice %arg7[%dma_start3A_102, %dma_start3A_103] : memref<78x128xi32, #tpu.memory_space<vmem>> -> memref<1x128xi32, #tpu.memory_space<vmem>>
    %dma_start3A_105 = tpu.memref_squeeze %dma_start3A_104 : memref<1x128xi32, #tpu.memory_space<vmem>> -> memref<128xi32, #tpu.memory_space<vmem>>
    %dma_start3A_106 = arith.constant 0 : i32
    %dma_start3A_107 = arith.constant 0 : i32
    %dma_start3A_108 = tpu.memref_slice %arg4[%dma_start3A_106, %dma_start3A_107] : memref<10000x64xf32, #tpu.memory_space<hbm>> -> memref<10000x64xf32, #tpu.memory_space<hbm>>
    tpu.enqueue_indirect_dma source(%dma_start3A_108 : memref<10000x64xf32, #tpu.memory_space<hbm>>) target(%arg17 : memref<128x64xf32, #tpu.memory_space<vmem>>) offsets(%dma_start3A_105 : memref<128xi32, #tpu.memory_space<vmem>>) semaphore(%arg24 : memref<!tpu.dma_semaphore, #tpu.memory_space<semaphore_mem>>)
    %dma_start3A_109 = arith.constant 0 : i32
    %dma_start3A_110 = arith.constant 0 : i32
    %dma_start3A_111 = tpu.memref_slice %arg4[%dma_start3A_109, %dma_start3A_110] : memref<10000x64xf32, #tpu.memory_space<hbm>> -> memref<10000x64xf32, #tpu.memory_space<hbm>>
    tpu.enqueue_indirect_dma source(%dma_start3A_111 : memref<10000x64xf32, #tpu.memory_space<hbm>>) target(%arg11 : memref<16x64xf32, #tpu.memory_space<vmem>>) offsets(%arg9 : memref<16xi32, #tpu.memory_space<vmem>>) semaphore(%arg25 : memref<!tpu.dma_semaphore, #tpu.memory_space<semaphore_mem>>)
    %barrier3A = arith.constant 0 : index
    tpu.barrier barrier_id(%barrier3A)
    %scan3A = arith.constant 0 : i32
    %scan3A_112 = arith.constant 0 : i32
    %scan3A_113 = arith.constant 13 : i32
    %scan3A_114 = arith.addi %scan3A_112, %scan3A_113 : i32
    %scan3A_115 = arith.constant 1 : i32
    scf.for %scan3A_125 = %scan3A_112 to %scan3A_114 step %scan3A_115  : i32 {
      %mul3A_126 = arith.constant 6 : i32
      %mul3A_127 = arith.muli %scan3A_125, %mul3A_126 : i32
      %add3A_128 = arith.constant 0 : i32
      %add3A_129 = arith.addi %mul3A_127, %add3A_128 : i32
      %dma_wait3A_130 = arith.constant 0 : i32
      %dma_wait3A_131 = tpu.memref_slice %arg7[%add3A_129, %dma_wait3A_130] : memref<78x128xi32, #tpu.memory_space<vmem>> -> memref<1x128xi32, #tpu.memory_space<vmem>>
      %dma_wait3A_132 = tpu.memref_squeeze %dma_wait3A_131 : memref<1x128xi32, #tpu.memory_space<vmem>> -> memref<128xi32, #tpu.memory_space<vmem>>
      %dma_wait3A_133 = arith.constant 0 : i32
      %dma_wait3A_134 = arith.constant 0 : i32
      %dma_wait3A_135 = tpu.memref_slice %arg4[%dma_wait3A_133, %dma_wait3A_134] : memref<10000x64xf32, #tpu.memory_space<hbm>> -> memref<10000x64xf32, #tpu.memory_space<hbm>>
      tpu.wait_indirect_dma semaphore(%arg19 : memref<!tpu.dma_semaphore, #tpu.memory_space<semaphore_mem>>) src(%dma_wait3A_135 : memref<10000x64xf32, #tpu.memory_space<hbm>>) dst(%arg12 : memref<128x64xf32, #tpu.memory_space<vmem>>)
      "tpu.region"() ({
        %run_scoped3A = tpu.sem_alloc : memref<!tpu.dma_semaphore, #tpu.memory_space<semaphore_mem>>
        %dma_start3A_225 = arith.constant 0 : i32
        %dma_start3A_226 = tpu.memref_slice %arg8[%add3A_129, %dma_start3A_225] : memref<78x128xi32, #tpu.memory_space<vmem>> -> memref<1x128xi32, #tpu.memory_space<vmem>>
        %dma_start3A_227 = tpu.memref_squeeze %dma_start3A_226 : memref<1x128xi32, #tpu.memory_space<vmem>> -> memref<128xi32, #tpu.memory_space<vmem>>
        %dma_start3A_228 = arith.constant 0 : i32
        %dma_start3A_229 = arith.constant 0 : i32
        %dma_start3A_230 = tpu.memref_slice %arg18[%dma_start3A_228, %dma_start3A_229] : memref<10240x64xf32, #tpu.memory_space<vmem_shared>> -> memref<10240x64xf32, #tpu.memory_space<vmem_shared>>
        tpu.enqueue_indirect_dma source(%arg12 : memref<128x64xf32, #tpu.memory_space<vmem>>) target(%dma_start3A_230 : memref<10240x64xf32, #tpu.memory_space<vmem_shared>>) offsets(%dma_start3A_227 : memref<128xi32, #tpu.memory_space<vmem>>) semaphore(%run_scoped3A : memref<!tpu.dma_semaphore, #tpu.memory_space<semaphore_mem>>) {add = true}
        %dma_wait3A_231 = arith.constant 0 : i32
        %dma_wait3A_232 = tpu.memref_slice %arg8[%add3A_129, %dma_wait3A_231] : memref<78x128xi32, #tpu.memory_space<vmem>> -> memref<1x128xi32, #tpu.memory_space<vmem>>
        %dma_wait3A_233 = tpu.memref_squeeze %dma_wait3A_232 : memref<1x128xi32, #tpu.memory_space<vmem>> -> memref<128xi32, #tpu.memory_space<vmem>>
        %dma_wait3A_234 = arith.constant 0 : i32
        %dma_wait3A_235 = arith.constant 0 : i32
        %dma_wait3A_236 = tpu.memref_slice %arg18[%dma_wait3A_234, %dma_wait3A_235] : memref<10240x64xf32, #tpu.memory_space<vmem_shared>> -> memref<10240x64xf32, #tpu.memory_space<vmem_shared>>
        tpu.wait_indirect_dma semaphore(%run_scoped3A : memref<!tpu.dma_semaphore, #tpu.memory_space<semaphore_mem>>) src(%arg12 : memref<128x64xf32, #tpu.memory_space<vmem>>) dst(%dma_wait3A_236 : memref<10240x64xf32, #tpu.memory_space<vmem_shared>>)
        tpu.yield
      }) : () -> ()
      %add3A_136 = arith.constant 6 : i32
      %add3A_137 = arith.addi %add3A_129, %add3A_136 : i32
      %lt3A = arith.constant 78 : i32
      %lt3A_138 = arith.cmpi slt, %add3A_137, %lt3A : i32
      %convert_element_type3A = arith.extui %lt3A_138 : i1 to i32
      %cond3A = arith.constant 0 : i32
      %cond3A_139 = arith.cmpi ne, %convert_element_type3A, %cond3A : i32
      scf.if %cond3A_139 {
        %add3A_225 = arith.constant 6 : i32
        %add3A_226 = arith.addi %add3A_129, %add3A_225 : i32
        %dma_start3A_227 = arith.constant 0 : i32
        %dma_start3A_228 = tpu.memref_slice %arg7[%add3A_226, %dma_start3A_227] : memref<78x128xi32, #tpu.memory_space<vmem>> -> memref<1x128xi32, #tpu.memory_space<vmem>>
        %dma_start3A_229 = tpu.memref_squeeze %dma_start3A_228 : memref<1x128xi32, #tpu.memory_space<vmem>> -> memref<128xi32, #tpu.memory_space<vmem>>
        %dma_start3A_230 = arith.constant 0 : i32
        %dma_start3A_231 = arith.constant 0 : i32
        %dma_start3A_232 = tpu.memref_slice %arg4[%dma_start3A_230, %dma_start3A_231] : memref<10000x64xf32, #tpu.memory_space<hbm>> -> memref<10000x64xf32, #tpu.memory_space<hbm>>
        tpu.enqueue_indirect_dma source(%dma_start3A_232 : memref<10000x64xf32, #tpu.memory_space<hbm>>) target(%arg12 : memref<128x64xf32, #tpu.memory_space<vmem>>) offsets(%dma_start3A_229 : memref<128xi32, #tpu.memory_space<vmem>>) semaphore(%arg19 : memref<!tpu.dma_semaphore, #tpu.memory_space<semaphore_mem>>)
      } else {
      }
      %mul3A_140 = arith.constant 6 : i32
      %mul3A_141 = arith.muli %scan3A_125, %mul3A_140 : i32
      %add3A_142 = arith.constant 1 : i32
      %add3A_143 = arith.addi %mul3A_141, %add3A_142 : i32
      %dma_wait3A_144 = arith.constant 0 : i32
      %dma_wait3A_145 = tpu.memref_slice %arg7[%add3A_143, %dma_wait3A_144] : memref<78x128xi32, #tpu.memory_space<vmem>> -> memref<1x128xi32, #tpu.memory_space<vmem>>
      %dma_wait3A_146 = tpu.memref_squeeze %dma_wait3A_145 : memref<1x128xi32, #tpu.memory_space<vmem>> -> memref<128xi32, #tpu.memory_space<vmem>>
      %dma_wait3A_147 = arith.constant 0 : i32
      %dma_wait3A_148 = arith.constant 0 : i32
      %dma_wait3A_149 = tpu.memref_slice %arg4[%dma_wait3A_147, %dma_wait3A_148] : memref<10000x64xf32, #tpu.memory_space<hbm>> -> memref<10000x64xf32, #tpu.memory_space<hbm>>
      tpu.wait_indirect_dma semaphore(%arg20 : memref<!tpu.dma_semaphore, #tpu.memory_space<semaphore_mem>>) src(%dma_wait3A_149 : memref<10000x64xf32, #tpu.memory_space<hbm>>) dst(%arg13 : memref<128x64xf32, #tpu.memory_space<vmem>>)
      "tpu.region"() ({
        %run_scoped3A = tpu.sem_alloc : memref<!tpu.dma_semaphore, #tpu.memory_space<semaphore_mem>>
        %dma_start3A_225 = arith.constant 0 : i32
        %dma_start3A_226 = tpu.memref_slice %arg8[%add3A_143, %dma_start3A_225] : memref<78x128xi32, #tpu.memory_space<vmem>> -> memref<1x128xi32, #tpu.memory_space<vmem>>
        %dma_start3A_227 = tpu.memref_squeeze %dma_start3A_226 : memref<1x128xi32, #tpu.memory_space<vmem>> -> memref<128xi32, #tpu.memory_space<vmem>>
        %dma_start3A_228 = arith.constant 0 : i32
        %dma_start3A_229 = arith.constant 0 : i32
        %dma_start3A_230 = tpu.memref_slice %arg18[%dma_start3A_228, %dma_start3A_229] : memref<10240x64xf32, #tpu.memory_space<vmem_shared>> -> memref<10240x64xf32, #tpu.memory_space<vmem_shared>>
        tpu.enqueue_indirect_dma source(%arg13 : memref<128x64xf32, #tpu.memory_space<vmem>>) target(%dma_start3A_230 : memref<10240x64xf32, #tpu.memory_space<vmem_shared>>) offsets(%dma_start3A_227 : memref<128xi32, #tpu.memory_space<vmem>>) semaphore(%run_scoped3A : memref<!tpu.dma_semaphore, #tpu.memory_space<semaphore_mem>>) {add = true}
        %dma_wait3A_231 = arith.constant 0 : i32
        %dma_wait3A_232 = tpu.memref_slice %arg8[%add3A_143, %dma_wait3A_231] : memref<78x128xi32, #tpu.memory_space<vmem>> -> memref<1x128xi32, #tpu.memory_space<vmem>>
        %dma_wait3A_233 = tpu.memref_squeeze %dma_wait3A_232 : memref<1x128xi32, #tpu.memory_space<vmem>> -> memref<128xi32, #tpu.memory_space<vmem>>
        %dma_wait3A_234 = arith.constant 0 : i32
        %dma_wait3A_235 = arith.constant 0 : i32
        %dma_wait3A_236 = tpu.memref_slice %arg18[%dma_wait3A_234, %dma_wait3A_235] : memref<10240x64xf32, #tpu.memory_space<vmem_shared>> -> memref<10240x64xf32, #tpu.memory_space<vmem_shared>>
        tpu.wait_indirect_dma semaphore(%run_scoped3A : memref<!tpu.dma_semaphore, #tpu.memory_space<semaphore_mem>>) src(%arg13 : memref<128x64xf32, #tpu.memory_space<vmem>>) dst(%dma_wait3A_236 : memref<10240x64xf32, #tpu.memory_space<vmem_shared>>)
        tpu.yield
      }) : () -> ()
      %add3A_150 = arith.constant 6 : i32
      %add3A_151 = arith.addi %add3A_143, %add3A_150 : i32
      %lt3A_152 = arith.constant 78 : i32
      %lt3A_153 = arith.cmpi slt, %add3A_151, %lt3A_152 : i32
      %convert_element_type3A_154 = arith.extui %lt3A_153 : i1 to i32
      %cond3A_155 = arith.constant 0 : i32
      %cond3A_156 = arith.cmpi ne, %convert_element_type3A_154, %cond3A_155 : i32
      scf.if %cond3A_156 {
        %add3A_225 = arith.constant 6 : i32
        %add3A_226 = arith.addi %add3A_143, %add3A_225 : i32
        %dma_start3A_227 = arith.constant 0 : i32
        %dma_start3A_228 = tpu.memref_slice %arg7[%add3A_226, %dma_start3A_227] : memref<78x128xi32, #tpu.memory_space<vmem>> -> memref<1x128xi32, #tpu.memory_space<vmem>>
        %dma_start3A_229 = tpu.memref_squeeze %dma_start3A_228 : memref<1x128xi32, #tpu.memory_space<vmem>> -> memref<128xi32, #tpu.memory_space<vmem>>
        %dma_start3A_230 = arith.constant 0 : i32
        %dma_start3A_231 = arith.constant 0 : i32
        %dma_start3A_232 = tpu.memref_slice %arg4[%dma_start3A_230, %dma_start3A_231] : memref<10000x64xf32, #tpu.memory_space<hbm>> -> memref<10000x64xf32, #tpu.memory_space<hbm>>
        tpu.enqueue_indirect_dma source(%dma_start3A_232 : memref<10000x64xf32, #tpu.memory_space<hbm>>) target(%arg13 : memref<128x64xf32, #tpu.memory_space<vmem>>) offsets(%dma_start3A_229 : memref<128xi32, #tpu.memory_space<vmem>>) semaphore(%arg20 : memref<!tpu.dma_semaphore, #tpu.memory_space<semaphore_mem>>)
      } else {
      }
      %mul3A_157 = arith.constant 6 : i32
      %mul3A_158 = arith.muli %scan3A_125, %mul3A_157 : i32
      %add3A_159 = arith.constant 2 : i32
      %add3A_160 = arith.addi %mul3A_158, %add3A_159 : i32
      %dma_wait3A_161 = arith.constant 0 : i32
      %dma_wait3A_162 = tpu.memref_slice %arg7[%add3A_160, %dma_wait3A_161] : memref<78x128xi32, #tpu.memory_space<vmem>> -> memref<1x128xi32, #tpu.memory_space<vmem>>
      %dma_wait3A_163 = tpu.memref_squeeze %dma_wait3A_162 : memref<1x128xi32, #tpu.memory_space<vmem>> -> memref<128xi32, #tpu.memory_space<vmem>>
      %dma_wait3A_164 = arith.constant 0 : i32
      %dma_wait3A_165 = arith.constant 0 : i32
      %dma_wait3A_166 = tpu.memref_slice %arg4[%dma_wait3A_164, %dma_wait3A_165] : memref<10000x64xf32, #tpu.memory_space<hbm>> -> memref<10000x64xf32, #tpu.memory_space<hbm>>
      tpu.wait_indirect_dma semaphore(%arg21 : memref<!tpu.dma_semaphore, #tpu.memory_space<semaphore_mem>>) src(%dma_wait3A_166 : memref<10000x64xf32, #tpu.memory_space<hbm>>) dst(%arg14 : memref<128x64xf32, #tpu.memory_space<vmem>>)
      "tpu.region"() ({
        %run_scoped3A = tpu.sem_alloc : memref<!tpu.dma_semaphore, #tpu.memory_space<semaphore_mem>>
        %dma_start3A_225 = arith.constant 0 : i32
        %dma_start3A_226 = tpu.memref_slice %arg8[%add3A_160, %dma_start3A_225] : memref<78x128xi32, #tpu.memory_space<vmem>> -> memref<1x128xi32, #tpu.memory_space<vmem>>
        %dma_start3A_227 = tpu.memref_squeeze %dma_start3A_226 : memref<1x128xi32, #tpu.memory_space<vmem>> -> memref<128xi32, #tpu.memory_space<vmem>>
        %dma_start3A_228 = arith.constant 0 : i32
        %dma_start3A_229 = arith.constant 0 : i32
        %dma_start3A_230 = tpu.memref_slice %arg18[%dma_start3A_228, %dma_start3A_229] : memref<10240x64xf32, #tpu.memory_space<vmem_shared>> -> memref<10240x64xf32, #tpu.memory_space<vmem_shared>>
        tpu.enqueue_indirect_dma source(%arg14 : memref<128x64xf32, #tpu.memory_space<vmem>>) target(%dma_start3A_230 : memref<10240x64xf32, #tpu.memory_space<vmem_shared>>) offsets(%dma_start3A_227 : memref<128xi32, #tpu.memory_space<vmem>>) semaphore(%run_scoped3A : memref<!tpu.dma_semaphore, #tpu.memory_space<semaphore_mem>>) {add = true}
        %dma_wait3A_231 = arith.constant 0 : i32
        %dma_wait3A_232 = tpu.memref_slice %arg8[%add3A_160, %dma_wait3A_231] : memref<78x128xi32, #tpu.memory_space<vmem>> -> memref<1x128xi32, #tpu.memory_space<vmem>>
        %dma_wait3A_233 = tpu.memref_squeeze %dma_wait3A_232 : memref<1x128xi32, #tpu.memory_space<vmem>> -> memref<128xi32, #tpu.memory_space<vmem>>
        %dma_wait3A_234 = arith.constant 0 : i32
        %dma_wait3A_235 = arith.constant 0 : i32
        %dma_wait3A_236 = tpu.memref_slice %arg18[%dma_wait3A_234, %dma_wait3A_235] : memref<10240x64xf32, #tpu.memory_space<vmem_shared>> -> memref<10240x64xf32, #tpu.memory_space<vmem_shared>>
        tpu.wait_indirect_dma semaphore(%run_scoped3A : memref<!tpu.dma_semaphore, #tpu.memory_space<semaphore_mem>>) src(%arg14 : memref<128x64xf32, #tpu.memory_space<vmem>>) dst(%dma_wait3A_236 : memref<10240x64xf32, #tpu.memory_space<vmem_shared>>)
        tpu.yield
      }) : () -> ()
      %add3A_167 = arith.constant 6 : i32
      %add3A_168 = arith.addi %add3A_160, %add3A_167 : i32
      %lt3A_169 = arith.constant 78 : i32
      %lt3A_170 = arith.cmpi slt, %add3A_168, %lt3A_169 : i32
      %convert_element_type3A_171 = arith.extui %lt3A_170 : i1 to i32
      %cond3A_172 = arith.constant 0 : i32
      %cond3A_173 = arith.cmpi ne, %convert_element_type3A_171, %cond3A_172 : i32
      scf.if %cond3A_173 {
        %add3A_225 = arith.constant 6 : i32
        %add3A_226 = arith.addi %add3A_160, %add3A_225 : i32
        %dma_start3A_227 = arith.constant 0 : i32
        %dma_start3A_228 = tpu.memref_slice %arg7[%add3A_226, %dma_start3A_227] : memref<78x128xi32, #tpu.memory_space<vmem>> -> memref<1x128xi32, #tpu.memory_space<vmem>>
        %dma_start3A_229 = tpu.memref_squeeze %dma_start3A_228 : memref<1x128xi32, #tpu.memory_space<vmem>> -> memref<128xi32, #tpu.memory_space<vmem>>
        %dma_start3A_230 = arith.constant 0 : i32
        %dma_start3A_231 = arith.constant 0 : i32
        %dma_start3A_232 = tpu.memref_slice %arg4[%dma_start3A_230, %dma_start3A_231] : memref<10000x64xf32, #tpu.memory_space<hbm>> -> memref<10000x64xf32, #tpu.memory_space<hbm>>
        tpu.enqueue_indirect_dma source(%dma_start3A_232 : memref<10000x64xf32, #tpu.memory_space<hbm>>) target(%arg14 : memref<128x64xf32, #tpu.memory_space<vmem>>) offsets(%dma_start3A_229 : memref<128xi32, #tpu.memory_space<vmem>>) semaphore(%arg21 : memref<!tpu.dma_semaphore, #tpu.memory_space<semaphore_mem>>)
      } else {
      }
      %mul3A_174 = arith.constant 6 : i32
      %mul3A_175 = arith.muli %scan3A_125, %mul3A_174 : i32
      %add3A_176 = arith.constant 3 : i32
      %add3A_177 = arith.addi %mul3A_175, %add3A_176 : i32
      %dma_wait3A_178 = arith.constant 0 : i32
      %dma_wait3A_179 = tpu.memref_slice %arg7[%add3A_177, %dma_wait3A_178] : memref<78x128xi32, #tpu.memory_space<vmem>> -> memref<1x128xi32, #tpu.memory_space<vmem>>
      %dma_wait3A_180 = tpu.memref_squeeze %dma_wait3A_179 : memref<1x128xi32, #tpu.memory_space<vmem>> -> memref<128xi32, #tpu.memory_space<vmem>>
      %dma_wait3A_181 = arith.constant 0 : i32
      %dma_wait3A_182 = arith.constant 0 : i32
      %dma_wait3A_183 = tpu.memref_slice %arg4[%dma_wait3A_181, %dma_wait3A_182] : memref<10000x64xf32, #tpu.memory_space<hbm>> -> memref<10000x64xf32, #tpu.memory_space<hbm>>
      tpu.wait_indirect_dma semaphore(%arg22 : memref<!tpu.dma_semaphore, #tpu.memory_space<semaphore_mem>>) src(%dma_wait3A_183 : memref<10000x64xf32, #tpu.memory_space<hbm>>) dst(%arg15 : memref<128x64xf32, #tpu.memory_space<vmem>>)
      "tpu.region"() ({
        %run_scoped3A = tpu.sem_alloc : memref<!tpu.dma_semaphore, #tpu.memory_space<semaphore_mem>>
        %dma_start3A_225 = arith.constant 0 : i32
        %dma_start3A_226 = tpu.memref_slice %arg8[%add3A_177, %dma_start3A_225] : memref<78x128xi32, #tpu.memory_space<vmem>> -> memref<1x128xi32, #tpu.memory_space<vmem>>
        %dma_start3A_227 = tpu.memref_squeeze %dma_start3A_226 : memref<1x128xi32, #tpu.memory_space<vmem>> -> memref<128xi32, #tpu.memory_space<vmem>>
        %dma_start3A_228 = arith.constant 0 : i32
        %dma_start3A_229 = arith.constant 0 : i32
        %dma_start3A_230 = tpu.memref_slice %arg18[%dma_start3A_228, %dma_start3A_229] : memref<10240x64xf32, #tpu.memory_space<vmem_shared>> -> memref<10240x64xf32, #tpu.memory_space<vmem_shared>>
        tpu.enqueue_indirect_dma source(%arg15 : memref<128x64xf32, #tpu.memory_space<vmem>>) target(%dma_start3A_230 : memref<10240x64xf32, #tpu.memory_space<vmem_shared>>) offsets(%dma_start3A_227 : memref<128xi32, #tpu.memory_space<vmem>>) semaphore(%run_scoped3A : memref<!tpu.dma_semaphore, #tpu.memory_space<semaphore_mem>>) {add = true}
        %dma_wait3A_231 = arith.constant 0 : i32
        %dma_wait3A_232 = tpu.memref_slice %arg8[%add3A_177, %dma_wait3A_231] : memref<78x128xi32, #tpu.memory_space<vmem>> -> memref<1x128xi32, #tpu.memory_space<vmem>>
        %dma_wait3A_233 = tpu.memref_squeeze %dma_wait3A_232 : memref<1x128xi32, #tpu.memory_space<vmem>> -> memref<128xi32, #tpu.memory_space<vmem>>
        %dma_wait3A_234 = arith.constant 0 : i32
        %dma_wait3A_235 = arith.constant 0 : i32
        %dma_wait3A_236 = tpu.memref_slice %arg18[%dma_wait3A_234, %dma_wait3A_235] : memref<10240x64xf32, #tpu.memory_space<vmem_shared>> -> memref<10240x64xf32, #tpu.memory_space<vmem_shared>>
        tpu.wait_indirect_dma semaphore(%run_scoped3A : memref<!tpu.dma_semaphore, #tpu.memory_space<semaphore_mem>>) src(%arg15 : memref<128x64xf32, #tpu.memory_space<vmem>>) dst(%dma_wait3A_236 : memref<10240x64xf32, #tpu.memory_space<vmem_shared>>)
        tpu.yield
      }) : () -> ()
      %add3A_184 = arith.constant 6 : i32
      %add3A_185 = arith.addi %add3A_177, %add3A_184 : i32
      %lt3A_186 = arith.constant 78 : i32
      %lt3A_187 = arith.cmpi slt, %add3A_185, %lt3A_186 : i32
      %convert_element_type3A_188 = arith.extui %lt3A_187 : i1 to i32
      %cond3A_189 = arith.constant 0 : i32
      %cond3A_190 = arith.cmpi ne, %convert_element_type3A_188, %cond3A_189 : i32
      scf.if %cond3A_190 {
        %add3A_225 = arith.constant 6 : i32
        %add3A_226 = arith.addi %add3A_177, %add3A_225 : i32
        %dma_start3A_227 = arith.constant 0 : i32
        %dma_start3A_228 = tpu.memref_slice %arg7[%add3A_226, %dma_start3A_227] : memref<78x128xi32, #tpu.memory_space<vmem>> -> memref<1x128xi32, #tpu.memory_space<vmem>>
        %dma_start3A_229 = tpu.memref_squeeze %dma_start3A_228 : memref<1x128xi32, #tpu.memory_space<vmem>> -> memref<128xi32, #tpu.memory_space<vmem>>
        %dma_start3A_230 = arith.constant 0 : i32
        %dma_start3A_231 = arith.constant 0 : i32
        %dma_start3A_232 = tpu.memref_slice %arg4[%dma_start3A_230, %dma_start3A_231] : memref<10000x64xf32, #tpu.memory_space<hbm>> -> memref<10000x64xf32, #tpu.memory_space<hbm>>
        tpu.enqueue_indirect_dma source(%dma_start3A_232 : memref<10000x64xf32, #tpu.memory_space<hbm>>) target(%arg15 : memref<128x64xf32, #tpu.memory_space<vmem>>) offsets(%dma_start3A_229 : memref<128xi32, #tpu.memory_space<vmem>>) semaphore(%arg22 : memref<!tpu.dma_semaphore, #tpu.memory_space<semaphore_mem>>)
      } else {
      }
      %mul3A_191 = arith.constant 6 : i32
      %mul3A_192 = arith.muli %scan3A_125, %mul3A_191 : i32
      %add3A_193 = arith.constant 4 : i32
      %add3A_194 = arith.addi %mul3A_192, %add3A_193 : i32
      %dma_wait3A_195 = arith.constant 0 : i32
      %dma_wait3A_196 = tpu.memref_slice %arg7[%add3A_194, %dma_wait3A_195] : memref<78x128xi32, #tpu.memory_space<vmem>> -> memref<1x128xi32, #tpu.memory_space<vmem>>
      %dma_wait3A_197 = tpu.memref_squeeze %dma_wait3A_196 : memref<1x128xi32, #tpu.memory_space<vmem>> -> memref<128xi32, #tpu.memory_space<vmem>>
      %dma_wait3A_198 = arith.constant 0 : i32
      %dma_wait3A_199 = arith.constant 0 : i32
      %dma_wait3A_200 = tpu.memref_slice %arg4[%dma_wait3A_198, %dma_wait3A_199] : memref<10000x64xf32, #tpu.memory_space<hbm>> -> memref<10000x64xf32, #tpu.memory_space<hbm>>
      tpu.wait_indirect_dma semaphore(%arg23 : memref<!tpu.dma_semaphore, #tpu.memory_space<semaphore_mem>>) src(%dma_wait3A_200 : memref<10000x64xf32, #tpu.memory_space<hbm>>) dst(%arg16 : memref<128x64xf32, #tpu.memory_space<vmem>>)
      "tpu.region"() ({
        %run_scoped3A = tpu.sem_alloc : memref<!tpu.dma_semaphore, #tpu.memory_space<semaphore_mem>>
        %dma_start3A_225 = arith.constant 0 : i32
        %dma_start3A_226 = tpu.memref_slice %arg8[%add3A_194, %dma_start3A_225] : memref<78x128xi32, #tpu.memory_space<vmem>> -> memref<1x128xi32, #tpu.memory_space<vmem>>
        %dma_start3A_227 = tpu.memref_squeeze %dma_start3A_226 : memref<1x128xi32, #tpu.memory_space<vmem>> -> memref<128xi32, #tpu.memory_space<vmem>>
        %dma_start3A_228 = arith.constant 0 : i32
        %dma_start3A_229 = arith.constant 0 : i32
        %dma_start3A_230 = tpu.memref_slice %arg18[%dma_start3A_228, %dma_start3A_229] : memref<10240x64xf32, #tpu.memory_space<vmem_shared>> -> memref<10240x64xf32, #tpu.memory_space<vmem_shared>>
        tpu.enqueue_indirect_dma source(%arg16 : memref<128x64xf32, #tpu.memory_space<vmem>>) target(%dma_start3A_230 : memref<10240x64xf32, #tpu.memory_space<vmem_shared>>) offsets(%dma_start3A_227 : memref<128xi32, #tpu.memory_space<vmem>>) semaphore(%run_scoped3A : memref<!tpu.dma_semaphore, #tpu.memory_space<semaphore_mem>>) {add = true}
        %dma_wait3A_231 = arith.constant 0 : i32
        %dma_wait3A_232 = tpu.memref_slice %arg8[%add3A_194, %dma_wait3A_231] : memref<78x128xi32, #tpu.memory_space<vmem>> -> memref<1x128xi32, #tpu.memory_space<vmem>>
        %dma_wait3A_233 = tpu.memref_squeeze %dma_wait3A_232 : memref<1x128xi32, #tpu.memory_space<vmem>> -> memref<128xi32, #tpu.memory_space<vmem>>
        %dma_wait3A_234 = arith.constant 0 : i32
        %dma_wait3A_235 = arith.constant 0 : i32
        %dma_wait3A_236 = tpu.memref_slice %arg18[%dma_wait3A_234, %dma_wait3A_235] : memref<10240x64xf32, #tpu.memory_space<vmem_shared>> -> memref<10240x64xf32, #tpu.memory_space<vmem_shared>>
        tpu.wait_indirect_dma semaphore(%run_scoped3A : memref<!tpu.dma_semaphore, #tpu.memory_space<semaphore_mem>>) src(%arg16 : memref<128x64xf32, #tpu.memory_space<vmem>>) dst(%dma_wait3A_236 : memref<10240x64xf32, #tpu.memory_space<vmem_shared>>)
        tpu.yield
      }) : () -> ()
      %add3A_201 = arith.constant 6 : i32
      %add3A_202 = arith.addi %add3A_194, %add3A_201 : i32
      %lt3A_203 = arith.constant 78 : i32
      %lt3A_204 = arith.cmpi slt, %add3A_202, %lt3A_203 : i32
      %convert_element_type3A_205 = arith.extui %lt3A_204 : i1 to i32
      %cond3A_206 = arith.constant 0 : i32
      %cond3A_207 = arith.cmpi ne, %convert_element_type3A_205, %cond3A_206 : i32
      scf.if %cond3A_207 {
        %add3A_225 = arith.constant 6 : i32
        %add3A_226 = arith.addi %add3A_194, %add3A_225 : i32
        %dma_start3A_227 = arith.constant 0 : i32
        %dma_start3A_228 = tpu.memref_slice %arg7[%add3A_226, %dma_start3A_227] : memref<78x128xi32, #tpu.memory_space<vmem>> -> memref<1x128xi32, #tpu.memory_space<vmem>>
        %dma_start3A_229 = tpu.memref_squeeze %dma_start3A_228 : memref<1x128xi32, #tpu.memory_space<vmem>> -> memref<128xi32, #tpu.memory_space<vmem>>
        %dma_start3A_230 = arith.constant 0 : i32
        %dma_start3A_231 = arith.constant 0 : i32
        %dma_start3A_232 = tpu.memref_slice %arg4[%dma_start3A_230, %dma_start3A_231] : memref<10000x64xf32, #tpu.memory_space<hbm>> -> memref<10000x64xf32, #tpu.memory_space<hbm>>
        tpu.enqueue_indirect_dma source(%dma_start3A_232 : memref<10000x64xf32, #tpu.memory_space<hbm>>) target(%arg16 : memref<128x64xf32, #tpu.memory_space<vmem>>) offsets(%dma_start3A_229 : memref<128xi32, #tpu.memory_space<vmem>>) semaphore(%arg23 : memref<!tpu.dma_semaphore, #tpu.memory_space<semaphore_mem>>)
      } else {
      }
      %mul3A_208 = arith.constant 6 : i32
      %mul3A_209 = arith.muli %scan3A_125, %mul3A_208 : i32
      %add3A_210 = arith.constant 5 : i32
      %add3A_211 = arith.addi %mul3A_209, %add3A_210 : i32
      %dma_wait3A_212 = arith.constant 0 : i32
      %dma_wait3A_213 = tpu.memref_slice %arg7[%add3A_211, %dma_wait3A_212] : memref<78x128xi32, #tpu.memory_space<vmem>> -> memref<1x128xi32, #tpu.memory_space<vmem>>
      %dma_wait3A_214 = tpu.memref_squeeze %dma_wait3A_213 : memref<1x128xi32, #tpu.memory_space<vmem>> -> memref<128xi32, #tpu.memory_space<vmem>>
      %dma_wait3A_215 = arith.constant 0 : i32
      %dma_wait3A_216 = arith.constant 0 : i32
      %dma_wait3A_217 = tpu.memref_slice %arg4[%dma_wait3A_215, %dma_wait3A_216] : memref<10000x64xf32, #tpu.memory_space<hbm>> -> memref<10000x64xf32, #tpu.memory_space<hbm>>
      tpu.wait_indirect_dma semaphore(%arg24 : memref<!tpu.dma_semaphore, #tpu.memory_space<semaphore_mem>>) src(%dma_wait3A_217 : memref<10000x64xf32, #tpu.memory_space<hbm>>) dst(%arg17 : memref<128x64xf32, #tpu.memory_space<vmem>>)
      "tpu.region"() ({
        %run_scoped3A = tpu.sem_alloc : memref<!tpu.dma_semaphore, #tpu.memory_space<semaphore_mem>>
        %dma_start3A_225 = arith.constant 0 : i32
        %dma_start3A_226 = tpu.memref_slice %arg8[%add3A_211, %dma_start3A_225] : memref<78x128xi32, #tpu.memory_space<vmem>> -> memref<1x128xi32, #tpu.memory_space<vmem>>
        %dma_start3A_227 = tpu.memref_squeeze %dma_start3A_226 : memref<1x128xi32, #tpu.memory_space<vmem>> -> memref<128xi32, #tpu.memory_space<vmem>>
        %dma_start3A_228 = arith.constant 0 : i32
        %dma_start3A_229 = arith.constant 0 : i32
        %dma_start3A_230 = tpu.memref_slice %arg18[%dma_start3A_228, %dma_start3A_229] : memref<10240x64xf32, #tpu.memory_space<vmem_shared>> -> memref<10240x64xf32, #tpu.memory_space<vmem_shared>>
        tpu.enqueue_indirect_dma source(%arg17 : memref<128x64xf32, #tpu.memory_space<vmem>>) target(%dma_start3A_230 : memref<10240x64xf32, #tpu.memory_space<vmem_shared>>) offsets(%dma_start3A_227 : memref<128xi32, #tpu.memory_space<vmem>>) semaphore(%run_scoped3A : memref<!tpu.dma_semaphore, #tpu.memory_space<semaphore_mem>>) {add = true}
        %dma_wait3A_231 = arith.constant 0 : i32
        %dma_wait3A_232 = tpu.memref_slice %arg8[%add3A_211, %dma_wait3A_231] : memref<78x128xi32, #tpu.memory_space<vmem>> -> memref<1x128xi32, #tpu.memory_space<vmem>>
        %dma_wait3A_233 = tpu.memref_squeeze %dma_wait3A_232 : memref<1x128xi32, #tpu.memory_space<vmem>> -> memref<128xi32, #tpu.memory_space<vmem>>
        %dma_wait3A_234 = arith.constant 0 : i32
        %dma_wait3A_235 = arith.constant 0 : i32
        %dma_wait3A_236 = tpu.memref_slice %arg18[%dma_wait3A_234, %dma_wait3A_235] : memref<10240x64xf32, #tpu.memory_space<vmem_shared>> -> memref<10240x64xf32, #tpu.memory_space<vmem_shared>>
        tpu.wait_indirect_dma semaphore(%run_scoped3A : memref<!tpu.dma_semaphore, #tpu.memory_space<semaphore_mem>>) src(%arg17 : memref<128x64xf32, #tpu.memory_space<vmem>>) dst(%dma_wait3A_236 : memref<10240x64xf32, #tpu.memory_space<vmem_shared>>)
        tpu.yield
      }) : () -> ()
      %add3A_218 = arith.constant 6 : i32
      %add3A_219 = arith.addi %add3A_211, %add3A_218 : i32
      %lt3A_220 = arith.constant 78 : i32
      %lt3A_221 = arith.cmpi slt, %add3A_219, %lt3A_220 : i32
      %convert_element_type3A_222 = arith.extui %lt3A_221 : i1 to i32
      %cond3A_223 = arith.constant 0 : i32
      %cond3A_224 = arith.cmpi ne, %convert_element_type3A_222, %cond3A_223 : i32
      scf.if %cond3A_224 {
        %add3A_225 = arith.constant 6 : i32
        %add3A_226 = arith.addi %add3A_211, %add3A_225 : i32
        %dma_start3A_227 = arith.constant 0 : i32
        %dma_start3A_228 = tpu.memref_slice %arg7[%add3A_226, %dma_start3A_227] : memref<78x128xi32, #tpu.memory_space<vmem>> -> memref<1x128xi32, #tpu.memory_space<vmem>>
        %dma_start3A_229 = tpu.memref_squeeze %dma_start3A_228 : memref<1x128xi32, #tpu.memory_space<vmem>> -> memref<128xi32, #tpu.memory_space<vmem>>
        %dma_start3A_230 = arith.constant 0 : i32
        %dma_start3A_231 = arith.constant 0 : i32
        %dma_start3A_232 = tpu.memref_slice %arg4[%dma_start3A_230, %dma_start3A_231] : memref<10000x64xf32, #tpu.memory_space<hbm>> -> memref<10000x64xf32, #tpu.memory_space<hbm>>
        tpu.enqueue_indirect_dma source(%dma_start3A_232 : memref<10000x64xf32, #tpu.memory_space<hbm>>) target(%arg17 : memref<128x64xf32, #tpu.memory_space<vmem>>) offsets(%dma_start3A_229 : memref<128xi32, #tpu.memory_space<vmem>>) semaphore(%arg24 : memref<!tpu.dma_semaphore, #tpu.memory_space<semaphore_mem>>)
      } else {
      }
    }
    %scan3A_116 = arith.constant 13 : i32
    %dma_wait3A_117 = arith.constant 0 : i32
    %dma_wait3A_118 = arith.constant 0 : i32
    %dma_wait3A_119 = tpu.memref_slice %arg4[%dma_wait3A_117, %dma_wait3A_118] : memref<10000x64xf32, #tpu.memory_space<hbm>> -> memref<10000x64xf32, #tpu.memory_space<hbm>>
    tpu.wait_indirect_dma semaphore(%arg25 : memref<!tpu.dma_semaphore, #tpu.memory_space<semaphore_mem>>) src(%dma_wait3A_119 : memref<10000x64xf32, #tpu.memory_space<hbm>>) dst(%arg11 : memref<16x64xf32, #tpu.memory_space<vmem>>)
    "tpu.region"() ({
      %run_scoped3A = tpu.sem_alloc : memref<!tpu.dma_semaphore, #tpu.memory_space<semaphore_mem>>
      %dma_start3A_125 = arith.constant 0 : i32
      %dma_start3A_126 = arith.constant 0 : i32
      %dma_start3A_127 = tpu.memref_slice %arg18[%dma_start3A_125, %dma_start3A_126] : memref<10240x64xf32, #tpu.memory_space<vmem_shared>> -> memref<10240x64xf32, #tpu.memory_space<vmem_shared>>
      tpu.enqueue_indirect_dma source(%arg11 : memref<16x64xf32, #tpu.memory_space<vmem>>) target(%dma_start3A_127 : memref<10240x64xf32, #tpu.memory_space<vmem_shared>>) offsets(%arg10 : memref<16xi32, #tpu.memory_space<vmem>>) semaphore(%run_scoped3A : memref<!tpu.dma_semaphore, #tpu.memory_space<semaphore_mem>>) {add = true}
      %dma_wait3A_128 = arith.constant 0 : i32
      %dma_wait3A_129 = arith.constant 0 : i32
      %dma_wait3A_130 = tpu.memref_slice %arg18[%dma_wait3A_128, %dma_wait3A_129] : memref<10240x64xf32, #tpu.memory_space<vmem_shared>> -> memref<10240x64xf32, #tpu.memory_space<vmem_shared>>
      tpu.wait_indirect_dma semaphore(%run_scoped3A : memref<!tpu.dma_semaphore, #tpu.memory_space<semaphore_mem>>) src(%arg11 : memref<16x64xf32, #tpu.memory_space<vmem>>) dst(%dma_wait3A_130 : memref<10240x64xf32, #tpu.memory_space<vmem_shared>>)
      tpu.yield
    }) : () -> ()
    %barrier3A_120 = arith.constant 0 : index
    tpu.barrier barrier_id(%barrier3A_120)
    %mul3A_121 = arith.constant 640 : i32
    %mul3A_122 = arith.muli %arg1, %mul3A_121 : i32
    %mul3A_123 = arith.constant 640 : i32
    %mul3A_124 = arith.muli %arg1, %mul3A_123 : i32
    "tpu.region"() ({
      %run_scoped3A = tpu.sem_alloc : memref<!tpu.dma_semaphore, #tpu.memory_space<semaphore_mem>>
      %dma_start3A_125 = arith.constant 0 : i32
      %dma_start3A_126 = tpu.memref_slice %arg6[%arg0, %mul3A_124, %dma_start3A_125] : memref<2x10240x64xf32, #tpu.memory_space<hbm>> -> memref<1x640x64xf32, #tpu.memory_space<hbm>>
      %dma_start3A_127 = tpu.memref_squeeze %dma_start3A_126 : memref<1x640x64xf32, #tpu.memory_space<hbm>> -> memref<640x64xf32, #tpu.memory_space<hbm>>
      %dma_start3A_128 = arith.constant 0 : i32
      %dma_start3A_129 = tpu.memref_slice %arg18[%mul3A_122, %dma_start3A_128] : memref<10240x64xf32, #tpu.memory_space<vmem_shared>> -> memref<640x64xf32, #tpu.memory_space<vmem_shared>>
      tpu.enqueue_dma source(%dma_start3A_129 : memref<640x64xf32, #tpu.memory_space<vmem_shared>>) target(%dma_start3A_127 : memref<640x64xf32, #tpu.memory_space<hbm>>) target_semaphore(%run_scoped3A : memref<!tpu.dma_semaphore, #tpu.memory_space<semaphore_mem>>)
      %dma_wait3A_130 = arith.constant 0 : i32
      %dma_wait3A_131 = tpu.memref_slice %arg6[%arg0, %mul3A_124, %dma_wait3A_130] : memref<2x10240x64xf32, #tpu.memory_space<hbm>> -> memref<1x640x64xf32, #tpu.memory_space<hbm>>
      %dma_wait3A_132 = tpu.memref_squeeze %dma_wait3A_131 : memref<1x640x64xf32, #tpu.memory_space<hbm>> -> memref<640x64xf32, #tpu.memory_space<hbm>>
      %dma_wait3A_133 = arith.constant 0 : i32
      %dma_wait3A_134 = tpu.memref_slice %arg18[%mul3A_122, %dma_wait3A_133] : memref<10240x64xf32, #tpu.memory_space<vmem_shared>> -> memref<640x64xf32, #tpu.memory_space<vmem_shared>>
      tpu.wait_dma2 semaphore(%run_scoped3A : memref<!tpu.dma_semaphore, #tpu.memory_space<semaphore_mem>>) src(%dma_wait3A_134 : memref<640x64xf32, #tpu.memory_space<vmem_shared>>) dst(%dma_wait3A_132 : memref<640x64xf32, #tpu.memory_space<hbm>>)
      tpu.yield
    }) : () -> ()
    return
  }
}

module attributes {stable_mosaic.version = 14 : i64} {
  func.func @_mm1_body(%arg0: i32, %arg1: memref<2000x128xf32, #tpu.memory_space<vmem>>, %arg2: memref<128x64xf32, #tpu.memory_space<vmem>>, %arg3: memref<2000x64xf32, #tpu.memory_space<vmem>>) attributes {dimension_semantics = [#tpu.dimension_semantics<arbitrary>], iteration_bounds = array<i64: 5>, scalar_prefetch = 0 : i64, scratch_operands = 0 : i64, tpu.core_type = #tpu.core_type<tc>, window_params = [{transform_indices = @transform_0, window_bounds = array<i64: 2000, 128>}, {pipeline_mode = #tpu.pipeline_mode<synchronous>, transform_indices = @transform_1, window_bounds = array<i64: 128, 64>}, {transform_indices = @transform_2, window_bounds = array<i64: 2000, 64>}]} {
    %get3A = arith.constant 0 : index
    %get3A_0 = arith.constant 0 : index
    %get3A_1 = vector.load %arg1[%get3A, %get3A_0] : memref<2000x128xf32, #tpu.memory_space<vmem>>, vector<2000x128xf32>
    %get3A_2 = arith.constant 0 : index
    %get3A_3 = arith.constant 0 : index
    %get3A_4 = vector.load %arg2[%get3A_2, %get3A_3] : memref<128x64xf32, #tpu.memory_space<vmem>>, vector<128x64xf32>
    %dot_general3A = arith.constant dense<0.000000e+00> : vector<2000x64xf32>
    %dot_general3A_5 = tpu.matmul %get3A_1, %get3A_4, %dot_general3A {dimension_numbers = #tpu.dot_dimension_numbers<[1], [0], [0], [1], [0, 0, 1, 1], [], []>, transpose_lhs_hint = false} : vector<2000x128xf32>, vector<128x64xf32>, vector<2000x64xf32> -> vector<2000x64xf32>
    %swap3A = arith.constant 0 : index
    %swap3A_6 = arith.constant 0 : index
    %swap3A_7 = vector.load %arg3[%swap3A, %swap3A_6] : memref<2000x64xf32, #tpu.memory_space<vmem>>, vector<2000x64xf32>
    tpu.vector_store %arg3[%swap3A, %swap3A_6], %dot_general3A_5 {strides = array<i32>} : memref<2000x64xf32, #tpu.memory_space<vmem>>, vector<2000x64xf32>,
    return
  }
  func.func @transform_0(%arg0: i32) -> (i32, i32) {
    %c0_i32 = arith.constant 0 : i32
    %c0_i32_0 = arith.constant 0 : i32
    return %arg0, %c0_i32 : i32, i32
  }
  func.func @transform_1(%arg0: i32) -> (i32, i32) {
    %c0_i32 = arith.constant 0 : i32
    %c0_i32_0 = arith.constant 0 : i32
    %c0_i32_1 = arith.constant 0 : i32
    return %c0_i32, %c0_i32_0 : i32, i32
  }
  func.func @transform_2(%arg0: i32) -> (i32, i32) {
    %c0_i32 = arith.constant 0 : i32
    %c0_i32_0 = arith.constant 0 : i32
    return %arg0, %c0_i32 : i32, i32
  }
}

module attributes {stable_mosaic.version = 14 : i64} {
  func.func @_scale1_body(%arg0: i32, %arg1: memref<1x2000x1xf32, #tpu.memory_space<vmem>>, %arg2: memref<1x2000x1xf32, #tpu.memory_space<vmem>>, %arg3: memref<2000x64xf32, #tpu.memory_space<vmem>>, %arg4: memref<2000x64xf32, #tpu.memory_space<vmem>>, %arg5: memref<2000x1xf32, #tpu.memory_space<vmem>>) attributes {dimension_semantics = [#tpu.dimension_semantics<arbitrary>], iteration_bounds = array<i64: 5>, scalar_prefetch = 0 : i64, scratch_operands = 0 : i64, tpu.core_type = #tpu.core_type<tc>, window_params = [{transform_indices = @transform_0, window_bounds = array<i64: 1, 2000, 1>}, {transform_indices = @transform_1, window_bounds = array<i64: 1, 2000, 1>}, {transform_indices = @transform_2, window_bounds = array<i64: 2000, 64>}, {transform_indices = @transform_3, window_bounds = array<i64: 2000, 64>}, {transform_indices = @transform_4, window_bounds = array<i64: 2000, 1>}]} {
    %get3A = arith.constant 0 : index
    %get3A_0 = arith.constant 0 : index
    %get3A_1 = arith.constant 0 : index
    %get3A_2 = vector.load %arg1[%get3A, %get3A_0, %get3A_1] : memref<1x2000x1xf32, #tpu.memory_space<vmem>>, vector<1x2000x1xf32>
    %get3A_3 = vector.shape_cast %get3A_2 : vector<1x2000x1xf32> to vector<2000x1xf32>
    %add3A = arith.constant 1.000000e+00 : f32
    %add3A_4 = vector.broadcast %add3A : f32 to vector<2000x1xf32>
    %add3A_5 = arith.addf %add3A_4, %get3A_3 : vector<2000x1xf32>
    %get3A_6 = arith.constant 0 : index
    %get3A_7 = arith.constant 0 : index
    %get3A_8 = arith.constant 0 : index
    %get3A_9 = vector.load %arg2[%get3A_6, %get3A_7, %get3A_8] : memref<1x2000x1xf32, #tpu.memory_space<vmem>>, vector<1x2000x1xf32>
    %get3A_10 = vector.shape_cast %get3A_9 : vector<1x2000x1xf32> to vector<2000x1xf32>
    %add3A_11 = arith.addf %add3A_5, %get3A_10 : vector<2000x1xf32>
    %rsqrt3A = math.rsqrt %add3A_11 : vector<2000x1xf32>
    %get3A_12 = arith.constant 0 : index
    %get3A_13 = arith.constant 0 : index
    %get3A_14 = vector.load %arg3[%get3A_12, %get3A_13] : memref<2000x64xf32, #tpu.memory_space<vmem>>, vector<2000x64xf32>
    %mul3A = vector.broadcast %rsqrt3A : vector<2000x1xf32> to vector<2000x64xf32>
    %mul3A_15 = arith.mulf %get3A_14, %mul3A : vector<2000x64xf32>
    %swap3A = arith.constant 0 : index
    %swap3A_16 = arith.constant 0 : index
    %swap3A_17 = vector.load %arg4[%swap3A, %swap3A_16] : memref<2000x64xf32, #tpu.memory_space<vmem>>, vector<2000x64xf32>
    tpu.vector_store %arg4[%swap3A, %swap3A_16], %mul3A_15 {strides = array<i32>} : memref<2000x64xf32, #tpu.memory_space<vmem>>, vector<2000x64xf32>,
    %swap3A_18 = arith.constant 0 : index
    %swap3A_19 = arith.constant 0 : index
    %swap3A_20 = vector.load %arg5[%swap3A_18, %swap3A_19] : memref<2000x1xf32, #tpu.memory_space<vmem>>, vector<2000x1xf32>
    tpu.vector_store %arg5[%swap3A_18, %swap3A_19], %rsqrt3A {strides = array<i32>} : memref<2000x1xf32, #tpu.memory_space<vmem>>, vector<2000x1xf32>,
    return
  }
  func.func @transform_0(%arg0: i32) -> (i32, i32, i32) {
    %c0_i32 = arith.constant 0 : i32
    %c0_i32_0 = arith.constant 0 : i32
    %c0_i32_1 = arith.constant 0 : i32
    return %c0_i32, %arg0, %c0_i32_0 : i32, i32, i32
  }
  func.func @transform_1(%arg0: i32) -> (i32, i32, i32) {
    %c1_i32 = arith.constant 1 : i32
    %c0_i32 = arith.constant 0 : i32
    %c0_i32_0 = arith.constant 0 : i32
    return %c1_i32, %arg0, %c0_i32 : i32, i32, i32
  }
  func.func @transform_2(%arg0: i32) -> (i32, i32) {
    %c0_i32 = arith.constant 0 : i32
    %c0_i32_0 = arith.constant 0 : i32
    return %arg0, %c0_i32 : i32, i32
  }
  func.func @transform_3(%arg0: i32) -> (i32, i32) {
    %c0_i32 = arith.constant 0 : i32
    %c0_i32_0 = arith.constant 0 : i32
    return %arg0, %c0_i32 : i32, i32
  }
  func.func @transform_4(%arg0: i32) -> (i32, i32) {
    %c0_i32 = arith.constant 0 : i32
    %c0_i32_0 = arith.constant 0 : i32
    return %arg0, %c0_i32 : i32, i32
  }
}

module attributes {stable_mosaic.version = 14 : i64} {
  func.func @_comb_body(%arg0: i32, %arg1: memref<1x2000x64xf32, #tpu.memory_space<vmem>>, %arg2: memref<1x2000x64xf32, #tpu.memory_space<vmem>>, %arg3: memref<2000x64xf32, #tpu.memory_space<vmem>>, %arg4: memref<2000x1xf32, #tpu.memory_space<vmem>>, %arg5: memref<1x64xf32, #tpu.memory_space<vmem>>, %arg6: memref<64x32xf32, #tpu.memory_space<vmem>>, %arg7: memref<2000x32xf32, #tpu.memory_space<vmem>>) attributes {dimension_semantics = [#tpu.dimension_semantics<arbitrary>], iteration_bounds = array<i64: 5>, scalar_prefetch = 0 : i64, scratch_operands = 0 : i64, tpu.core_type = #tpu.core_type<tc>, window_params = [{transform_indices = @transform_0, window_bounds = array<i64: 1, 2000, 64>}, {transform_indices = @transform_1, window_bounds = array<i64: 1, 2000, 64>}, {transform_indices = @transform_2, window_bounds = array<i64: 2000, 64>}, {transform_indices = @transform_3, window_bounds = array<i64: 2000, 1>}, {pipeline_mode = #tpu.pipeline_mode<synchronous>, transform_indices = @transform_4, window_bounds = array<i64: 1, 64>}, {pipeline_mode = #tpu.pipeline_mode<synchronous>, transform_indices = @transform_5, window_bounds = array<i64: 64, 32>}, {transform_indices = @transform_6, window_bounds = array<i64: 2000, 32>}]} {
    %get3A = arith.constant 0 : index
    %get3A_0 = arith.constant 0 : index
    %get3A_1 = vector.load %arg4[%get3A, %get3A_0] : memref<2000x1xf32, #tpu.memory_space<vmem>>, vector<2000x1xf32>
    %get3A_2 = arith.constant 0 : index
    %get3A_3 = arith.constant 0 : index
    %get3A_4 = arith.constant 0 : index
    %get3A_5 = vector.load %arg1[%get3A_2, %get3A_3, %get3A_4] : memref<1x2000x64xf32, #tpu.memory_space<vmem>>, vector<1x2000x64xf32>
    %get3A_6 = vector.shape_cast %get3A_5 : vector<1x2000x64xf32> to vector<2000x64xf32>
    %get3A_7 = arith.constant 0 : index
    %get3A_8 = arith.constant 0 : index
    %get3A_9 = arith.constant 0 : index
    %get3A_10 = vector.load %arg2[%get3A_7, %get3A_8, %get3A_9] : memref<1x2000x64xf32, #tpu.memory_space<vmem>>, vector<1x2000x64xf32>
    %get3A_11 = vector.shape_cast %get3A_10 : vector<1x2000x64xf32> to vector<2000x64xf32>
    %add3A = arith.addf %get3A_6, %get3A_11 : vector<2000x64xf32>
    %get3A_12 = arith.constant 0 : index
    %get3A_13 = arith.constant 0 : index
    %get3A_14 = vector.load %arg3[%get3A_12, %get3A_13] : memref<2000x64xf32, #tpu.memory_space<vmem>>, vector<2000x64xf32>
    %add3A_15 = arith.addf %add3A, %get3A_14 : vector<2000x64xf32>
    %mul3A = vector.broadcast %get3A_1 : vector<2000x1xf32> to vector<2000x64xf32>
    %mul3A_16 = arith.mulf %mul3A, %add3A_15 : vector<2000x64xf32>
    %get3A_17 = arith.constant 0 : index
    %get3A_18 = arith.constant 0 : index
    %get3A_19 = vector.load %arg5[%get3A_17, %get3A_18] : memref<1x64xf32, #tpu.memory_space<vmem>>, vector<1x64xf32>
    %add3A_20 = vector.broadcast %get3A_19 : vector<1x64xf32> to vector<2000x64xf32>
    %add3A_21 = arith.addf %mul3A_16, %add3A_20 : vector<2000x64xf32>
    %max3A = arith.constant 0.000000e+00 : f32
    %max3A_22 = vector.broadcast %max3A : f32 to vector<2000x64xf32>
    %max3A_23 = arith.maximumf %add3A_21, %max3A_22 : vector<2000x64xf32>
    %get3A_24 = arith.constant 0 : index
    %get3A_25 = arith.constant 0 : index
    %get3A_26 = vector.load %arg6[%get3A_24, %get3A_25] : memref<64x32xf32, #tpu.memory_space<vmem>>, vector<64x32xf32>
    %dot_general3A = arith.constant dense<0.000000e+00> : vector<2000x32xf32>
    %dot_general3A_27 = tpu.matmul %max3A_23, %get3A_26, %dot_general3A {dimension_numbers = #tpu.dot_dimension_numbers<[1], [0], [0], [1], [0, 0, 1, 1], [], []>, transpose_lhs_hint = false} : vector<2000x64xf32>, vector<64x32xf32>, vector<2000x32xf32> -> vector<2000x32xf32>
    %mul3A_28 = vector.broadcast %get3A_1 : vector<2000x1xf32> to vector<2000x32xf32>
    %mul3A_29 = arith.mulf %mul3A_28, %dot_general3A_27 : vector<2000x32xf32>
    %swap3A = arith.constant 0 : index
    %swap3A_30 = arith.constant 0 : index
    %swap3A_31 = vector.load %arg7[%swap3A, %swap3A_30] : memref<2000x32xf32, #tpu.memory_space<vmem>>, vector<2000x32xf32>
    tpu.vector_store %arg7[%swap3A, %swap3A_30], %mul3A_29 {strides = array<i32>} : memref<2000x32xf32, #tpu.memory_space<vmem>>, vector<2000x32xf32>,
    return
  }
  func.func @transform_0(%arg0: i32) -> (i32, i32, i32) {
    %c0_i32 = arith.constant 0 : i32
    %c0_i32_0 = arith.constant 0 : i32
    %c0_i32_1 = arith.constant 0 : i32
    return %c0_i32, %arg0, %c0_i32_0 : i32, i32, i32
  }
  func.func @transform_1(%arg0: i32) -> (i32, i32, i32) {
    %c1_i32 = arith.constant 1 : i32
    %c0_i32 = arith.constant 0 : i32
    %c0_i32_0 = arith.constant 0 : i32
    return %c1_i32, %arg0, %c0_i32 : i32, i32, i32
  }
  func.func @transform_2(%arg0: i32) -> (i32, i32) {
    %c0_i32 = arith.constant 0 : i32
    %c0_i32_0 = arith.constant 0 : i32
    return %arg0, %c0_i32 : i32, i32
  }
  func.func @transform_3(%arg0: i32) -> (i32, i32) {
    %c0_i32 = arith.constant 0 : i32
    %c0_i32_0 = arith.constant 0 : i32
    return %arg0, %c0_i32 : i32, i32
  }
  func.func @transform_4(%arg0: i32) -> (i32, i32) {
    %c0_i32 = arith.constant 0 : i32
    %c0_i32_0 = arith.constant 0 : i32
    %c0_i32_1 = arith.constant 0 : i32
    return %c0_i32, %c0_i32_0 : i32, i32
  }
  func.func @transform_5(%arg0: i32) -> (i32, i32) {
    %c0_i32 = arith.constant 0 : i32
    %c0_i32_0 = arith.constant 0 : i32
    %c0_i32_1 = arith.constant 0 : i32
    return %c0_i32, %c0_i32_0 : i32, i32
  }
  func.func @transform_6(%arg0: i32) -> (i32, i32) {
    %c0_i32 = arith.constant 0 : i32
    %c0_i32_0 = arith.constant 0 : i32
    return %arg0, %c0_i32 : i32, i32
  }
}

module attributes {stable_mosaic.version = 14 : i64} {
  func.func @_comb_body(%arg0: i32, %arg1: memref<1x2000x32xf32, #tpu.memory_space<vmem>>, %arg2: memref<1x2000x32xf32, #tpu.memory_space<vmem>>, %arg3: memref<2000x32xf32, #tpu.memory_space<vmem>>, %arg4: memref<2000x1xf32, #tpu.memory_space<vmem>>, %arg5: memref<1x32xf32, #tpu.memory_space<vmem>>, %arg6: memref<32x32xf32, #tpu.memory_space<vmem>>, %arg7: memref<2000x32xf32, #tpu.memory_space<vmem>>) attributes {dimension_semantics = [#tpu.dimension_semantics<arbitrary>], iteration_bounds = array<i64: 5>, scalar_prefetch = 0 : i64, scratch_operands = 0 : i64, tpu.core_type = #tpu.core_type<tc>, window_params = [{transform_indices = @transform_0, window_bounds = array<i64: 1, 2000, 32>}, {transform_indices = @transform_1, window_bounds = array<i64: 1, 2000, 32>}, {transform_indices = @transform_2, window_bounds = array<i64: 2000, 32>}, {transform_indices = @transform_3, window_bounds = array<i64: 2000, 1>}, {pipeline_mode = #tpu.pipeline_mode<synchronous>, transform_indices = @transform_4, window_bounds = array<i64: 1, 32>}, {pipeline_mode = #tpu.pipeline_mode<synchronous>, transform_indices = @transform_5, window_bounds = array<i64: 32, 32>}, {transform_indices = @transform_6, window_bounds = array<i64: 2000, 32>}]} {
    %get3A = arith.constant 0 : index
    %get3A_0 = arith.constant 0 : index
    %get3A_1 = vector.load %arg4[%get3A, %get3A_0] : memref<2000x1xf32, #tpu.memory_space<vmem>>, vector<2000x1xf32>
    %get3A_2 = arith.constant 0 : index
    %get3A_3 = arith.constant 0 : index
    %get3A_4 = arith.constant 0 : index
    %get3A_5 = vector.load %arg1[%get3A_2, %get3A_3, %get3A_4] : memref<1x2000x32xf32, #tpu.memory_space<vmem>>, vector<1x2000x32xf32>
    %get3A_6 = vector.shape_cast %get3A_5 : vector<1x2000x32xf32> to vector<2000x32xf32>
    %get3A_7 = arith.constant 0 : index
    %get3A_8 = arith.constant 0 : index
    %get3A_9 = arith.constant 0 : index
    %get3A_10 = vector.load %arg2[%get3A_7, %get3A_8, %get3A_9] : memref<1x2000x32xf32, #tpu.memory_space<vmem>>, vector<1x2000x32xf32>
    %get3A_11 = vector.shape_cast %get3A_10 : vector<1x2000x32xf32> to vector<2000x32xf32>
    %add3A = arith.addf %get3A_6, %get3A_11 : vector<2000x32xf32>
    %get3A_12 = arith.constant 0 : index
    %get3A_13 = arith.constant 0 : index
    %get3A_14 = vector.load %arg3[%get3A_12, %get3A_13] : memref<2000x32xf32, #tpu.memory_space<vmem>>, vector<2000x32xf32>
    %add3A_15 = arith.addf %add3A, %get3A_14 : vector<2000x32xf32>
    %mul3A = vector.broadcast %get3A_1 : vector<2000x1xf32> to vector<2000x32xf32>
    %mul3A_16 = arith.mulf %mul3A, %add3A_15 : vector<2000x32xf32>
    %get3A_17 = arith.constant 0 : index
    %get3A_18 = arith.constant 0 : index
    %get3A_19 = vector.load %arg5[%get3A_17, %get3A_18] : memref<1x32xf32, #tpu.memory_space<vmem>>, vector<1x32xf32>
    %add3A_20 = vector.broadcast %get3A_19 : vector<1x32xf32> to vector<2000x32xf32>
    %add3A_21 = arith.addf %mul3A_16, %add3A_20 : vector<2000x32xf32>
    %max3A = arith.constant 0.000000e+00 : f32
    %max3A_22 = vector.broadcast %max3A : f32 to vector<2000x32xf32>
    %max3A_23 = arith.maximumf %add3A_21, %max3A_22 : vector<2000x32xf32>
    %get3A_24 = arith.constant 0 : index
    %get3A_25 = arith.constant 0 : index
    %get3A_26 = vector.load %arg6[%get3A_24, %get3A_25] : memref<32x32xf32, #tpu.memory_space<vmem>>, vector<32x32xf32>
    %dot_general3A = arith.constant dense<0.000000e+00> : vector<2000x32xf32>
    %dot_general3A_27 = tpu.matmul %max3A_23, %get3A_26, %dot_general3A {dimension_numbers = #tpu.dot_dimension_numbers<[1], [0], [0], [1], [0, 0, 1, 1], [], []>, transpose_lhs_hint = false} : vector<2000x32xf32>, vector<32x32xf32>, vector<2000x32xf32> -> vector<2000x32xf32>
    %mul3A_28 = vector.broadcast %get3A_1 : vector<2000x1xf32> to vector<2000x32xf32>
    %mul3A_29 = arith.mulf %mul3A_28, %dot_general3A_27 : vector<2000x32xf32>
    %swap3A = arith.constant 0 : index
    %swap3A_30 = arith.constant 0 : index
    %swap3A_31 = vector.load %arg7[%swap3A, %swap3A_30] : memref<2000x32xf32, #tpu.memory_space<vmem>>, vector<2000x32xf32>
    tpu.vector_store %arg7[%swap3A, %swap3A_30], %mul3A_29 {strides = array<i32>} : memref<2000x32xf32, #tpu.memory_space<vmem>>, vector<2000x32xf32>,
    return
  }
  func.func @transform_0(%arg0: i32) -> (i32, i32, i32) {
    %c0_i32 = arith.constant 0 : i32
    %c0_i32_0 = arith.constant 0 : i32
    %c0_i32_1 = arith.constant 0 : i32
    return %c0_i32, %arg0, %c0_i32_0 : i32, i32, i32
  }
  func.func @transform_1(%arg0: i32) -> (i32, i32, i32) {
    %c1_i32 = arith.constant 1 : i32
    %c0_i32 = arith.constant 0 : i32
    %c0_i32_0 = arith.constant 0 : i32
    return %c1_i32, %arg0, %c0_i32 : i32, i32, i32
  }
  func.func @transform_2(%arg0: i32) -> (i32, i32) {
    %c0_i32 = arith.constant 0 : i32
    %c0_i32_0 = arith.constant 0 : i32
    return %arg0, %c0_i32 : i32, i32
  }
  func.func @transform_3(%arg0: i32) -> (i32, i32) {
    %c0_i32 = arith.constant 0 : i32
    %c0_i32_0 = arith.constant 0 : i32
    return %arg0, %c0_i32 : i32, i32
  }
  func.func @transform_4(%arg0: i32) -> (i32, i32) {
    %c0_i32 = arith.constant 0 : i32
    %c0_i32_0 = arith.constant 0 : i32
    %c0_i32_1 = arith.constant 0 : i32
    return %c0_i32, %c0_i32_0 : i32, i32
  }
  func.func @transform_5(%arg0: i32) -> (i32, i32) {
    %c0_i32 = arith.constant 0 : i32
    %c0_i32_0 = arith.constant 0 : i32
    %c0_i32_1 = arith.constant 0 : i32
    return %c0_i32, %c0_i32_0 : i32, i32
  }
  func.func @transform_6(%arg0: i32) -> (i32, i32) {
    %c0_i32 = arith.constant 0 : i32
    %c0_i32_0 = arith.constant 0 : i32
    return %arg0, %c0_i32 : i32, i32
  }
}

module attributes {stable_mosaic.version = 14 : i64} {
  func.func @_final_body(%arg0: memref<2x10240x32xf32, #tpu.memory_space<vmem>>, %arg1: memref<10000x32xf32, #tpu.memory_space<vmem>>, %arg2: memref<10000x1xf32, #tpu.memory_space<vmem>>, %arg3: memref<1x32xf32, #tpu.memory_space<vmem>>, %arg4: memref<32x32xf32, #tpu.memory_space<vmem>>, %arg5: memref<32x32xf32, #tpu.memory_space<vmem>>, %arg6: memref<1x32xf32, #tpu.memory_space<vmem>>, %arg7: memref<32x8xf32, #tpu.memory_space<vmem>>, %arg8: memref<1x8xf32, #tpu.memory_space<vmem>>, %arg9: memref<8x10xf32, #tpu.memory_space<vmem>>, %arg10: memref<1x10xf32, #tpu.memory_space<vmem>>, %arg11: memref<1x10xf32, #tpu.memory_space<vmem>>) attributes {dimension_semantics = [], scalar_prefetch = 0 : i64, scratch_operands = 0 : i64, tpu.core_type = #tpu.core_type<tc>} {
    %get3A = arith.constant 0 : index
    %get3A_0 = arith.constant 0 : index
    %get3A_1 = vector.load %arg2[%get3A, %get3A_0] : memref<10000x1xf32, #tpu.memory_space<vmem>>, vector<10000x1xf32>
    %get3A_2 = arith.constant 0 : index
    %get3A_3 = arith.constant 0 : index
    %get3A_4 = arith.constant 0 : index
    %get3A_5 = vector.load %arg0[%get3A_2, %get3A_3, %get3A_4] : memref<2x10240x32xf32, #tpu.memory_space<vmem>>, vector<1x10000x32xf32>
    %get3A_6 = vector.shape_cast %get3A_5 : vector<1x10000x32xf32> to vector<10000x32xf32>
    %get3A_7 = arith.constant 1 : index
    %get3A_8 = arith.constant 0 : index
    %get3A_9 = arith.constant 0 : index
    %get3A_10 = vector.load %arg0[%get3A_7, %get3A_8, %get3A_9] : memref<2x10240x32xf32, #tpu.memory_space<vmem>>, vector<1x10000x32xf32>
    %get3A_11 = vector.shape_cast %get3A_10 : vector<1x10000x32xf32> to vector<10000x32xf32>
    %add3A = arith.addf %get3A_6, %get3A_11 : vector<10000x32xf32>
    %get3A_12 = arith.constant 0 : index
    %get3A_13 = arith.constant 0 : index
    %get3A_14 = vector.load %arg1[%get3A_12, %get3A_13] : memref<10000x32xf32, #tpu.memory_space<vmem>>, vector<10000x32xf32>
    %add3A_15 = arith.addf %add3A, %get3A_14 : vector<10000x32xf32>
    %mul3A = vector.broadcast %get3A_1 : vector<10000x1xf32> to vector<10000x32xf32>
    %mul3A_16 = arith.mulf %mul3A, %add3A_15 : vector<10000x32xf32>
    %get3A_17 = arith.constant 0 : index
    %get3A_18 = arith.constant 0 : index
    %get3A_19 = vector.load %arg3[%get3A_17, %get3A_18] : memref<1x32xf32, #tpu.memory_space<vmem>>, vector<1x32xf32>
    %add3A_20 = vector.broadcast %get3A_19 : vector<1x32xf32> to vector<10000x32xf32>
    %add3A_21 = arith.addf %mul3A_16, %add3A_20 : vector<10000x32xf32>
    %max3A = arith.constant 0.000000e+00 : f32
    %max3A_22 = vector.broadcast %max3A : f32 to vector<10000x32xf32>
    %max3A_23 = arith.maximumf %add3A_21, %max3A_22 : vector<10000x32xf32>
    %reduce_sum3A = arith.constant dense<0.000000e+00> : vector<32xf32>
    %reduce_sum3A_24 = vector.multi_reduction <add>, %max3A_23, %reduce_sum3A [0] : vector<10000x32xf32> to vector<32xf32>
    %broadcast_in_dim3A = vector.shape_cast %reduce_sum3A_24 : vector<32xf32> to vector<1x32xf32>
    %mul3A_25 = arith.constant 9.99999974E-5 : f32
    %mul3A_26 = vector.broadcast %mul3A_25 : f32 to vector<1x32xf32>
    %mul3A_27 = arith.mulf %broadcast_in_dim3A, %mul3A_26 : vector<1x32xf32>
    %get3A_28 = arith.constant 0 : index
    %get3A_29 = arith.constant 0 : index
    %get3A_30 = vector.load %arg4[%get3A_28, %get3A_29] : memref<32x32xf32, #tpu.memory_space<vmem>>, vector<32x32xf32>
    %dot_general3A = arith.constant dense<0.000000e+00> : vector<1x32xf32>
    %dot_general3A_31 = tpu.matmul %mul3A_27, %get3A_30, %dot_general3A {dimension_numbers = #tpu.dot_dimension_numbers<[1], [0], [0], [1], [0, 0, 1, 1], [], []>, transpose_lhs_hint = false} : vector<1x32xf32>, vector<32x32xf32>, vector<1x32xf32> -> vector<1x32xf32>
    %tanh3A = math.tanh %dot_general3A_31 : vector<1x32xf32>
    %transpose3A = tpu.transpose %tanh3A, [1, 0] : vector<1x32xf32> -> vector<32x1xf32>
    %dot_general3A_32 = arith.constant dense<0.000000e+00> : vector<10000x1xf32>
    %dot_general3A_33 = tpu.matmul %max3A_23, %transpose3A, %dot_general3A_32 {dimension_numbers = #tpu.dot_dimension_numbers<[1], [0], [0], [1], [0, 0, 1, 1], [], []>, transpose_lhs_hint = false} : vector<10000x32xf32>, vector<32x1xf32>, vector<10000x1xf32> -> vector<10000x1xf32>
    %neg3A = arith.constant 0.000000e+00 : f32
    %neg3A_34 = vector.broadcast %neg3A : f32 to vector<10000x1xf32>
    %neg3A_35 = arith.subf %neg3A_34, %dot_general3A_33 : vector<10000x1xf32>
    %exp3A = math.exp %neg3A_35 : vector<10000x1xf32>
    %add3A_36 = arith.constant 1.000000e+00 : f32
    %add3A_37 = vector.broadcast %add3A_36 : f32 to vector<10000x1xf32>
    %add3A_38 = arith.addf %add3A_37, %exp3A : vector<10000x1xf32>
    %div3A = arith.constant 1.000000e+00 : f32
    %div3A_39 = vector.broadcast %div3A : f32 to vector<10000x1xf32>
    %div3A_40 = arith.divf %div3A_39, %add3A_38 : vector<10000x1xf32>
    %mul3A_41 = vector.broadcast %div3A_40 : vector<10000x1xf32> to vector<10000x32xf32>
    %mul3A_42 = arith.mulf %max3A_23, %mul3A_41 : vector<10000x32xf32>
    %reduce_sum3A_43 = arith.constant dense<0.000000e+00> : vector<32xf32>
    %reduce_sum3A_44 = vector.multi_reduction <add>, %mul3A_42, %reduce_sum3A_43 [0] : vector<10000x32xf32> to vector<32xf32>
    %broadcast_in_dim3A_45 = vector.shape_cast %reduce_sum3A_44 : vector<32xf32> to vector<1x32xf32>
    %get3A_46 = arith.constant 0 : index
    %get3A_47 = arith.constant 0 : index
    %get3A_48 = vector.load %arg5[%get3A_46, %get3A_47] : memref<32x32xf32, #tpu.memory_space<vmem>>, vector<32x32xf32>
    %dot_general3A_49 = arith.constant dense<0.000000e+00> : vector<1x32xf32>
    %dot_general3A_50 = tpu.matmul %broadcast_in_dim3A_45, %get3A_48, %dot_general3A_49 {dimension_numbers = #tpu.dot_dimension_numbers<[1], [0], [0], [1], [0, 0, 1, 1], [], []>, transpose_lhs_hint = false} : vector<1x32xf32>, vector<32x32xf32>, vector<1x32xf32> -> vector<1x32xf32>
    %get3A_51 = arith.constant 0 : index
    %get3A_52 = arith.constant 0 : index
    %get3A_53 = vector.load %arg6[%get3A_51, %get3A_52] : memref<1x32xf32, #tpu.memory_space<vmem>>, vector<1x32xf32>
    %add3A_54 = arith.addf %dot_general3A_50, %get3A_53 : vector<1x32xf32>
    %max3A_55 = arith.constant 0.000000e+00 : f32
    %max3A_56 = vector.broadcast %max3A_55 : f32 to vector<1x32xf32>
    %max3A_57 = arith.maximumf %add3A_54, %max3A_56 : vector<1x32xf32>
    %get3A_58 = arith.constant 0 : index
    %get3A_59 = arith.constant 0 : index
    %get3A_60 = vector.load %arg7[%get3A_58, %get3A_59] : memref<32x8xf32, #tpu.memory_space<vmem>>, vector<32x8xf32>
    %dot_general3A_61 = arith.constant dense<0.000000e+00> : vector<1x8xf32>
    %dot_general3A_62 = tpu.matmul %max3A_57, %get3A_60, %dot_general3A_61 {dimension_numbers = #tpu.dot_dimension_numbers<[1], [0], [0], [1], [0, 0, 1, 1], [], []>, transpose_lhs_hint = false} : vector<1x32xf32>, vector<32x8xf32>, vector<1x8xf32> -> vector<1x8xf32>
    %get3A_63 = arith.constant 0 : index
    %get3A_64 = arith.constant 0 : index
    %get3A_65 = vector.load %arg8[%get3A_63, %get3A_64] : memref<1x8xf32, #tpu.memory_space<vmem>>, vector<1x8xf32>
    %add3A_66 = arith.addf %dot_general3A_62, %get3A_65 : vector<1x8xf32>
    %max3A_67 = arith.constant 0.000000e+00 : f32
    %max3A_68 = vector.broadcast %max3A_67 : f32 to vector<1x8xf32>
    %max3A_69 = arith.maximumf %add3A_66, %max3A_68 : vector<1x8xf32>
    %get3A_70 = arith.constant 0 : index
    %get3A_71 = arith.constant 0 : index
    %get3A_72 = vector.load %arg9[%get3A_70, %get3A_71] : memref<8x10xf32, #tpu.memory_space<vmem>>, vector<8x10xf32>
    %dot_general3A_73 = arith.constant dense<0.000000e+00> : vector<1x10xf32>
    %dot_general3A_74 = tpu.matmul %max3A_69, %get3A_72, %dot_general3A_73 {dimension_numbers = #tpu.dot_dimension_numbers<[1], [0], [0], [1], [0, 0, 1, 1], [], []>, transpose_lhs_hint = false} : vector<1x8xf32>, vector<8x10xf32>, vector<1x10xf32> -> vector<1x10xf32>
    %get3A_75 = arith.constant 0 : index
    %get3A_76 = arith.constant 0 : index
    %get3A_77 = vector.load %arg10[%get3A_75, %get3A_76] : memref<1x10xf32, #tpu.memory_space<vmem>>, vector<1x10xf32>
    %add3A_78 = arith.addf %dot_general3A_74, %get3A_77 : vector<1x10xf32>
    %reduce_max3A = arith.constant dense<0xFF800000> : vector<1xf32>
    %reduce_max3A_79 = vector.multi_reduction <maximumf>, %add3A_78, %reduce_max3A [1] : vector<1x10xf32> to vector<1xf32>
    %broadcast_in_dim3A_80 = vector.shape_cast %reduce_max3A_79 : vector<1xf32> to vector<1x1xf32>
    %sub3A = vector.broadcast %broadcast_in_dim3A_80 : vector<1x1xf32> to vector<1x10xf32>
    %sub3A_81 = arith.subf %add3A_78, %sub3A : vector<1x10xf32>
    %exp3A_82 = math.exp %sub3A_81 : vector<1x10xf32>
    %reduce_sum3A_83 = arith.constant dense<0.000000e+00> : vector<1xf32>
    %reduce_sum3A_84 = vector.multi_reduction <add>, %exp3A_82, %reduce_sum3A_83 [1] : vector<1x10xf32> to vector<1xf32>
    %broadcast_in_dim3A_85 = vector.shape_cast %reduce_sum3A_84 : vector<1xf32> to vector<1x1xf32>
    %log3A = math.log %broadcast_in_dim3A_85 : vector<1x1xf32>
    %sub3A_86 = vector.broadcast %log3A : vector<1x1xf32> to vector<1x10xf32>
    %sub3A_87 = arith.subf %sub3A_81, %sub3A_86 : vector<1x10xf32>
    %swap3A = arith.constant 0 : index
    %swap3A_88 = arith.constant 0 : index
    %swap3A_89 = vector.load %arg11[%swap3A, %swap3A_88] : memref<1x10xf32, #tpu.memory_space<vmem>>, vector<1x10xf32>
    tpu.vector_store %arg11[%swap3A, %swap3A_88], %sub3A_87 {strides = array<i32>} : memref<1x10xf32, #tpu.memory_space<vmem>>, vector<1x10xf32>,
    return
  }
}

</mosaic_0001>

<sc_bundles>
// kernel: kernel.11.cloned.1.call-start
scs
__scs_entry_jumppad:
0x0: {  	(pc) =	sbr.rel $0x88, $3  }
0x1: {  	(tag) =	ssettag $0x0;
	lr =	simm.s32 $0x1  }
0x2: {  	[smem:$0x3F92] =	sst lr;
	_ =	strace $0xD0000000  }
0x3: {  	_ = 	snop  }
0x4: {  	_ = 	snop  }
0x5: {  	_ = 	snop  }
0x6: {  	_ = 	snop  }
0x7: {  	_ = 	snop  }
__scs_overlays_trampoline_lowered:
0x8: {  	[smem:$0x3FA1] =	sst s0  }
0x9: {  	[smem:$0x3FA2] =	sst s1  }
0xa: {  	[smem:$0x3FA3] =	sst s2  }
0xb: {  	[smem:$0x3FA4] =	sst s3  }
0xc: {  	[smem:$0x3FA5] =	sst s4  }
0xd: {  	[smem:$0x3FA6] =	sst s5  }
0xe: {  	[smem:$0x3FA7] =	sst s6  }
0xf: {  	[smem:$0x3FA8] =	sst s7  }
0x10: {  	[smem:$0x3FA9] =	sst s8  }
0x11: {  	[smem:$0x3FAA] =	sst s9;
	s0 =	simm.s32 @!p0 $0x0  }
0x12: {  	s1 =	sld [smem:$0x3F90];
	s0 =	simm.s32 @p0 $0x1  }
0x13: {  	[smem:$0x3FAB] =	sst s0;
	s0 =	simm.s32 @!p1 $0x0  }
0x14: {  	s2 =	sld [smem:$0x3F8F];
	s0 =	simm.s32 @p1 $0x1  }
0x15: {  	[smem:$0x3FAC] =	sst s0;
	s0 =	simm.s32 @!p2 $0x0  }
0x16: {  	s3 =	sld [smem:$0x3FDB];
	s0 =	simm.s32 @p2 $0x1  }
0x17: {  	s4 =	simm.s32 $0x1BF5;
	[smem:$0x3FAE] =	sst s0  }
0x18: {  	s0 =	sld [smem:$0x3F91];
	_ =	swait.ge [sflag:s4], $0x0  }
0x19: {  	s7 =	sld [smem:$0x3F92]  }
0x1a: {  	s8 =	sadd.s32 $0xFFFFE003, lr  }
0x1b: {  	s9 =	sadd.s32 $0xFFFFFEF7, lr;
	s5 =	simm.s32 $0xFFFFFFFF;
	p2 =	slt.u32 s8, $0xFFFFF086  }
0x1c: {  	p1 =	slt.u32 s9, $0xF7A;
	s5 =	simm.s32 @!p2 $0x0  }
0x1d: {  	s5 =	simm.s32 @p1 $0x1;
	p0 =	seq.s32 s7, s2  }
0x1e: {  	s7 =	smul.u32 @!p0 $0xF7A, s2;
	p2 =	seq.s32 @!p0 s5, $0x0  }
0x1f: {  	s9 =	smul.u32 $0xF7A, s1;
	s8 =	simm.s32 @!p0 $0x1BF5;
	p2 =	por !p2, p0  }
0x20: {  	[sflag:s8] =	ssyncset.s32 @!p0 $0xFFFFF086;
	s6 =	sadd.s32 @!p0 s3, s7;
	s7 =	simm.s32 @!p0 $0x108  }
0x21: {  	s3 =	sadd.s32 s3, s9;
	s6 =	sadd.s32 @!p0 $0x88, s6;
	s7 =	simm.s32 @p2 $0x1082  }
0x22: {  	[simem:s7], [sflag:s8] =	dma.local @!p0 [hbm:s6], $0xF7A  }
0x23: {  	s9 =	sor.u32 $0xD0000000, s2;
	s6 =	simm.s32 $0x108;
	_ =	swait.ge @!p0 [sflag:s8], $0x0  }
0x24: {  	s3 =	sadd.s32 $0x88, s3;
	s6 =	simm.s32 @!p1 $0x1082;
	[sflag:s4] =	ssyncset.s32 $0xFFFFF086  }
0x25: {  	[simem:s6], [sflag:s4] =	dma.local [hbm:s3], $0xF7A  }
0x26: {  	[smem:$0x3F92] =	sst s1;
	(tag) =	ssettag s2;
	_ =	strace s9  }
0x27: {  	s1 =	sld [smem:$0x3FA2]  }
0x28: {  	s2 =	sld [smem:$0x3FA3]  }
0x29: {  	s4 =	sld [smem:$0x3FA5]  }
0x2a: {  	p0 =	seq.s32 s5, $0x0;
	s5 =	sld [smem:$0x3FA6]  }
0x2b: {  	s6 =	sld [smem:$0x3FA7]  }
0x2c: {  	s7 =	sld [smem:$0x3FA8]  }
0x2d: {  	s3 =	simm.s32 $0x108;
	s8 =	sld [smem:$0x3FA9]  }
0x2e: {  	s3 =	simm.s32 @!p0 $0x1082;
	s9 =	sld [smem:$0x3FAA]  }
0x2f: {  	lr =	sadd.s32 s0, s3;
	s0 =	sld [smem:$0x3FA1]  }
0x30: {  	s3 =	sld [smem:$0x3FA4]  }
0x31: {  	[smem:$0x3FAD] =	sst s10  }
0x32: {  	s10 =	sld [smem:$0x3FAB];
	_ =	sdelay $0x3  }
0x33: {  	p0 =	seq.s32 s10, $0x1;
	s10 =	sld [smem:$0x3FAD];
	_ =	sdelay $0x3  }
0x34: {  	[smem:$0x3FAD] =	sst s10  }
0x35: {  	s10 =	sld [smem:$0x3FAC];
	_ =	sdelay $0x3  }
0x36: {  	p1 =	seq.s32 s10, $0x1;
	s10 =	sld [smem:$0x3FAD];
	_ =	sdelay $0x3  }
0x37: {  	[smem:$0x3FAD] =	sst s10  }
0x38: {  	s10 =	sld [smem:$0x3FAE]  }
0x39: {  	_ = 	snop;
	(pc) =	sbr.ind lr, $3  }
0x3a: {  	_ = 	snop  }
0x3b: {  	_ = 	snop  }
0x3c: {  	p2 =	seq.s32 s10, $0x1;
	s10 =	sld [smem:$0x3FAD]  }
0x3d: {  	_ =	shalt  }
0x3e: {  	_ =	shalt  }
0x3f: {  	_ =	shalt  }
0x40: {  	_ =	shalt  }
0x41: {  	_ =	shalt  }
0x42: {  	_ =	shalt  }
0x43: {  	_ =	shalt  }
0x44: {  	_ =	shalt  }
0x45: {  	_ =	shalt  }
0x46: {  	_ =	shalt  }
0x47: {  	_ =	shalt  }
0x48: {  	_ =	shalt  }
0x49: {  	_ =	shalt  }
0x4a: {  	_ =	shalt  }
0x4b: {  	_ =	shalt  }
0x4c: {  	_ =	shalt  }
0x4d: {  	_ =	shalt  }
0x4e: {  	_ =	shalt  }
0x4f: {  	_ =	shalt  }
0x50: {  	_ =	shalt  }
0x51: {  	_ =	shalt  }
0x52: {  	_ =	shalt  }
0x53: {  	_ =	shalt  }
0x54: {  	_ =	shalt  }
0x55: {  	_ =	shalt  }
0x56: {  	_ =	shalt  }
0x57: {  	_ =	shalt  }
0x58: {  	_ =	shalt  }
0x59: {  	_ =	shalt  }
0x5a: {  	_ =	shalt  }
0x5b: {  	_ =	shalt  }
0x5c: {  	_ =	shalt  }
0x5d: {  	_ =	shalt  }
0x5e: {  	_ =	shalt  }
0x5f: {  	_ =	shalt  }
0x60: {  	_ =	shalt  }
0x61: {  	_ =	shalt  }
0x62: {  	_ =	shalt  }
0x63: {  	_ =	shalt  }
0x64: {  	_ =	shalt  }
0x65: {  	_ =	shalt  }
0x66: {  	_ =	shalt  }
0x67: {  	_ =	shalt  }
0x68: {  	_ =	shalt  }
0x69: {  	_ =	shalt  }
0x6a: {  	_ =	shalt  }
0x6b: {  	_ =	shalt  }
0x6c: {  	_ =	shalt  }
0x6d: {  	_ =	shalt  }
0x6e: {  	_ =	shalt  }
0x6f: {  	_ =	shalt  }
0x70: {  	_ =	shalt  }
0x71: {  	_ =	shalt  }
0x72: {  	_ =	shalt  }
0x73: {  	_ =	shalt  }
0x74: {  	_ =	shalt  }
0x75: {  	_ =	shalt  }
0x76: {  	_ =	shalt  }
0x77: {  	_ =	shalt  }
0x78: {  	_ =	shalt  }
0x79: {  	_ =	shalt  }
0x7a: {  	_ =	shalt  }
0x7b: {  	_ =	shalt  }
0x7c: {  	_ =	shalt  }
0x7d: {  	_ =	shalt  }
0x7e: {  	_ =	shalt  }
0x7f: {  	_ =	shalt  }
0x80: {  	_ =	shalt  }
0x81: {  	_ =	shalt  }
0x82: {  	_ =	shalt  }
0x83: {  	_ =	shalt  }
0x84: {  	_ =	shalt  }
0x85: {  	_ =	shalt  }
0x86: {  	_ =	shalt  }
0x87: {  	_ =	shalt  }
.Lfunc_end0:
.L_simem_size_0:
called_computation_lowered:
.L_overlay_start_0:
0x88: {  	s2 =	sld [smem:$0x3FD9]  }
0x89: {  	s3 =	sld [smem:$0x3FFE];
	_ =	sdelay $0x1  }
0x8a: {  	s1 =	srdreg.scid  }
0x8b: {  	s0 =	sand.u32 $0x1, s1  }
0x8c: {  	s16 =	sshll.u32 s0, $0xA;
	s2 =	sadd.s32 s3, s2  }
0x8d: {  	s2 =	sadd.s32 s2, s16  }
0x8e: {  	[smem:$0x3FB9] =	sst s2  }
0x8f: {  	_ = 	snop  }
0x90: {  	(tm) =	ssettm $0x1  }
0x91: {  	s17 =	sld [smem:$0x3FFB];
	_ =	sdelay $0x3  }
0x92: {  	_ =	strace s17  }
0x93: {  	s2 =	sld [smem:$0x3FFC];
	_ =	sdelay $0x3  }
0x94: {  	_ =	strace s2  }
0x95: {  	s2 =	sld [smem:$0x3FFD];
	_ =	sdelay $0x3  }
0x96: {  	_ =	strace s2  }
0x97: {  	_ =	strace $0x8FFFFFFF  }
0x98: {  	s18 =	sld [smem:$0x3FDB];
	_ =	sdelay $0x1  }
0x99: {  	s19 =	simm.s32 $_scs_section_size  }
0x9a: {  	s4 =	simm.s32 $_size__tile_overlayer_lowered;
	s5 =	simm.s32 $_tile_overlayer_lowered  }
0x9b: {  	s22 =	simm.s32 $0x1BFF;
	s21 =	sshll.u32 s5, $0x1;
	s2 =	sadd.s32 s19, s18  }
0x9c: {  	s6 =	simm.s32 $0x0;
	s20 =	sshll.u32 s4, $0x1;
	s4 =	sadd.s32 s21, s2  }
0x9d: {  	[timem:s6], [sflag:s22] =	dma.local [hbm:s4], s20  }
0x9e: {  	_ =	swait.ge [sflag:s22], s20  }
0x9f: {  	s3 =	ssub.s32 $0x0, s20;
	[sflag:s22] =	ssyncset.done $0x0  }
0xa0: {  	[sflag:s22] =	ssyncadd.s32 s3;
	_ =	sdelay $0x1  }
0xa1: {  	s23 =	simm.s32 $0x1B8B  }
0xa2: {  	_ =	swait.ge [sflag:s23], $0x1  }
0xa3: {  	[sflag:s23] =	ssyncset.done $0x0  }
0xa4: {  	s25 =	simm.s32 $0x1B8E;
	s24 =	sld [smem:$0x3FFE];
	[sflag:s23] =	ssyncadd.s32 $0xFFFFFFFF  }
0xa5: {  	s26 =	simm.s32 $execute0_lowered;
	[smem:$0x3FD2] =	sst s25  }
0xa6: {  	s4 =	sshll.u32 s26, $0x1;
	_ =	strace $0x80000046;
	[dreg:$0x1] =	wrdreg $0xFFFFFFFF  }
0xa7: {  	s28 =	simm.s32 $_size_execute0_lowered;
	s2 =	sadd.s32 s2, s4;
	[dreg:$0x0] =	wrdreg $0x0  }
0xa8: {  	s4 =	sshll.u32 s28, $0x1;
	[dreg:$0x2] =	wrdreg s2  }
0xa9: {  	[dreg:$0x3] =	wrdreg s4  }
0xaa: {  	[dreg:$0x4] =	wrdreg $0xC0  }
0xab: {  	_ =	task [dreg:s6], $0x5FFFF  }
0xac: {  	[dreg:$0x1] =	wrdreg $0xFFFFFFFF  }
0xad: {  	[dreg:$0x0] =	wrdreg $0x60  }
0xae: {  	[dreg:$0x2] =	wrdreg s24  }
0xaf: {  	[dreg:$0x3] =	wrdreg $0x2B900  }
0xb0: {  	[dreg:$0x4] =	wrdreg $0x9  }
0xb1: {  	_ =	task.clear_ibuf [dreg:s6], $0x5FFFF;
	_ =	strace $0x90000046  }
0xb2: {  	s29 =	simm.s32 $0x9;
	_ =	strace $0x80000048  }
0xb3: {  	_ =	swait.ge [sflag:s29], $0x1  }
0xb4: {  	[sflag:s29] =	ssyncadd.s32 $0xFFFFFFFF  }
0xb5: {  	_ =	strace $0x90000048  }
0xb6: {  	_ =	sfence  }
0xb7: {  	s30 =	sld [smem:$0x0];
	_ =	sdelay $0x2  }
0xb8: {  	s31 =	sshll.u32 s1, $0xD;
	s1 =	sshrl.u32 s1, $0x2  }
0xb9: {  	s3 =	sand.u32 $0x4000, s31;
	s1 =	sadd.s32 s1, s30  }
0xba: {  	s0 =	sor.u32 s3, s0;
	s1 =	sshll.u32 s1, $0x11  }
0xbb: {  	s0 =	sor.u32 s1, s0  }
0xbc: {  	s0 =	sadd.s32 $0x8F2B, s0  }
0xbd: {  	[sflag:s0] =	ssyncadd.remote.s32 $0x1  }
0xbe: {  	_ =	sfence.sel $0xFFFF  }
0xbf: {  	[dreg:$0x0] =	wrdreg $0xFFFFFFFF;
	(pc) =	sbr.abs _section_cstart, $3  }
0xc0: {  	[dreg:$0x1] =	wrdreg $0xFFFFFFFF  }
0xc1: {  	_ =	task.clear_ibuf [dreg:s6], $0x2FFFF;
	_ =	strace $0x9FFFFFFF  }
0xc2: {  	(tm) =	ssettm $0x7FFFFFFF  }
0xc3: {  	_ =	shalt  }
tec
execute0_lowered:
.L_overlay_start_1:
0x0: {  	(tag) =	ssettag $0x1  }
0x1: {  	s5 =	rddreg [dreg:$0x0]  }
0x2: {  	s0 =	srdreg.scid;
	s2 =	rddreg [dreg:$0x1]  }
0x3: {  	s1 =	stileid.u32;
	s3 =	simm.s32 $0x0;
	s13 =	simm.s32 $0x2B10  }
0x4: {  	s16 =	simm.s32 $0x1;
	s17 =	simm.s32 $0x80;
	s18 =	simm.s32 $0x10  }
0x5: {  	s19 =	simm.s32 $0x2;
	s6 =	sand.u32 $0x1, s0;
	s0 =	rddreg [dreg:$0x2]  }
0x6: {  	s20 =	simm.s32 $0x0;
	[smem:$0x7FF] =	sst s3;
	s8 =	smul.u32 $0x1400, s1  }
0x7: {  	s14 =	sshll.u32 s1, $0x6;
	s4 =	sshll.u32 s6, $0x4;
	_ =	strace $0x80000047  }
0x8: {  	s10 =	smul.u32 $0x14000, s6;
	s6 =	ssub.s32 $0x2, s6;
	s14 =	sor.u32 $0x1C03, s14  }
0x9: {  	s7 =	sor.u32 s1, s4;
	s11 =	sshrl.u32 s8, $0x3;
	s12 =	sshrl.u32 s6, $0x1  }
0xa: {  	s15 =	sadd.s32 s8, s2;
	s4 =	sshll.u32 s7, $0x1;
	s7 =	smul.u32 $0x2700, s7  }
0xb: {  	s11 =	sadd.s32 s11, s5;
	s10 =	sadd.s32 s8, s10;
	s12 =	ssub.s32 s6, s12  }
0xc: {  	s15 =	sshrl.u32 s15, $0x3;
	s9 =	sadd.s32 s4, s5;
	s10 =	sshrl.u32 s10, $0x3  }
0xd: {  	s4 =	sadd.s32 $0x19600, s5;
	s7 =	sshrl.u32 s7, $0x3;
	s10 =	sadd.s32 s10, s5  }
0xe: {  	s6 =	sadd.s32 $0x16C40, s9;
	s9 =	smax.u32 s12, $0x1;
	s12 =	simm.s32 $0x3  }
0xf: {  	s5 =	sadd.s32 s5, s7;
	s7 =	sadd.s32 $0x16E00, s11;
	s8 =	sadd.s32 $0x19800, s10  }
0x10: {  	s10 =	simm.s32 $0x2700;
	s11 =	simm.s32 $0x2710;
	s5 =	sadd.s32 $0xD000, s5  }
.LBB2_1:
0x11: {  	[tilespmem:s3], [sflag:$0x1] =	stream.linear.gather [hbm4b:s5+s3], $0x2700, $0x38;
	[tilespmem:$0x2E10] =	vst v63  }
0x12: {  	_ = 	snop  }
0x13: {  	[tilespmem:s10], [sflag:$0x1] =	stream.linear.gather [hbm4b:s6+s3], $0x10, $0x38;
	[tilespmem:$0x2E10] =	vst v63  }
0x14: {  	_ = 	snop  }
0x15: {  	[tilespmem:s11], [sflag:$0x3] =	stream.linear.gather [hbm4b:s4+s3], $0x400, $0x38;
	[tilespmem:$0x2E10] =	vst v63  }
0x16: {  	_ =	swait.ge [sflag:s12], $0x400  }
0x17: {  	[sflag:s12] =	ssyncset.done $0x0  }
0x18: {  	[sflag:s12] =	ssyncadd.s32 $0xFFFFFC00  }
0x19: {  	[tilespmem:s13], [sflag:$0x3] =	stream.linear.gather [hbm4b:s4+s3], $0x80, $0x38;
	[tilespmem:$0x2E10] =	vst v63  }
0x1a: {  	_ =	swait.ge [sflag:s12], $0x80  }
0x1b: {  	[sflag:s12] =	ssyncset.done $0x0  }
0x1c: {  	[sflag:s12] =	ssyncadd.s32 $0xFFFFFF80  }
0x1d: {  	[spmem:s15], [sflag:s14] =	dma.local [hbm:s7], $0x280  }
0x1e: {  	_ =	swait.ge [sflag:s12], $0x280  }
0x1f: {  	[sflag:s12] =	ssyncset.done $0x0  }
0x20: {  	[sflag:s12] =	ssyncadd.s32 $0xFFFFFD80  }
0x21: {  	_ =	swait.ge [sflag:s16], $0x2700  }
0x22: {  	[sflag:s16] =	ssyncset.done $0x0  }
0x23: {  	[sflag:s16] =	ssyncadd.s32 $0xFFFFD900  }
0x24: {  	_ =	swait.ge [sflag:s16], $0x10  }
0x25: {  	[sflag:s16] =	ssyncset.done $0x0  }
0x26: {  	[sflag:s16] =	ssyncadd.s32 $0xFFFFFFF0  }
0x27: {  	s21 =	simm.s32 $0x200;
	s22 =	simm.s32 $0x0;
	[bflag:$0x0] =	sbarrier.arrive $0xFFFF  }
.LBB2_2:
0x28: {  	[spmem:s2] =	stream.indirect.scatter.add.f32 [tilespmem:s11], [sflag:$0x2], $0x1, s22, s17, $0xb8;
	[tilespmem:$0x2E10] =	vst v63  }
0x29: {  	s22 =	smov.u32 s21;
	p0 =	sne.s32 s21, $0x9A00  }
.Ltmp0:
0x2a: {  	s21 =	sadd.s32 $0x200, s21;
	(pc) =	sbr.rel @p0 .LBB2_2-.Ltmp0, $2  }
0x2b: {  	_ =	sdelay $0x2  }
0x2c: {  	s22 =	sshra.s32 s22, $0x2  }
0x2d: {  	[spmem:s2] =	stream.indirect.scatter.add.f32 [tilespmem:s11], [sflag:$0x2], $0x1, s22, s17, $0xb8;
	[tilespmem:$0x2E10] =	vst v63  }
0x2e: {  	_ = 	snop  }
0x2f: {  	[spmem:s2] =	stream.indirect.scatter.add.f32 [tilespmem:s13], [sflag:$0x3], $0x1, s10, s18, $0xb8;
	[tilespmem:$0x2E10] =	vst v63  }
0x30: {  	_ =	swait.ge [sflag:s12], $0x10  }
0x31: {  	[sflag:s12] =	ssyncset.done $0x0  }
0x32: {  	[sflag:s12] =	ssyncadd.s32 $0xFFFFFFF0  }
0x33: {  	_ =	swait.ge [sflag:s19], $0x80  }
0x34: {  	s21 =	simm.s32 $0x4D;
	[sflag:s19] =	ssyncset.done $0x0  }
.LBB2_4:
0x35: {  	p0 =	sne.s32 s21, $0x1;
	s21 =	sadd.s32 $0xFFFFFFFF, s21;
	[sflag:s19] =	ssyncadd.s32 $0xFFFFFF80  }
.Ltmp1:
0x36: {  	(pc) =	sbr.rel @p0 .LBB2_4-.Ltmp1, $3  }
0x37: {  	_ =	sdelay $0x1  }
0x38: {  	_ =	swait.ge [sflag:s19], $0x80  }
0x39: {  	[sflag:s19] =	ssyncset.done $0x0  }
0x3a: {  	s20 =	sadd.s32 $0x1, s20  }
0x3b: {  	[sflag:s19] =	ssyncadd.s32 $0xFFFFFF80;
	p0 =	sne.s32 s20, s9  }
.Ltmp2:
0x3c: {  	[bflag:$0x0] =	sbarrier.arrive $0xFFFF;
	(pc) =	sbr.rel @p0 .LBB2_1-.Ltmp2, $4  }
0x3d: {  	[hbm:s8], [sflag:s14] =	dma.local [spmem:s15], $0x280  }
0x3e: {  	_ =	swait.ge [sflag:s12], $0x280  }
0x3f: {  	[sflag:s12] =	ssyncset.done $0x0  }
0x40: {  	[sflag:s12] =	ssyncadd.s32 $0xFFFFFD80  }
0x41: {  	_ =	sfence.sel $0x180000  }
0x42: {  	[bflag:$0x0] =	sbarrier.arrive $0xFFFF  }
0x43: {  	p0 =	sne.s32 s1, $0x0;
	_ =	strace $0x90000047  }
0x44: {  	s0 =	sadd.s32 @!p0 $0x100000, s0;
	[bflag:$0x2] =	sbarrier.arrive $0xFFFF  }
0x45: {  	[sflag:s0] =	ssyncadd.tile.s32 @!p0 $0x1;
	_ =	shalt  }
.Lfunc_end2:
_tile_overlayer_lowered:
.L_overlay_start_2:
0x46: {  	(tag) =	ssettag $0x2  }
0x47: {  	s0 =	rddreg [dreg:$0x0];
	s2 =	stileid.u32  }
0x48: {  	s1 =	rddreg [dreg:$0x1];
	p0 =	sne.s32 s2, $0x0  }
0x49: {  	s3 =	rddreg [dreg:$0x2];
	[bflag:$0x3] =	sbarrier.arrive $0xFFFF;
	s2 =	simm.s32 @!p0 $0x1C03  }
0x4a: {  	[timem:s3], [sflag:s2] =	dma.local @!p0 [hbm:s0], s1  }
0x4b: {  	s0 =	simm.s32 @!p0 $0x3  }
0x4c: {  	_ =	swait.ge @!p0 [sflag:s0], s1  }
0x4d: {  	s1 =	ssub.s32 @!p0 $0x0, s1;
	[sflag:s0] =	ssyncset.done @!p0 $0x0  }
0x4e: {  	[sflag:s0] =	ssyncadd.s32 @!p0 s1  }
0x4f: {  	[bflag:$0x3] =	sbarrier.arrive $0xFFFF  }
0x50: {  	_ =	shalt  }

// kernel: kernel.14.cloned.1.call-start
scs
__scs_entry_jumppad:
0x0: {  	(pc) =	sbr.rel $0x88, $3  }
0x1: {  	(tag) =	ssettag $0x0;
	lr =	simm.s32 $0x1  }
0x2: {  	[smem:$0x3F92] =	sst lr;
	_ =	strace $0xD0000000  }
0x3: {  	_ = 	snop  }
0x4: {  	_ = 	snop  }
0x5: {  	_ = 	snop  }
0x6: {  	_ = 	snop  }
0x7: {  	_ = 	snop  }
__scs_overlays_trampoline_lowered:
0x8: {  	[smem:$0x3FA1] =	sst s0  }
0x9: {  	[smem:$0x3FA2] =	sst s1  }
0xa: {  	[smem:$0x3FA3] =	sst s2  }
0xb: {  	[smem:$0x3FA4] =	sst s3  }
0xc: {  	[smem:$0x3FA5] =	sst s4  }
0xd: {  	[smem:$0x3FA6] =	sst s5  }
0xe: {  	[smem:$0x3FA7] =	sst s6  }
0xf: {  	[smem:$0x3FA8] =	sst s7  }
0x10: {  	[smem:$0x3FA9] =	sst s8  }
0x11: {  	[smem:$0x3FAA] =	sst s9;
	s0 =	simm.s32 @!p0 $0x0  }
0x12: {  	s1 =	sld [smem:$0x3F90];
	s0 =	simm.s32 @p0 $0x1  }
0x13: {  	[smem:$0x3FAB] =	sst s0;
	s0 =	simm.s32 @!p1 $0x0  }
0x14: {  	s2 =	sld [smem:$0x3F8F];
	s0 =	simm.s32 @p1 $0x1  }
0x15: {  	[smem:$0x3FAC] =	sst s0;
	s0 =	simm.s32 @!p2 $0x0  }
0x16: {  	s3 =	sld [smem:$0x3FDB];
	s0 =	simm.s32 @p2 $0x1  }
0x17: {  	s4 =	simm.s32 $0x1BF5;
	[smem:$0x3FAE] =	sst s0  }
0x18: {  	s0 =	sld [smem:$0x3F91];
	_ =	swait.ge [sflag:s4], $0x0  }
0x19: {  	s7 =	sld [smem:$0x3F92]  }
0x1a: {  	s8 =	sadd.s32 $0xFFFFE003, lr  }
0x1b: {  	s9 =	sadd.s32 $0xFFFFFEF7, lr;
	s5 =	simm.s32 $0xFFFFFFFF;
	p2 =	slt.u32 s8, $0xFFFFF086  }
0x1c: {  	p1 =	slt.u32 s9, $0xF7A;
	s5 =	simm.s32 @!p2 $0x0  }
0x1d: {  	s5 =	simm.s32 @p1 $0x1;
	p0 =	seq.s32 s7, s2  }
0x1e: {  	s7 =	smul.u32 @!p0 $0xF7A, s2;
	p2 =	seq.s32 @!p0 s5, $0x0  }
0x1f: {  	s9 =	smul.u32 $0xF7A, s1;
	s8 =	simm.s32 @!p0 $0x1BF5;
	p2 =	por !p2, p0  }
0x20: {  	[sflag:s8] =	ssyncset.s32 @!p0 $0xFFFFF086;
	s6 =	sadd.s32 @!p0 s3, s7;
	s7 =	simm.s32 @!p0 $0x108  }
0x21: {  	s3 =	sadd.s32 s3, s9;
	s6 =	sadd.s32 @!p0 $0x88, s6;
	s7 =	simm.s32 @p2 $0x1082  }
0x22: {  	[simem:s7], [sflag:s8] =	dma.local @!p0 [hbm:s6], $0xF7A  }
0x23: {  	s9 =	sor.u32 $0xD0000000, s2;
	s6 =	simm.s32 $0x108;
	_ =	swait.ge @!p0 [sflag:s8], $0x0  }
0x24: {  	s3 =	sadd.s32 $0x88, s3;
	s6 =	simm.s32 @!p1 $0x1082;
	[sflag:s4] =	ssyncset.s32 $0xFFFFF086  }
0x25: {  	[simem:s6], [sflag:s4] =	dma.local [hbm:s3], $0xF7A  }
0x26: {  	[smem:$0x3F92] =	sst s1;
	(tag) =	ssettag s2;
	_ =	strace s9  }
0x27: {  	s1 =	sld [smem:$0x3FA2]  }
0x28: {  	s2 =	sld [smem:$0x3FA3]  }
0x29: {  	s4 =	sld [smem:$0x3FA5]  }
0x2a: {  	p0 =	seq.s32 s5, $0x0;
	s5 =	sld [smem:$0x3FA6]  }
0x2b: {  	s6 =	sld [smem:$0x3FA7]  }
0x2c: {  	s7 =	sld [smem:$0x3FA8]  }
0x2d: {  	s3 =	simm.s32 $0x108;
	s8 =	sld [smem:$0x3FA9]  }
0x2e: {  	s3 =	simm.s32 @!p0 $0x1082;
	s9 =	sld [smem:$0x3FAA]  }
0x2f: {  	lr =	sadd.s32 s0, s3;
	s0 =	sld [smem:$0x3FA1]  }
0x30: {  	s3 =	sld [smem:$0x3FA4]  }
0x31: {  	[smem:$0x3FAD] =	sst s10  }
0x32: {  	s10 =	sld [smem:$0x3FAB];
	_ =	sdelay $0x3  }
0x33: {  	p0 =	seq.s32 s10, $0x1;
	s10 =	sld [smem:$0x3FAD];
	_ =	sdelay $0x3  }
0x34: {  	[smem:$0x3FAD] =	sst s10  }
0x35: {  	s10 =	sld [smem:$0x3FAC];
	_ =	sdelay $0x3  }
0x36: {  	p1 =	seq.s32 s10, $0x1;
	s10 =	sld [smem:$0x3FAD];
	_ =	sdelay $0x3  }
0x37: {  	[smem:$0x3FAD] =	sst s10  }
0x38: {  	s10 =	sld [smem:$0x3FAE]  }
0x39: {  	_ = 	snop;
	(pc) =	sbr.ind lr, $3  }
0x3a: {  	_ = 	snop  }
0x3b: {  	_ = 	snop  }
0x3c: {  	p2 =	seq.s32 s10, $0x1;
	s10 =	sld [smem:$0x3FAD]  }
0x3d: {  	_ =	shalt  }
0x3e: {  	_ =	shalt  }
0x3f: {  	_ =	shalt  }
0x40: {  	_ =	shalt  }
0x41: {  	_ =	shalt  }
0x42: {  	_ =	shalt  }
0x43: {  	_ =	shalt  }
0x44: {  	_ =	shalt  }
0x45: {  	_ =	shalt  }
0x46: {  	_ =	shalt  }
0x47: {  	_ =	shalt  }
0x48: {  	_ =	shalt  }
0x49: {  	_ =	shalt  }
0x4a: {  	_ =	shalt  }
0x4b: {  	_ =	shalt  }
0x4c: {  	_ =	shalt  }
0x4d: {  	_ =	shalt  }
0x4e: {  	_ =	shalt  }
0x4f: {  	_ =	shalt  }
0x50: {  	_ =	shalt  }
0x51: {  	_ =	shalt  }
0x52: {  	_ =	shalt  }
0x53: {  	_ =	shalt  }
0x54: {  	_ =	shalt  }
0x55: {  	_ =	shalt  }
0x56: {  	_ =	shalt  }
0x57: {  	_ =	shalt  }
0x58: {  	_ =	shalt  }
0x59: {  	_ =	shalt  }
0x5a: {  	_ =	shalt  }
0x5b: {  	_ =	shalt  }
0x5c: {  	_ =	shalt  }
0x5d: {  	_ =	shalt  }
0x5e: {  	_ =	shalt  }
0x5f: {  	_ =	shalt  }
0x60: {  	_ =	shalt  }
0x61: {  	_ =	shalt  }
0x62: {  	_ =	shalt  }
0x63: {  	_ =	shalt  }
0x64: {  	_ =	shalt  }
0x65: {  	_ =	shalt  }
0x66: {  	_ =	shalt  }
0x67: {  	_ =	shalt  }
0x68: {  	_ =	shalt  }
0x69: {  	_ =	shalt  }
0x6a: {  	_ =	shalt  }
0x6b: {  	_ =	shalt  }
0x6c: {  	_ =	shalt  }
0x6d: {  	_ =	shalt  }
0x6e: {  	_ =	shalt  }
0x6f: {  	_ =	shalt  }
0x70: {  	_ =	shalt  }
0x71: {  	_ =	shalt  }
0x72: {  	_ =	shalt  }
0x73: {  	_ =	shalt  }
0x74: {  	_ =	shalt  }
0x75: {  	_ =	shalt  }
0x76: {  	_ =	shalt  }
0x77: {  	_ =	shalt  }
0x78: {  	_ =	shalt  }
0x79: {  	_ =	shalt  }
0x7a: {  	_ =	shalt  }
0x7b: {  	_ =	shalt  }
0x7c: {  	_ =	shalt  }
0x7d: {  	_ =	shalt  }
0x7e: {  	_ =	shalt  }
0x7f: {  	_ =	shalt  }
0x80: {  	_ =	shalt  }
0x81: {  	_ =	shalt  }
0x82: {  	_ =	shalt  }
0x83: {  	_ =	shalt  }
0x84: {  	_ =	shalt  }
0x85: {  	_ =	shalt  }
0x86: {  	_ =	shalt  }
0x87: {  	_ =	shalt  }
.Lfunc_end0:
.L_simem_size_0:
called_computation.1_lowered:
.L_overlay_start_0:
0x88: {  	s2 =	sld [smem:$0x3FD9]  }
0x89: {  	s3 =	sld [smem:$0x3FFE];
	_ =	sdelay $0x1  }
0x8a: {  	s1 =	srdreg.scid  }
0x8b: {  	s0 =	sand.u32 $0x1, s1  }
0x8c: {  	s16 =	sshll.u32 s0, $0xA;
	s2 =	sadd.s32 s3, s2  }
0x8d: {  	s2 =	sadd.s32 s2, s16  }
0x8e: {  	[smem:$0x3FB9] =	sst s2  }
0x8f: {  	_ = 	snop  }
0x90: {  	(tm) =	ssettm $0x1  }
0x91: {  	s17 =	sld [smem:$0x3FFB];
	_ =	sdelay $0x3  }
0x92: {  	_ =	strace s17  }
0x93: {  	s2 =	sld [smem:$0x3FFC];
	_ =	sdelay $0x3  }
0x94: {  	_ =	strace s2  }
0x95: {  	s2 =	sld [smem:$0x3FFD];
	_ =	sdelay $0x3  }
0x96: {  	_ =	strace s2  }
0x97: {  	_ =	strace $0x8FFFFFFF  }
0x98: {  	s18 =	sld [smem:$0x3FDB];
	_ =	sdelay $0x1  }
0x99: {  	s19 =	simm.s32 $_scs_section_size  }
0x9a: {  	s4 =	simm.s32 $_size__tile_overlayer_lowered;
	s5 =	simm.s32 $_tile_overlayer_lowered  }
0x9b: {  	s22 =	simm.s32 $0x1BFF;
	s21 =	sshll.u32 s5, $0x1;
	s2 =	sadd.s32 s19, s18  }
0x9c: {  	s6 =	simm.s32 $0x0;
	s20 =	sshll.u32 s4, $0x1;
	s4 =	sadd.s32 s21, s2  }
0x9d: {  	[timem:s6], [sflag:s22] =	dma.local [hbm:s4], s20  }
0x9e: {  	_ =	swait.ge [sflag:s22], s20  }
0x9f: {  	s3 =	ssub.s32 $0x0, s20;
	[sflag:s22] =	ssyncset.done $0x0  }
0xa0: {  	[sflag:s22] =	ssyncadd.s32 s3;
	_ =	sdelay $0x1  }
0xa1: {  	s23 =	simm.s32 $0x1B8B  }
0xa2: {  	_ =	swait.ge [sflag:s23], $0x1  }
0xa3: {  	[sflag:s23] =	ssyncset.done $0x0  }
0xa4: {  	s25 =	simm.s32 $0x1B8E;
	s24 =	sld [smem:$0x3FFE];
	[sflag:s23] =	ssyncadd.s32 $0xFFFFFFFF  }
0xa5: {  	s26 =	simm.s32 $execute0_lowered;
	[smem:$0x3FD2] =	sst s25  }
0xa6: {  	s4 =	sshll.u32 s26, $0x1;
	_ =	strace $0x80000049;
	[dreg:$0x1] =	wrdreg $0xFFFFFFFF  }
0xa7: {  	s28 =	simm.s32 $_size_execute0_lowered;
	s2 =	sadd.s32 s2, s4;
	[dreg:$0x0] =	wrdreg $0x0  }
0xa8: {  	s4 =	sshll.u32 s28, $0x1;
	[dreg:$0x2] =	wrdreg s2  }
0xa9: {  	[dreg:$0x3] =	wrdreg s4  }
0xaa: {  	[dreg:$0x4] =	wrdreg $0xC0  }
0xab: {  	_ =	task [dreg:s6], $0x5FFFF  }
0xac: {  	[dreg:$0x1] =	wrdreg $0xFFFFFFFF  }
0xad: {  	[dreg:$0x0] =	wrdreg $0x60  }
0xae: {  	[dreg:$0x2] =	wrdreg s24  }
0xaf: {  	[dreg:$0x3] =	wrdreg $0x112200  }
0xb0: {  	[dreg:$0x4] =	wrdreg $0x9  }
0xb1: {  	_ =	task.clear_ibuf [dreg:s6], $0x5FFFF;
	_ =	strace $0x90000049  }
0xb2: {  	s29 =	simm.s32 $0x9;
	_ =	strace $0x8000004B  }
0xb3: {  	_ =	swait.ge [sflag:s29], $0x1  }
0xb4: {  	[sflag:s29] =	ssyncadd.s32 $0xFFFFFFFF  }
0xb5: {  	_ =	strace $0x9000004B  }
0xb6: {  	_ =	sfence  }
0xb7: {  	s30 =	sld [smem:$0x0];
	_ =	sdelay $0x2  }
0xb8: {  	s31 =	sshll.u32 s1, $0xD;
	s1 =	sshrl.u32 s1, $0x2  }
0xb9: {  	s3 =	sand.u32 $0x4000, s31;
	s1 =	sadd.s32 s1, s30  }
0xba: {  	s0 =	sor.u32 s3, s0;
	s1 =	sshll.u32 s1, $0x11  }
0xbb: {  	s0 =	sor.u32 s1, s0  }
0xbc: {  	s0 =	sadd.s32 $0x8F2B, s0  }
0xbd: {  	[sflag:s0] =	ssyncadd.remote.s32 $0x1  }
0xbe: {  	_ =	sfence.sel $0xFFFF  }
0xbf: {  	[dreg:$0x0] =	wrdreg $0xFFFFFFFF;
	(pc) =	sbr.abs _section_cstart, $3  }
0xc0: {  	[dreg:$0x1] =	wrdreg $0xFFFFFFFF  }
0xc1: {  	_ =	task.clear_ibuf [dreg:s6], $0x2FFFF;
	_ =	strace $0x9FFFFFFF  }
0xc2: {  	(tm) =	ssettm $0x7FFFFFFF  }
0xc3: {  	_ =	shalt  }
tec
execute0_lowered:
.L_overlay_start_1:
0x0: {  	(tag) =	ssettag $0x1  }
0x1: {  	s0 =	srdreg.scid;
	s1 =	rddreg [dreg:$0x0]  }
0x2: {  	s2 =	rddreg [dreg:$0x1];
	s11 =	stileid.u32;
	s3 =	simm.s32 $0x0  }
0x3: {  	s15 =	simm.s32 $0x4E10;
	s17 =	simm.s32 $0x8;
	s18 =	simm.s32 $0x7  }
0x4: {  	s28 =	simm.s32 $0xD220;
	s30 =	simm.s32 $0xF220;
	s31 =	simm.s32 $0x10  }
0x5: {  	s0 =	sand.u32 $0x1, s0;
	[smem:$0x7FF] =	sst s3;
	s9 =	smul.u32 $0xA000, s11  }
0x6: {  	s29 =	sshll.u32 s11, $0x6;
	s4 =	sshll.u32 s0, $0x4;
	_ =	strace $0x8000004A  }
0x7: {  	s6 =	smul.u32 $0xA0000, s0;
	s0 =	ssub.s32 $0x2, s0;
	s4 =	sor.u32 s11, s4  }
0x8: {  	s19 =	sshrl.u32 s9, $0x3;
	s21 =	sshrl.u32 s0, $0x1;
	s13 =	sadd.s32 s9, s2  }
0x9: {  	s5 =	smul.u32 $0x2700, s4;
	s4 =	sshll.u32 s4, $0x1;
	s6 =	sadd.s32 s9, s6  }
0xa: {  	s10 =	sadd.s32 s19, s1;
	s0 =	ssub.s32 s0, s21;
	s16 =	sshrl.u32 s13, $0x3  }
0xb: {  	s19 =	simm.s32 $0x80;
	s13 =	simm.s32 $0x3;
	s21 =	simm.s32 $0x5  }
0xc: {  	s8 =	sadd.s32 s4, s1;
	s4 =	sadd.s32 $0x16E00, s1;
	s20 =	sshrl.u32 s6, $0x3  }
0xd: {  	s26 =	sadd.s32 $0x2A800, s10;
	s10 =	sor.u32 $0x1C08, s29;
	s12 =	smax.u32 s0, $0x1  }
0xe: {  	s5 =	sshrl.u32 s5, $0x3;
	s24 =	sadd.s32 $0x16C00, s8;
	[dreg:$0x7] =	wrdreg s26  }
0xf: {  	s25 =	sadd.s32 $0x16C40, s8;
	s7 =	sadd.s32 s5, s1;
	[dreg:$0x5] =	wrdreg s24  }
.Ltmp0:
0x10: {  	[dreg:$0x6] =	wrdreg s25;
	s22 =	sadd.s32 $0x3400, s7;
	(pc) =	sbr.rel .LBB2_1-.Ltmp0, $4  }
0x11: {  	s1 =	sadd.s32 s20, s1;
	s23 =	sadd.s32 $0xD000, s7;
	[dreg:$0x3] =	wrdreg s22  }
0x12: {  	s0 =	simm.s32 $0x4E20;
	s1 =	sadd.s32 $0x3E800, s1;
	[dreg:$0x4] =	wrdreg s23  }
0x13: {  	s20 =	simm.s32 $0x5220;
	s24 =	simm.s32 $0x0;
	[dreg:$0x8] =	wrdreg s1  }
0x14: {  	s23 =	simm.s32 $0x9220;
	s1 =	simm.s32 $0x1;
	s22 =	simm.s32 $0x6  }
.LBB2_4:
0x15: {  	_ =	swait.ge [sflag:s22], $0x2000  }
0x16: {  	[sflag:s22] =	ssyncset.done $0x0  }
0x17: {  	[sflag:s22] =	ssyncadd.s32 $0xFFFFE000  }
0x18: {  	[spmem:s2] =	stream.indirect.scatter.add.f32 [tilespmem:s30], [sflag:$0x8], $0x40, s29, s19, $0xb8;
	[tilespmem:$0x1B220] =	vst v63  }
0x19: {  	_ =	swait.ge [sflag:s17], $0x2000  }
0x1a: {  	[sflag:s17] =	ssyncset.done $0x0  }
0x1b: {  	[sflag:s17] =	ssyncadd.s32 $0xFFFFE000  }
0x1c: {  	_ =	swait.ge [sflag:s18], $0x400  }
0x1d: {  	[sflag:s18] =	ssyncset.done $0x0  }
0x1e: {  	[sflag:s18] =	ssyncadd.s32 $0xFFFFFC00  }
0x1f: {  	[spmem:s2] =	stream.indirect.scatter.add.f32 [tilespmem:s0], [sflag:$0x8], $0x40, s15, s31, $0xb8;
	[tilespmem:$0x1B220] =	vst v63  }
0x20: {  	_ =	swait.ge [sflag:s17], $0x400  }
0x21: {  	[sflag:s17] =	ssyncset.done $0x0  }
0x22: {  	s24 =	sadd.s32 $0x1, s24;
	[sflag:s17] =	ssyncadd.s32 $0xFFFFFC00  }
0x23: {  	p0 =	sne.s32 s24, s12;
	[bflag:$0x0] =	sbarrier.arrive $0xFFFF  }
.Ltmp1:
0x24: {  	s5 =	rddreg [dreg:$0x8];
	(pc) =	sbr.rel @!p0 .LBB2_5-.Ltmp1, $4  }
0x25: {  	[hbm:s5], [sflag:s10] =	dma.local [spmem:s16], $0x1400  }
0x26: {  	_ =	swait.ge [sflag:s17], $0x1400  }
0x27: {  	[sflag:s17] =	ssyncset.done $0x0  }
0x28: {  	[sflag:s17] =	ssyncadd.s32 $0xFFFFEC00  }
.LBB2_1:
0x29: {  	s5 =	rddreg [dreg:$0x3]  }
0x2a: {  	s29 =	rddreg [dreg:$0x4]  }
0x2b: {  	[tilespmem:s3], [sflag:$0x7] =	stream.linear.gather [hbm4b:s5+s3], $0x2700, $0x38;
	[tilespmem:$0x1B220] =	vst v63  }
0x2c: {  	s6 =	simm.s32 $0x2700;
	s7 =	rddreg [dreg:$0x5]  }
0x2d: {  	[tilespmem:s6], [sflag:$0x7] =	stream.linear.gather [hbm4b:s29+s3], $0x2700, $0x38;
	[tilespmem:$0x1B220] =	vst v63  }
0x2e: {  	s8 =	rddreg [dreg:$0x6];
	s6 =	simm.s32 $0x4E00  }
0x2f: {  	[tilespmem:s6], [sflag:$0x7] =	stream.linear.gather [hbm4b:s7+s3], $0x10, $0x38;
	[tilespmem:$0x1B220] =	vst v63  }
0x30: {  	s9 =	rddreg [dreg:$0x7]  }
0x31: {  	[tilespmem:s15], [sflag:$0x7] =	stream.linear.gather [hbm4b:s8+s3], $0x10, $0x38;
	[tilespmem:$0x1B220] =	vst v63  }
0x32: {  	[spmem:s16], [sflag:s10] =	dma.local [hbm:s9], $0x1400  }
0x33: {  	_ =	swait.ge [sflag:s17], $0x1400  }
0x34: {  	[sflag:s17] =	ssyncset.done $0x0  }
0x35: {  	[sflag:s17] =	ssyncadd.s32 $0xFFFFEC00  }
0x36: {  	_ =	swait.ge [sflag:s18], $0x2700  }
0x37: {  	[sflag:s18] =	ssyncset.done $0x0  }
0x38: {  	[sflag:s18] =	ssyncadd.s32 $0xFFFFD900  }
0x39: {  	_ =	swait.ge [sflag:s18], $0x2700  }
0x3a: {  	[sflag:s18] =	ssyncset.done $0x0  }
0x3b: {  	[sflag:s18] =	ssyncadd.s32 $0xFFFFD900  }
0x3c: {  	_ =	swait.ge [sflag:s18], $0x10  }
0x3d: {  	[sflag:s18] =	ssyncset.done $0x0  }
0x3e: {  	[sflag:s18] =	ssyncadd.s32 $0xFFFFFFF0  }
0x3f: {  	_ =	swait.ge [sflag:s18], $0x10  }
0x40: {  	[sflag:s18] =	ssyncset.done $0x0  }
0x41: {  	[sflag:s18] =	ssyncadd.s32 $0xFFFFFFF0  }
0x42: {  	[tilespmem:s20], [sflag:$0x1] =	stream.indirect.gather [hbm4b:s4+s19], $0x40, s3, s19, $0xb8;
	[tilespmem:$0x1B220] =	vst v63  }
0x43: {  	s11 =	simm.s32 $0x7220  }
0x44: {  	[tilespmem:s11], [sflag:$0x2] =	stream.indirect.gather [hbm4b:s4+s19], $0x40, s19, s19, $0xb8;
	[tilespmem:$0x1B220] =	vst v63  }
0x45: {  	s14 =	simm.s32 $0x100  }
0x46: {  	[tilespmem:s23], [sflag:$0x3] =	stream.indirect.gather [hbm4b:s4+s19], $0x40, s14, s19, $0xb8;
	[tilespmem:$0x1B220] =	vst v63  }
0x47: {  	s25 =	simm.s32 $0x180;
	s7 =	simm.s32 $0xB220  }
0x48: {  	[tilespmem:s7], [sflag:$0x4] =	stream.indirect.gather [hbm4b:s4+s19], $0x40, s25, s19, $0xb8;
	[tilespmem:$0x1B220] =	vst v63  }
0x49: {  	s26 =	simm.s32 $0x200  }
0x4a: {  	[tilespmem:s28], [sflag:$0x5] =	stream.indirect.gather [hbm4b:s4+s19], $0x40, s26, s19, $0xb8;
	[tilespmem:$0x1B220] =	vst v63  }
0x4b: {  	s29 =	simm.s32 $0x280  }
0x4c: {  	[tilespmem:s30], [sflag:$0x6] =	stream.indirect.gather [hbm4b:s4+s19], $0x40, s29, s19, $0xb8;
	[tilespmem:$0x1B220] =	vst v63  }
0x4d: {  	_ = 	snop  }
0x4e: {  	[tilespmem:s0], [sflag:$0x7] =	stream.indirect.gather [hbm4b:s4+s31], $0x40, s6, s31, $0xb8;
	[tilespmem:$0x1B220] =	vst v63  }
0x4f: {  	s25 =	simm.s32 $0x0;
	[bflag:$0x0] =	sbarrier.arrive $0xFFFF  }
.LBB2_2:
0x50: {  	_ =	swait.ge [sflag:s1], $0x2000  }
0x51: {  	s26 =	sshra.s32 s25, $0x2;
	[sflag:s1] =	ssyncset.done $0x0  }
0x52: {  	s29 =	sadd.s32 $0x2700, s26;
	[sflag:s1] =	ssyncadd.s32 $0xFFFFE000  }
0x53: {  	[spmem:s2] =	stream.indirect.scatter.add.f32 [tilespmem:s20], [sflag:$0x8], $0x40, s29, s19, $0xb8;
	[tilespmem:$0x1B220] =	vst v63  }
0x54: {  	_ =	swait.ge [sflag:s17], $0x2000  }
0x55: {  	p0 =	seq.s32 s25, $0x9000;
	[sflag:s17] =	ssyncset.done $0x0  }
0x56: {  	s29 =	simm.s32 @p0 $0x2;
	[sflag:s17] =	ssyncadd.s32 $0xFFFFE000  }
0x57: {  	_ =	swait.ge @p0 [sflag:s29], $0x2000  }
0x58: {  	[sflag:s29] =	ssyncset.done @p0 $0x0  }
0x59: {  	[sflag:s29] =	ssyncadd.s32 @p0 $0xFFFFE000;
	s29 =	sshra.s32 @p0 s25, $0x2  }
0x5a: {  	s6 =	simm.s32 @p0 $0x80;
	s7 =	simm.s32 @p0 $0x7220;
	s5 =	sadd.s32 @p0 $0x2780, s29  }
0x5b: {  	[spmem:s2] =	stream.indirect.scatter.add.f32 @p0 [tilespmem:s7], [sflag:$0x8], $0x40, s5, s6, $0xb8;
	[tilespmem:$0x1B220] =	vst v63  }
0x5c: {  	s5 =	simm.s32 @p0 $0x8  }
0x5d: {  	_ =	swait.ge @p0 [sflag:s5], $0x2000  }
0x5e: {  	s9 =	simm.s32 @!p0 $0x80;
	s7 =	sshra.s32 @!p0 s25, $0x2;
	[sflag:s5] =	ssyncset.done @p0 $0x0  }
0x5f: {  	s14 =	simm.s32 @!p0 $0x5220;
	s8 =	sadd.s32 @!p0 $0x300, s7;
	[sflag:s5] =	ssyncadd.s32 @p0 $0xFFFFE000  }
0x60: {  	[tilespmem:s14], [sflag:$0x1] =	stream.indirect.gather @!p0 [hbm4b:s4+s9], $0x40, s8, s9, $0xb8;
	[tilespmem:$0x1B220] =	vst v63  }
0x61: {  	s8 =	simm.s32 @!p0 $0x2  }
0x62: {  	_ =	swait.ge @!p0 [sflag:s8], $0x2000  }
0x63: {  	[sflag:s8] =	ssyncset.done @!p0 $0x0  }
0x64: {  	s14 =	simm.s32 @!p0 $0x7220;
	[sflag:s8] =	ssyncadd.s32 @!p0 $0xFFFFE000;
	s8 =	sadd.s32 @!p0 $0x2780, s7  }
0x65: {  	[spmem:s2] =	stream.indirect.scatter.add.f32 @!p0 [tilespmem:s14], [sflag:$0x8], $0x40, s8, s9, $0xb8;
	[tilespmem:$0x1B220] =	vst v63  }
0x66: {  	s8 =	simm.s32 @!p0 $0x8  }
0x67: {  	_ =	swait.ge @!p0 [sflag:s8], $0x2000  }
0x68: {  	[sflag:s8] =	ssyncset.done @!p0 $0x0  }
0x69: {  	s11 =	sadd.s32 @!p0 $0x380, s7;
	[sflag:s8] =	ssyncadd.s32 @!p0 $0xFFFFE000  }
0x6a: {  	[tilespmem:s14], [sflag:$0x2] =	stream.indirect.gather @!p0 [hbm4b:s4+s9], $0x40, s11, s9, $0xb8;
	[tilespmem:$0x1B220] =	vst v63  }
0x6b: {  	_ =	swait.ge [sflag:s13], $0x2000  }
0x6c: {  	[sflag:s13] =	ssyncset.done $0x0  }
0x6d: {  	s14 =	sadd.s32 $0x2800, s26;
	[sflag:s13] =	ssyncadd.s32 $0xFFFFE000  }
0x6e: {  	[spmem:s2] =	stream.indirect.scatter.add.f32 [tilespmem:s23], [sflag:$0x8], $0x40, s14, s19, $0xb8;
	[tilespmem:$0x1B220] =	vst v63  }
0x6f: {  	_ =	swait.ge [sflag:s17], $0x2000  }
0x70: {  	[sflag:s17] =	ssyncset.done $0x0  }
0x71: {  	s11 =	simm.s32 @p0 $0x4;
	[sflag:s17] =	ssyncadd.s32 $0xFFFFE000  }
0x72: {  	_ =	swait.ge @p0 [sflag:s11], $0x2000  }
0x73: {  	[sflag:s11] =	ssyncset.done @p0 $0x0  }
0x74: {  	s14 =	simm.s32 @p0 $0xB220;
	[sflag:s11] =	ssyncadd.s32 @p0 $0xFFFFE000;
	s11 =	sadd.s32 @p0 $0x2880, s29  }
0x75: {  	[spmem:s2] =	stream.indirect.scatter.add.f32 @p0 [tilespmem:s14], [sflag:$0x8], $0x40, s11, s6, $0xb8;
	[tilespmem:$0x1B220] =	vst v63  }
0x76: {  	_ =	swait.ge @p0 [sflag:s5], $0x2000  }
0x77: {  	[sflag:s5] =	ssyncset.done @p0 $0x0  }
0x78: {  	s6 =	simm.s32 @!p0 $0x9220;
	[sflag:s5] =	ssyncadd.s32 @p0 $0xFFFFE000;
	s5 =	sadd.s32 @!p0 $0x400, s7  }
0x79: {  	[tilespmem:s6], [sflag:$0x3] =	stream.indirect.gather @!p0 [hbm4b:s4+s9], $0x40, s5, s9, $0xb8;
	[tilespmem:$0x1B220] =	vst v63  }
0x7a: {  	s5 =	simm.s32 @!p0 $0x4  }
0x7b: {  	_ =	swait.ge @!p0 [sflag:s5], $0x2000  }
0x7c: {  	[sflag:s5] =	ssyncset.done @!p0 $0x0  }
0x7d: {  	s6 =	simm.s32 @!p0 $0xB220;
	[sflag:s5] =	ssyncadd.s32 @!p0 $0xFFFFE000;
	s5 =	sadd.s32 @!p0 $0x2880, s7  }
0x7e: {  	[spmem:s2] =	stream.indirect.scatter.add.f32 @!p0 [tilespmem:s6], [sflag:$0x8], $0x40, s5, s9, $0xb8;
	[tilespmem:$0x1B220] =	vst v63  }
0x7f: {  	_ =	swait.ge @!p0 [sflag:s8], $0x2000  }
0x80: {  	[sflag:s8] =	ssyncset.done @!p0 $0x0  }
0x81: {  	s5 =	sadd.s32 @!p0 $0x480, s7;
	[sflag:s8] =	ssyncadd.s32 @!p0 $0xFFFFE000  }
0x82: {  	[tilespmem:s6], [sflag:$0x4] =	stream.indirect.gather @!p0 [hbm4b:s4+s9], $0x40, s5, s9, $0xb8;
	[tilespmem:$0x1B220] =	vst v63  }
0x83: {  	_ =	swait.ge [sflag:s21], $0x2000  }
0x84: {  	[sflag:s21] =	ssyncset.done $0x0  }
.Ltmp2:
0x85: {  	s14 =	sadd.s32 $0x2900, s26;
	[sflag:s21] =	ssyncadd.s32 $0xFFFFE000;
	(pc) =	sbr.rel @p0 .LBB2_4-.Ltmp2, $4  }
0x86: {  	[spmem:s2] =	stream.indirect.scatter.add.f32 [tilespmem:s28], [sflag:$0x8], $0x40, s14, s19, $0xb8;
	[tilespmem:$0x1B220] =	vst v63  }
0x87: {  	_ =	swait.ge [sflag:s17], $0x2000  }
0x88: {  	[sflag:s17] =	ssyncset.done $0x0  }
0x89: {  	s29 =	sadd.s32 $0x2980, s26;
	[sflag:s17] =	ssyncadd.s32 $0xFFFFE000  }
0x8a: {  	s5 =	sadd.s32 $0x500, s26  }
0x8b: {  	[tilespmem:s28], [sflag:$0x5] =	stream.indirect.gather [hbm4b:s4+s19], $0x40, s5, s19, $0xb8;
	[tilespmem:$0x1B220] =	vst v63  }
0x8c: {  	_ =	swait.ge [sflag:s22], $0x2000  }
0x8d: {  	[sflag:s22] =	ssyncset.done $0x0  }
0x8e: {  	[sflag:s22] =	ssyncadd.s32 $0xFFFFE000  }
0x8f: {  	[spmem:s2] =	stream.indirect.scatter.add.f32 [tilespmem:s30], [sflag:$0x8], $0x40, s29, s19, $0xb8;
	[tilespmem:$0x1B220] =	vst v63  }
.Ltmp3:
0x90: {  	_ = 	snop;
	(pc) =	sbr.rel .LBB2_2-.Ltmp3, $4  }
0x91: {  	_ =	swait.ge [sflag:s17], $0x2000  }
0x92: {  	[sflag:s17] =	ssyncset.done $0x0  }
0x93: {  	s25 =	sadd.s32 $0xC00, s25;
	s29 =	sadd.s32 $0x580, s26;
	[sflag:s17] =	ssyncadd.s32 $0xFFFFE000  }
0x94: {  	[tilespmem:s30], [sflag:$0x6] =	stream.indirect.gather [hbm4b:s4+s19], $0x40, s29, s19, $0xb8;
	[tilespmem:$0x1B220] =	vst v63  }
.LBB2_5:
0x95: {  	_ =	sfence.sel $0x180000  }
0x96: {  	[bflag:$0x0] =	sbarrier.arrive $0xFFFF  }
0x97: {  	_ =	strace $0x9000004A  }
0x98: {  	s0 =	stileid.u32;
	[bflag:$0x2] =	sbarrier.arrive $0xFFFF  }
0x99: {  	p0 =	sne.s32 s0, $0x0;
	s0 =	rddreg [dreg:$0x2]  }
0x9a: {  	s0 =	sadd.s32 @!p0 $0x100000, s0  }
0x9b: {  	[sflag:s0] =	ssyncadd.tile.s32 @!p0 $0x1;
	_ =	shalt  }
.Lfunc_end2:
_tile_overlayer_lowered:
.L_overlay_start_2:
0x9c: {  	(tag) =	ssettag $0x2  }
0x9d: {  	s0 =	rddreg [dreg:$0x0];
	s2 =	stileid.u32  }
0x9e: {  	s1 =	rddreg [dreg:$0x1];
	p0 =	sne.s32 s2, $0x0  }
0x9f: {  	s3 =	rddreg [dreg:$0x2];
	[bflag:$0x3] =	sbarrier.arrive $0xFFFF;
	s2 =	simm.s32 @!p0 $0x1C08  }
0xa0: {  	[timem:s3], [sflag:s2] =	dma.local @!p0 [hbm:s0], s1  }
0xa1: {  	s0 =	simm.s32 @!p0 $0x8  }
0xa2: {  	_ =	swait.ge @!p0 [sflag:s0], s1  }
0xa3: {  	s1 =	ssub.s32 @!p0 $0x0, s1;
	[sflag:s0] =	ssyncset.done @!p0 $0x0  }
0xa4: {  	[sflag:s0] =	ssyncadd.s32 @!p0 s1  }
0xa5: {  	[bflag:$0x3] =	sbarrier.arrive $0xFFFF  }
0xa6: {  	_ =	shalt  }

// kernel: kernel.17.cloned.1.call-start
scs
__scs_entry_jumppad:
0x0: {  	(pc) =	sbr.rel $0x88, $3  }
0x1: {  	(tag) =	ssettag $0x0;
	lr =	simm.s32 $0x1  }
0x2: {  	[smem:$0x3F92] =	sst lr;
	_ =	strace $0xD0000000  }
0x3: {  	_ = 	snop  }
0x4: {  	_ = 	snop  }
0x5: {  	_ = 	snop  }
0x6: {  	_ = 	snop  }
0x7: {  	_ = 	snop  }
__scs_overlays_trampoline_lowered:
0x8: {  	[smem:$0x3FA1] =	sst s0  }
0x9: {  	[smem:$0x3FA2] =	sst s1  }
0xa: {  	[smem:$0x3FA3] =	sst s2  }
0xb: {  	[smem:$0x3FA4] =	sst s3  }
0xc: {  	[smem:$0x3FA5] =	sst s4  }
0xd: {  	[smem:$0x3FA6] =	sst s5  }
0xe: {  	[smem:$0x3FA7] =	sst s6  }
0xf: {  	[smem:$0x3FA8] =	sst s7  }
0x10: {  	[smem:$0x3FA9] =	sst s8  }
0x11: {  	[smem:$0x3FAA] =	sst s9;
	s0 =	simm.s32 @!p0 $0x0  }
0x12: {  	s1 =	sld [smem:$0x3F90];
	s0 =	simm.s32 @p0 $0x1  }
0x13: {  	[smem:$0x3FAB] =	sst s0;
	s0 =	simm.s32 @!p1 $0x0  }
0x14: {  	s2 =	sld [smem:$0x3F8F];
	s0 =	simm.s32 @p1 $0x1  }
0x15: {  	[smem:$0x3FAC] =	sst s0;
	s0 =	simm.s32 @!p2 $0x0  }
0x16: {  	s3 =	sld [smem:$0x3FDB];
	s0 =	simm.s32 @p2 $0x1  }
0x17: {  	s4 =	simm.s32 $0x1BF5;
	[smem:$0x3FAE] =	sst s0  }
0x18: {  	s0 =	sld [smem:$0x3F91];
	_ =	swait.ge [sflag:s4], $0x0  }
0x19: {  	s7 =	sld [smem:$0x3F92]  }
0x1a: {  	s8 =	sadd.s32 $0xFFFFE003, lr  }
0x1b: {  	s9 =	sadd.s32 $0xFFFFFEF7, lr;
	s5 =	simm.s32 $0xFFFFFFFF;
	p2 =	slt.u32 s8, $0xFFFFF086  }
0x1c: {  	p1 =	slt.u32 s9, $0xF7A;
	s5 =	simm.s32 @!p2 $0x0  }
0x1d: {  	s5 =	simm.s32 @p1 $0x1;
	p0 =	seq.s32 s7, s2  }
0x1e: {  	s7 =	smul.u32 @!p0 $0xF7A, s2;
	p2 =	seq.s32 @!p0 s5, $0x0  }
0x1f: {  	s9 =	smul.u32 $0xF7A, s1;
	s8 =	simm.s32 @!p0 $0x1BF5;
	p2 =	por !p2, p0  }
0x20: {  	[sflag:s8] =	ssyncset.s32 @!p0 $0xFFFFF086;
	s6 =	sadd.s32 @!p0 s3, s7;
	s7 =	simm.s32 @!p0 $0x108  }
0x21: {  	s3 =	sadd.s32 s3, s9;
	s6 =	sadd.s32 @!p0 $0x88, s6;
	s7 =	simm.s32 @p2 $0x1082  }
0x22: {  	[simem:s7], [sflag:s8] =	dma.local @!p0 [hbm:s6], $0xF7A  }
0x23: {  	s9 =	sor.u32 $0xD0000000, s2;
	s6 =	simm.s32 $0x108;
	_ =	swait.ge @!p0 [sflag:s8], $0x0  }
0x24: {  	s3 =	sadd.s32 $0x88, s3;
	s6 =	simm.s32 @!p1 $0x1082;
	[sflag:s4] =	ssyncset.s32 $0xFFFFF086  }
0x25: {  	[simem:s6], [sflag:s4] =	dma.local [hbm:s3], $0xF7A  }
0x26: {  	[smem:$0x3F92] =	sst s1;
	(tag) =	ssettag s2;
	_ =	strace s9  }
0x27: {  	s1 =	sld [smem:$0x3FA2]  }
0x28: {  	s2 =	sld [smem:$0x3FA3]  }
0x29: {  	s4 =	sld [smem:$0x3FA5]  }
0x2a: {  	p0 =	seq.s32 s5, $0x0;
	s5 =	sld [smem:$0x3FA6]  }
0x2b: {  	s6 =	sld [smem:$0x3FA7]  }
0x2c: {  	s7 =	sld [smem:$0x3FA8]  }
0x2d: {  	s3 =	simm.s32 $0x108;
	s8 =	sld [smem:$0x3FA9]  }
0x2e: {  	s3 =	simm.s32 @!p0 $0x1082;
	s9 =	sld [smem:$0x3FAA]  }
0x2f: {  	lr =	sadd.s32 s0, s3;
	s0 =	sld [smem:$0x3FA1]  }
0x30: {  	s3 =	sld [smem:$0x3FA4]  }
0x31: {  	[smem:$0x3FAD] =	sst s10  }
0x32: {  	s10 =	sld [smem:$0x3FAB];
	_ =	sdelay $0x3  }
0x33: {  	p0 =	seq.s32 s10, $0x1;
	s10 =	sld [smem:$0x3FAD];
	_ =	sdelay $0x3  }
0x34: {  	[smem:$0x3FAD] =	sst s10  }
0x35: {  	s10 =	sld [smem:$0x3FAC];
	_ =	sdelay $0x3  }
0x36: {  	p1 =	seq.s32 s10, $0x1;
	s10 =	sld [smem:$0x3FAD];
	_ =	sdelay $0x3  }
0x37: {  	[smem:$0x3FAD] =	sst s10  }
0x38: {  	s10 =	sld [smem:$0x3FAE]  }
0x39: {  	_ = 	snop;
	(pc) =	sbr.ind lr, $3  }
0x3a: {  	_ = 	snop  }
0x3b: {  	_ = 	snop  }
0x3c: {  	p2 =	seq.s32 s10, $0x1;
	s10 =	sld [smem:$0x3FAD]  }
0x3d: {  	_ =	shalt  }
0x3e: {  	_ =	shalt  }
0x3f: {  	_ =	shalt  }
0x40: {  	_ =	shalt  }
0x41: {  	_ =	shalt  }
0x42: {  	_ =	shalt  }
0x43: {  	_ =	shalt  }
0x44: {  	_ =	shalt  }
0x45: {  	_ =	shalt  }
0x46: {  	_ =	shalt  }
0x47: {  	_ =	shalt  }
0x48: {  	_ =	shalt  }
0x49: {  	_ =	shalt  }
0x4a: {  	_ =	shalt  }
0x4b: {  	_ =	shalt  }
0x4c: {  	_ =	shalt  }
0x4d: {  	_ =	shalt  }
0x4e: {  	_ =	shalt  }
0x4f: {  	_ =	shalt  }
0x50: {  	_ =	shalt  }
0x51: {  	_ =	shalt  }
0x52: {  	_ =	shalt  }
0x53: {  	_ =	shalt  }
0x54: {  	_ =	shalt  }
0x55: {  	_ =	shalt  }
0x56: {  	_ =	shalt  }
0x57: {  	_ =	shalt  }
0x58: {  	_ =	shalt  }
0x59: {  	_ =	shalt  }
0x5a: {  	_ =	shalt  }
0x5b: {  	_ =	shalt  }
0x5c: {  	_ =	shalt  }
0x5d: {  	_ =	shalt  }
0x5e: {  	_ =	shalt  }
0x5f: {  	_ =	shalt  }
0x60: {  	_ =	shalt  }
0x61: {  	_ =	shalt  }
0x62: {  	_ =	shalt  }
0x63: {  	_ =	shalt  }
0x64: {  	_ =	shalt  }
0x65: {  	_ =	shalt  }
0x66: {  	_ =	shalt  }
0x67: {  	_ =	shalt  }
0x68: {  	_ =	shalt  }
0x69: {  	_ =	shalt  }
0x6a: {  	_ =	shalt  }
0x6b: {  	_ =	shalt  }
0x6c: {  	_ =	shalt  }
0x6d: {  	_ =	shalt  }
0x6e: {  	_ =	shalt  }
0x6f: {  	_ =	shalt  }
0x70: {  	_ =	shalt  }
0x71: {  	_ =	shalt  }
0x72: {  	_ =	shalt  }
0x73: {  	_ =	shalt  }
0x74: {  	_ =	shalt  }
0x75: {  	_ =	shalt  }
0x76: {  	_ =	shalt  }
0x77: {  	_ =	shalt  }
0x78: {  	_ =	shalt  }
0x79: {  	_ =	shalt  }
0x7a: {  	_ =	shalt  }
0x7b: {  	_ =	shalt  }
0x7c: {  	_ =	shalt  }
0x7d: {  	_ =	shalt  }
0x7e: {  	_ =	shalt  }
0x7f: {  	_ =	shalt  }
0x80: {  	_ =	shalt  }
0x81: {  	_ =	shalt  }
0x82: {  	_ =	shalt  }
0x83: {  	_ =	shalt  }
0x84: {  	_ =	shalt  }
0x85: {  	_ =	shalt  }
0x86: {  	_ =	shalt  }
0x87: {  	_ =	shalt  }
.Lfunc_end0:
.L_simem_size_0:
called_computation.2_lowered:
.L_overlay_start_0:
0x88: {  	s2 =	sld [smem:$0x3FD9]  }
0x89: {  	s3 =	sld [smem:$0x3FFE];
	_ =	sdelay $0x1  }
0x8a: {  	s1 =	srdreg.scid  }
0x8b: {  	s0 =	sand.u32 $0x1, s1  }
0x8c: {  	s16 =	sshll.u32 s0, $0xA;
	s2 =	sadd.s32 s3, s2  }
0x8d: {  	s2 =	sadd.s32 s2, s16  }
0x8e: {  	[smem:$0x3FB9] =	sst s2  }
0x8f: {  	_ = 	snop  }
0x90: {  	(tm) =	ssettm $0x1  }
0x91: {  	s17 =	sld [smem:$0x3FFB];
	_ =	sdelay $0x3  }
0x92: {  	_ =	strace s17  }
0x93: {  	s2 =	sld [smem:$0x3FFC];
	_ =	sdelay $0x3  }
0x94: {  	_ =	strace s2  }
0x95: {  	s2 =	sld [smem:$0x3FFD];
	_ =	sdelay $0x3  }
0x96: {  	_ =	strace s2  }
0x97: {  	_ =	strace $0x8FFFFFFF  }
0x98: {  	s18 =	sld [smem:$0x3FDB];
	_ =	sdelay $0x1  }
0x99: {  	s19 =	simm.s32 $_scs_section_size  }
0x9a: {  	s4 =	simm.s32 $_size__tile_overlayer_lowered;
	s5 =	simm.s32 $_tile_overlayer_lowered  }
0x9b: {  	s22 =	simm.s32 $0x1BFF;
	s21 =	sshll.u32 s5, $0x1;
	s2 =	sadd.s32 s19, s18  }
0x9c: {  	s6 =	simm.s32 $0x0;
	s20 =	sshll.u32 s4, $0x1;
	s4 =	sadd.s32 s21, s2  }
0x9d: {  	[timem:s6], [sflag:s22] =	dma.local [hbm:s4], s20  }
0x9e: {  	_ =	swait.ge [sflag:s22], s20  }
0x9f: {  	s3 =	ssub.s32 $0x0, s20;
	[sflag:s22] =	ssyncset.done $0x0  }
0xa0: {  	[sflag:s22] =	ssyncadd.s32 s3;
	_ =	sdelay $0x1  }
0xa1: {  	s23 =	simm.s32 $0x1B8B  }
0xa2: {  	_ =	swait.ge [sflag:s23], $0x1  }
0xa3: {  	[sflag:s23] =	ssyncset.done $0x0  }
0xa4: {  	s25 =	simm.s32 $0x1B8E;
	s24 =	sld [smem:$0x3FFE];
	[sflag:s23] =	ssyncadd.s32 $0xFFFFFFFF  }
0xa5: {  	s26 =	simm.s32 $execute0_lowered;
	[smem:$0x3FD2] =	sst s25  }
0xa6: {  	s4 =	sshll.u32 s26, $0x1;
	_ =	strace $0x8000004C;
	[dreg:$0x1] =	wrdreg $0xFFFFFFFF  }
0xa7: {  	s28 =	simm.s32 $_size_execute0_lowered;
	s2 =	sadd.s32 s2, s4;
	[dreg:$0x0] =	wrdreg $0x0  }
0xa8: {  	s4 =	sshll.u32 s28, $0x1;
	[dreg:$0x2] =	wrdreg s2  }
0xa9: {  	[dreg:$0x3] =	wrdreg s4  }
0xaa: {  	[dreg:$0x4] =	wrdreg $0xC0  }
0xab: {  	_ =	task [dreg:s6], $0x5FFFF  }
0xac: {  	[dreg:$0x1] =	wrdreg $0xFFFFFFFF  }
0xad: {  	[dreg:$0x0] =	wrdreg $0x60  }
0xae: {  	[dreg:$0x2] =	wrdreg s24  }
0xaf: {  	[dreg:$0x3] =	wrdreg $0xB0200  }
0xb0: {  	[dreg:$0x4] =	wrdreg $0x9  }
0xb1: {  	_ =	task.clear_ibuf [dreg:s6], $0x5FFFF;
	_ =	strace $0x9000004C  }
0xb2: {  	s29 =	simm.s32 $0x9;
	_ =	strace $0x8000004E  }
0xb3: {  	_ =	swait.ge [sflag:s29], $0x1  }
0xb4: {  	[sflag:s29] =	ssyncadd.s32 $0xFFFFFFFF  }
0xb5: {  	_ =	strace $0x9000004E  }
0xb6: {  	_ =	sfence  }
0xb7: {  	s30 =	sld [smem:$0x0];
	_ =	sdelay $0x2  }
0xb8: {  	s31 =	sshll.u32 s1, $0xD;
	s1 =	sshrl.u32 s1, $0x2  }
0xb9: {  	s3 =	sand.u32 $0x4000, s31;
	s1 =	sadd.s32 s1, s30  }
0xba: {  	s0 =	sor.u32 s3, s0;
	s1 =	sshll.u32 s1, $0x11  }
0xbb: {  	s0 =	sor.u32 s1, s0  }
0xbc: {  	s0 =	sadd.s32 $0x8F2B, s0  }
0xbd: {  	[sflag:s0] =	ssyncadd.remote.s32 $0x1  }
0xbe: {  	_ =	sfence.sel $0xFFFF  }
0xbf: {  	[dreg:$0x0] =	wrdreg $0xFFFFFFFF;
	(pc) =	sbr.abs _section_cstart, $3  }
0xc0: {  	[dreg:$0x1] =	wrdreg $0xFFFFFFFF  }
0xc1: {  	_ =	task.clear_ibuf [dreg:s6], $0x2FFFF;
	_ =	strace $0x9FFFFFFF  }
0xc2: {  	(tm) =	ssettm $0x7FFFFFFF  }
0xc3: {  	_ =	shalt  }
tec
execute0_lowered:
.L_overlay_start_1:
0x0: {  	(tag) =	ssettag $0x1  }
0x1: {  	s0 =	srdreg.scid;
	s1 =	rddreg [dreg:$0x0]  }
0x2: {  	s2 =	rddreg [dreg:$0x1];
	s11 =	stileid.u32;
	s3 =	simm.s32 $0x0  }
0x3: {  	s15 =	simm.s32 $0x4E10;
	s17 =	simm.s32 $0x8;
	s18 =	simm.s32 $0x7  }
0x4: {  	s28 =	simm.s32 $0x9020;
	s30 =	simm.s32 $0xA020;
	s31 =	simm.s32 $0x10  }
0x5: {  	s0 =	sand.u32 $0x1, s0;
	[smem:$0x7FF] =	sst s3;
	s9 =	smul.u32 $0x5000, s11  }
0x6: {  	s29 =	sshll.u32 s11, $0x6;
	s4 =	sshll.u32 s0, $0x4;
	_ =	strace $0x8000004D  }
0x7: {  	s6 =	smul.u32 $0x50000, s0;
	s0 =	ssub.s32 $0x2, s0;
	s4 =	sor.u32 s11, s4  }
0x8: {  	s19 =	sshrl.u32 s9, $0x3;
	s21 =	sshrl.u32 s0, $0x1;
	s13 =	sadd.s32 s9, s2  }
0x9: {  	s5 =	smul.u32 $0x2700, s4;
	s4 =	sshll.u32 s4, $0x1;
	s6 =	sadd.s32 s9, s6  }
0xa: {  	s10 =	sadd.s32 s19, s1;
	s0 =	ssub.s32 s0, s21;
	s16 =	sshrl.u32 s13, $0x3  }
0xb: {  	s19 =	simm.s32 $0x80;
	s13 =	simm.s32 $0x3;
	s21 =	simm.s32 $0x5  }
0xc: {  	s8 =	sadd.s32 s4, s1;
	s4 =	sadd.s32 $0x16E00, s1;
	s20 =	sshrl.u32 s6, $0x3  }
0xd: {  	s26 =	sadd.s32 $0x20C00, s10;
	s10 =	sor.u32 $0x1C08, s29;
	s12 =	smax.u32 s0, $0x1  }
0xe: {  	s5 =	sshrl.u32 s5, $0x3;
	s24 =	sadd.s32 $0x16C00, s8;
	[dreg:$0x7] =	wrdreg s26  }
0xf: {  	s25 =	sadd.s32 $0x16C40, s8;
	s7 =	sadd.s32 s5, s1;
	[dreg:$0x5] =	wrdreg s24  }
.Ltmp0:
0x10: {  	[dreg:$0x6] =	wrdreg s25;
	s22 =	sadd.s32 $0x3400, s7;
	(pc) =	sbr.rel .LBB2_1-.Ltmp0, $4  }
0x11: {  	s1 =	sadd.s32 s20, s1;
	s23 =	sadd.s32 $0xD000, s7;
	[dreg:$0x3] =	wrdreg s22  }
0x12: {  	s0 =	simm.s32 $0x4E20;
	s1 =	sadd.s32 $0x2AC00, s1;
	[dreg:$0x4] =	wrdreg s23  }
0x13: {  	s20 =	simm.s32 $0x5020;
	s24 =	simm.s32 $0x0;
	[dreg:$0x8] =	wrdreg s1  }
0x14: {  	s23 =	simm.s32 $0x7020;
	s1 =	simm.s32 $0x1;
	s22 =	simm.s32 $0x6  }
.LBB2_4:
0x15: {  	_ =	swait.ge [sflag:s22], $0x1000  }
0x16: {  	[sflag:s22] =	ssyncset.done $0x0  }
0x17: {  	[sflag:s22] =	ssyncadd.s32 $0xFFFFF000  }
0x18: {  	[spmem:s2] =	stream.indirect.scatter.add.f32 [tilespmem:s30], [sflag:$0x8], $0x20, s29, s19, $0xb8;
	[tilespmem:$0x10020] =	vst v63  }
0x19: {  	_ =	swait.ge [sflag:s17], $0x1000  }
0x1a: {  	[sflag:s17] =	ssyncset.done $0x0  }
0x1b: {  	[sflag:s17] =	ssyncadd.s32 $0xFFFFF000  }
0x1c: {  	_ =	swait.ge [sflag:s18], $0x200  }
0x1d: {  	[sflag:s18] =	ssyncset.done $0x0  }
0x1e: {  	[sflag:s18] =	ssyncadd.s32 $0xFFFFFE00  }
0x1f: {  	[spmem:s2] =	stream.indirect.scatter.add.f32 [tilespmem:s0], [sflag:$0x8], $0x20, s15, s31, $0xb8;
	[tilespmem:$0x10020] =	vst v63  }
0x20: {  	_ =	swait.ge [sflag:s17], $0x200  }
0x21: {  	[sflag:s17] =	ssyncset.done $0x0  }
0x22: {  	s24 =	sadd.s32 $0x1, s24;
	[sflag:s17] =	ssyncadd.s32 $0xFFFFFE00  }
0x23: {  	p0 =	sne.s32 s24, s12;
	[bflag:$0x0] =	sbarrier.arrive $0xFFFF  }
.Ltmp1:
0x24: {  	s5 =	rddreg [dreg:$0x8];
	(pc) =	sbr.rel @!p0 .LBB2_5-.Ltmp1, $4  }
0x25: {  	[hbm:s5], [sflag:s10] =	dma.local [spmem:s16], $0xA00  }
0x26: {  	_ =	swait.ge [sflag:s17], $0xA00  }
0x27: {  	[sflag:s17] =	ssyncset.done $0x0  }
0x28: {  	[sflag:s17] =	ssyncadd.s32 $0xFFFFF600  }
.LBB2_1:
0x29: {  	s5 =	rddreg [dreg:$0x3]  }
0x2a: {  	s29 =	rddreg [dreg:$0x4]  }
0x2b: {  	[tilespmem:s3], [sflag:$0x7] =	stream.linear.gather [hbm4b:s5+s3], $0x2700, $0x38;
	[tilespmem:$0x10020] =	vst v63  }
0x2c: {  	s6 =	simm.s32 $0x2700;
	s7 =	rddreg [dreg:$0x5]  }
0x2d: {  	[tilespmem:s6], [sflag:$0x7] =	stream.linear.gather [hbm4b:s29+s3], $0x2700, $0x38;
	[tilespmem:$0x10020] =	vst v63  }
0x2e: {  	s8 =	rddreg [dreg:$0x6];
	s6 =	simm.s32 $0x4E00  }
0x2f: {  	[tilespmem:s6], [sflag:$0x7] =	stream.linear.gather [hbm4b:s7+s3], $0x10, $0x38;
	[tilespmem:$0x10020] =	vst v63  }
0x30: {  	s9 =	rddreg [dreg:$0x7]  }
0x31: {  	[tilespmem:s15], [sflag:$0x7] =	stream.linear.gather [hbm4b:s8+s3], $0x10, $0x38;
	[tilespmem:$0x10020] =	vst v63  }
0x32: {  	[spmem:s16], [sflag:s10] =	dma.local [hbm:s9], $0xA00  }
0x33: {  	_ =	swait.ge [sflag:s17], $0xA00  }
0x34: {  	[sflag:s17] =	ssyncset.done $0x0  }
0x35: {  	[sflag:s17] =	ssyncadd.s32 $0xFFFFF600  }
0x36: {  	_ =	swait.ge [sflag:s18], $0x2700  }
0x37: {  	[sflag:s18] =	ssyncset.done $0x0  }
0x38: {  	[sflag:s18] =	ssyncadd.s32 $0xFFFFD900  }
0x39: {  	_ =	swait.ge [sflag:s18], $0x2700  }
0x3a: {  	[sflag:s18] =	ssyncset.done $0x0  }
0x3b: {  	[sflag:s18] =	ssyncadd.s32 $0xFFFFD900  }
0x3c: {  	_ =	swait.ge [sflag:s18], $0x10  }
0x3d: {  	[sflag:s18] =	ssyncset.done $0x0  }
0x3e: {  	[sflag:s18] =	ssyncadd.s32 $0xFFFFFFF0  }
0x3f: {  	_ =	swait.ge [sflag:s18], $0x10  }
0x40: {  	[sflag:s18] =	ssyncset.done $0x0  }
0x41: {  	[sflag:s18] =	ssyncadd.s32 $0xFFFFFFF0  }
0x42: {  	[tilespmem:s20], [sflag:$0x1] =	stream.indirect.gather [hbm4b:s4+s19], $0x20, s3, s19, $0xb8;
	[tilespmem:$0x10020] =	vst v63  }
0x43: {  	s11 =	simm.s32 $0x6020  }
0x44: {  	[tilespmem:s11], [sflag:$0x2] =	stream.indirect.gather [hbm4b:s4+s19], $0x20, s19, s19, $0xb8;
	[tilespmem:$0x10020] =	vst v63  }
0x45: {  	s14 =	simm.s32 $0x100  }
0x46: {  	[tilespmem:s23], [sflag:$0x3] =	stream.indirect.gather [hbm4b:s4+s19], $0x20, s14, s19, $0xb8;
	[tilespmem:$0x10020] =	vst v63  }
0x47: {  	s25 =	simm.s32 $0x180;
	s7 =	simm.s32 $0x8020  }
0x48: {  	[tilespmem:s7], [sflag:$0x4] =	stream.indirect.gather [hbm4b:s4+s19], $0x20, s25, s19, $0xb8;
	[tilespmem:$0x10020] =	vst v63  }
0x49: {  	s26 =	simm.s32 $0x200  }
0x4a: {  	[tilespmem:s28], [sflag:$0x5] =	stream.indirect.gather [hbm4b:s4+s19], $0x20, s26, s19, $0xb8;
	[tilespmem:$0x10020] =	vst v63  }
0x4b: {  	s29 =	simm.s32 $0x280  }
0x4c: {  	[tilespmem:s30], [sflag:$0x6] =	stream.indirect.gather [hbm4b:s4+s19], $0x20, s29, s19, $0xb8;
	[tilespmem:$0x10020] =	vst v63  }
0x4d: {  	_ = 	snop  }
0x4e: {  	[tilespmem:s0], [sflag:$0x7] =	stream.indirect.gather [hbm4b:s4+s31], $0x20, s6, s31, $0xb8;
	[tilespmem:$0x10020] =	vst v63  }
0x4f: {  	s25 =	simm.s32 $0x0;
	[bflag:$0x0] =	sbarrier.arrive $0xFFFF  }
.LBB2_2:
0x50: {  	_ =	swait.ge [sflag:s1], $0x1000  }
0x51: {  	s26 =	sshra.s32 s25, $0x2;
	[sflag:s1] =	ssyncset.done $0x0  }
0x52: {  	s29 =	sadd.s32 $0x2700, s26;
	[sflag:s1] =	ssyncadd.s32 $0xFFFFF000  }
0x53: {  	[spmem:s2] =	stream.indirect.scatter.add.f32 [tilespmem:s20], [sflag:$0x8], $0x20, s29, s19, $0xb8;
	[tilespmem:$0x10020] =	vst v63  }
0x54: {  	_ =	swait.ge [sflag:s17], $0x1000  }
0x55: {  	p0 =	seq.s32 s25, $0x9000;
	[sflag:s17] =	ssyncset.done $0x0  }
0x56: {  	s29 =	simm.s32 @p0 $0x2;
	[sflag:s17] =	ssyncadd.s32 $0xFFFFF000  }
0x57: {  	_ =	swait.ge @p0 [sflag:s29], $0x1000  }
0x58: {  	[sflag:s29] =	ssyncset.done @p0 $0x0  }
0x59: {  	[sflag:s29] =	ssyncadd.s32 @p0 $0xFFFFF000;
	s29 =	sshra.s32 @p0 s25, $0x2  }
0x5a: {  	s6 =	simm.s32 @p0 $0x80;
	s7 =	simm.s32 @p0 $0x6020;
	s5 =	sadd.s32 @p0 $0x2780, s29  }
0x5b: {  	[spmem:s2] =	stream.indirect.scatter.add.f32 @p0 [tilespmem:s7], [sflag:$0x8], $0x20, s5, s6, $0xb8;
	[tilespmem:$0x10020] =	vst v63  }
0x5c: {  	s5 =	simm.s32 @p0 $0x8  }
0x5d: {  	_ =	swait.ge @p0 [sflag:s5], $0x1000  }
0x5e: {  	s9 =	simm.s32 @!p0 $0x80;
	s7 =	sshra.s32 @!p0 s25, $0x2;
	[sflag:s5] =	ssyncset.done @p0 $0x0  }
0x5f: {  	s14 =	simm.s32 @!p0 $0x5020;
	s8 =	sadd.s32 @!p0 $0x300, s7;
	[sflag:s5] =	ssyncadd.s32 @p0 $0xFFFFF000  }
0x60: {  	[tilespmem:s14], [sflag:$0x1] =	stream.indirect.gather @!p0 [hbm4b:s4+s9], $0x20, s8, s9, $0xb8;
	[tilespmem:$0x10020] =	vst v63  }
0x61: {  	s8 =	simm.s32 @!p0 $0x2  }
0x62: {  	_ =	swait.ge @!p0 [sflag:s8], $0x1000  }
0x63: {  	[sflag:s8] =	ssyncset.done @!p0 $0x0  }
0x64: {  	s14 =	simm.s32 @!p0 $0x6020;
	[sflag:s8] =	ssyncadd.s32 @!p0 $0xFFFFF000;
	s8 =	sadd.s32 @!p0 $0x2780, s7  }
0x65: {  	[spmem:s2] =	stream.indirect.scatter.add.f32 @!p0 [tilespmem:s14], [sflag:$0x8], $0x20, s8, s9, $0xb8;
	[tilespmem:$0x10020] =	vst v63  }
0x66: {  	s8 =	simm.s32 @!p0 $0x8  }
0x67: {  	_ =	swait.ge @!p0 [sflag:s8], $0x1000  }
0x68: {  	[sflag:s8] =	ssyncset.done @!p0 $0x0  }
0x69: {  	s11 =	sadd.s32 @!p0 $0x380, s7;
	[sflag:s8] =	ssyncadd.s32 @!p0 $0xFFFFF000  }
0x6a: {  	[tilespmem:s14], [sflag:$0x2] =	stream.indirect.gather @!p0 [hbm4b:s4+s9], $0x20, s11, s9, $0xb8;
	[tilespmem:$0x10020] =	vst v63  }
0x6b: {  	_ =	swait.ge [sflag:s13], $0x1000  }
0x6c: {  	[sflag:s13] =	ssyncset.done $0x0  }
0x6d: {  	s14 =	sadd.s32 $0x2800, s26;
	[sflag:s13] =	ssyncadd.s32 $0xFFFFF000  }
0x6e: {  	[spmem:s2] =	stream.indirect.scatter.add.f32 [tilespmem:s23], [sflag:$0x8], $0x20, s14, s19, $0xb8;
	[tilespmem:$0x10020] =	vst v63  }
0x6f: {  	_ =	swait.ge [sflag:s17], $0x1000  }
0x70: {  	[sflag:s17] =	ssyncset.done $0x0  }
0x71: {  	s11 =	simm.s32 @p0 $0x4;
	[sflag:s17] =	ssyncadd.s32 $0xFFFFF000  }
0x72: {  	_ =	swait.ge @p0 [sflag:s11], $0x1000  }
0x73: {  	[sflag:s11] =	ssyncset.done @p0 $0x0  }
0x74: {  	s14 =	simm.s32 @p0 $0x8020;
	[sflag:s11] =	ssyncadd.s32 @p0 $0xFFFFF000;
	s11 =	sadd.s32 @p0 $0x2880, s29  }
0x75: {  	[spmem:s2] =	stream.indirect.scatter.add.f32 @p0 [tilespmem:s14], [sflag:$0x8], $0x20, s11, s6, $0xb8;
	[tilespmem:$0x10020] =	vst v63  }
0x76: {  	_ =	swait.ge @p0 [sflag:s5], $0x1000  }
0x77: {  	[sflag:s5] =	ssyncset.done @p0 $0x0  }
0x78: {  	s6 =	simm.s32 @!p0 $0x7020;
	[sflag:s5] =	ssyncadd.s32 @p0 $0xFFFFF000;
	s5 =	sadd.s32 @!p0 $0x400, s7  }
0x79: {  	[tilespmem:s6], [sflag:$0x3] =	stream.indirect.gather @!p0 [hbm4b:s4+s9], $0x20, s5, s9, $0xb8;
	[tilespmem:$0x10020] =	vst v63  }
0x7a: {  	s5 =	simm.s32 @!p0 $0x4  }
0x7b: {  	_ =	swait.ge @!p0 [sflag:s5], $0x1000  }
0x7c: {  	[sflag:s5] =	ssyncset.done @!p0 $0x0  }
0x7d: {  	s6 =	simm.s32 @!p0 $0x8020;
	[sflag:s5] =	ssyncadd.s32 @!p0 $0xFFFFF000;
	s5 =	sadd.s32 @!p0 $0x2880, s7  }
0x7e: {  	[spmem:s2] =	stream.indirect.scatter.add.f32 @!p0 [tilespmem:s6], [sflag:$0x8], $0x20, s5, s9, $0xb8;
	[tilespmem:$0x10020] =	vst v63  }
0x7f: {  	_ =	swait.ge @!p0 [sflag:s8], $0x1000  }
0x80: {  	[sflag:s8] =	ssyncset.done @!p0 $0x0  }
0x81: {  	s5 =	sadd.s32 @!p0 $0x480, s7;
	[sflag:s8] =	ssyncadd.s32 @!p0 $0xFFFFF000  }
0x82: {  	[tilespmem:s6], [sflag:$0x4] =	stream.indirect.gather @!p0 [hbm4b:s4+s9], $0x20, s5, s9, $0xb8;
	[tilespmem:$0x10020] =	vst v63  }
0x83: {  	_ =	swait.ge [sflag:s21], $0x1000  }
0x84: {  	[sflag:s21] =	ssyncset.done $0x0  }
.Ltmp2:
0x85: {  	s14 =	sadd.s32 $0x2900, s26;
	[sflag:s21] =	ssyncadd.s32 $0xFFFFF000;
	(pc) =	sbr.rel @p0 .LBB2_4-.Ltmp2, $4  }
0x86: {  	[spmem:s2] =	stream.indirect.scatter.add.f32 [tilespmem:s28], [sflag:$0x8], $0x20, s14, s19, $0xb8;
	[tilespmem:$0x10020] =	vst v63  }
0x87: {  	_ =	swait.ge [sflag:s17], $0x1000  }
0x88: {  	[sflag:s17] =	ssyncset.done $0x0  }
0x89: {  	s29 =	sadd.s32 $0x2980, s26;
	[sflag:s17] =	ssyncadd.s32 $0xFFFFF000  }
0x8a: {  	s5 =	sadd.s32 $0x500, s26  }
0x8b: {  	[tilespmem:s28], [sflag:$0x5] =	stream.indirect.gather [hbm4b:s4+s19], $0x20, s5, s19, $0xb8;
	[tilespmem:$0x10020] =	vst v63  }
0x8c: {  	_ =	swait.ge [sflag:s22], $0x1000  }
0x8d: {  	[sflag:s22] =	ssyncset.done $0x0  }
0x8e: {  	[sflag:s22] =	ssyncadd.s32 $0xFFFFF000  }
0x8f: {  	[spmem:s2] =	stream.indirect.scatter.add.f32 [tilespmem:s30], [sflag:$0x8], $0x20, s29, s19, $0xb8;
	[tilespmem:$0x10020] =	vst v63  }
.Ltmp3:
0x90: {  	_ = 	snop;
	(pc) =	sbr.rel .LBB2_2-.Ltmp3, $4  }
0x91: {  	_ =	swait.ge [sflag:s17], $0x1000  }
0x92: {  	[sflag:s17] =	ssyncset.done $0x0  }
0x93: {  	s25 =	sadd.s32 $0xC00, s25;
	s29 =	sadd.s32 $0x580, s26;
	[sflag:s17] =	ssyncadd.s32 $0xFFFFF000  }
0x94: {  	[tilespmem:s30], [sflag:$0x6] =	stream.indirect.gather [hbm4b:s4+s19], $0x20, s29, s19, $0xb8;
	[tilespmem:$0x10020] =	vst v63  }
.LBB2_5:
0x95: {  	_ =	sfence.sel $0x180000  }
0x96: {  	[bflag:$0x0] =	sbarrier.arrive $0xFFFF  }
0x97: {  	_ =	strace $0x9000004D  }
0x98: {  	s0 =	stileid.u32;
	[bflag:$0x2] =	sbarrier.arrive $0xFFFF  }
0x99: {  	p0 =	sne.s32 s0, $0x0;
	s0 =	rddreg [dreg:$0x2]  }
0x9a: {  	s0 =	sadd.s32 @!p0 $0x100000, s0  }
0x9b: {  	[sflag:s0] =	ssyncadd.tile.s32 @!p0 $0x1;
	_ =	shalt  }
.Lfunc_end2:
_tile_overlayer_lowered:
.L_overlay_start_2:
0x9c: {  	(tag) =	ssettag $0x2  }
0x9d: {  	s0 =	rddreg [dreg:$0x0];
	s2 =	stileid.u32  }
0x9e: {  	s1 =	rddreg [dreg:$0x1];
	p0 =	sne.s32 s2, $0x0  }
0x9f: {  	s3 =	rddreg [dreg:$0x2];
	[bflag:$0x3] =	sbarrier.arrive $0xFFFF;
	s2 =	simm.s32 @!p0 $0x1C08  }
0xa0: {  	[timem:s3], [sflag:s2] =	dma.local @!p0 [hbm:s0], s1  }
0xa1: {  	s0 =	simm.s32 @!p0 $0x8  }
0xa2: {  	_ =	swait.ge @!p0 [sflag:s0], s1  }
0xa3: {  	s1 =	ssub.s32 @!p0 $0x0, s1;
	[sflag:s0] =	ssyncset.done @!p0 $0x0  }
0xa4: {  	[sflag:s0] =	ssyncadd.s32 @!p0 s1  }
0xa5: {  	[bflag:$0x3] =	sbarrier.arrive $0xFFFF  }
0xa6: {  	_ =	shalt  }

// kernel: kernel.20.cloned.1.call-start
scs
__scs_entry_jumppad:
0x0: {  	(pc) =	sbr.rel $0x88, $3  }
0x1: {  	(tag) =	ssettag $0x0;
	lr =	simm.s32 $0x1  }
0x2: {  	[smem:$0x3F92] =	sst lr;
	_ =	strace $0xD0000000  }
0x3: {  	_ = 	snop  }
0x4: {  	_ = 	snop  }
0x5: {  	_ = 	snop  }
0x6: {  	_ = 	snop  }
0x7: {  	_ = 	snop  }
__scs_overlays_trampoline_lowered:
0x8: {  	[smem:$0x3FA1] =	sst s0  }
0x9: {  	[smem:$0x3FA2] =	sst s1  }
0xa: {  	[smem:$0x3FA3] =	sst s2  }
0xb: {  	[smem:$0x3FA4] =	sst s3  }
0xc: {  	[smem:$0x3FA5] =	sst s4  }
0xd: {  	[smem:$0x3FA6] =	sst s5  }
0xe: {  	[smem:$0x3FA7] =	sst s6  }
0xf: {  	[smem:$0x3FA8] =	sst s7  }
0x10: {  	[smem:$0x3FA9] =	sst s8  }
0x11: {  	[smem:$0x3FAA] =	sst s9;
	s0 =	simm.s32 @!p0 $0x0  }
0x12: {  	s1 =	sld [smem:$0x3F90];
	s0 =	simm.s32 @p0 $0x1  }
0x13: {  	[smem:$0x3FAB] =	sst s0;
	s0 =	simm.s32 @!p1 $0x0  }
0x14: {  	s2 =	sld [smem:$0x3F8F];
	s0 =	simm.s32 @p1 $0x1  }
0x15: {  	[smem:$0x3FAC] =	sst s0;
	s0 =	simm.s32 @!p2 $0x0  }
0x16: {  	s3 =	sld [smem:$0x3FDB];
	s0 =	simm.s32 @p2 $0x1  }
0x17: {  	s4 =	simm.s32 $0x1BF5;
	[smem:$0x3FAE] =	sst s0  }
0x18: {  	s0 =	sld [smem:$0x3F91];
	_ =	swait.ge [sflag:s4], $0x0  }
0x19: {  	s7 =	sld [smem:$0x3F92]  }
0x1a: {  	s8 =	sadd.s32 $0xFFFFE003, lr  }
0x1b: {  	s9 =	sadd.s32 $0xFFFFFEF7, lr;
	s5 =	simm.s32 $0xFFFFFFFF;
	p2 =	slt.u32 s8, $0xFFFFF086  }
0x1c: {  	p1 =	slt.u32 s9, $0xF7A;
	s5 =	simm.s32 @!p2 $0x0  }
0x1d: {  	s5 =	simm.s32 @p1 $0x1;
	p0 =	seq.s32 s7, s2  }
0x1e: {  	s7 =	smul.u32 @!p0 $0xF7A, s2;
	p2 =	seq.s32 @!p0 s5, $0x0  }
0x1f: {  	s9 =	smul.u32 $0xF7A, s1;
	s8 =	simm.s32 @!p0 $0x1BF5;
	p2 =	por !p2, p0  }
0x20: {  	[sflag:s8] =	ssyncset.s32 @!p0 $0xFFFFF086;
	s6 =	sadd.s32 @!p0 s3, s7;
	s7 =	simm.s32 @!p0 $0x108  }
0x21: {  	s3 =	sadd.s32 s3, s9;
	s6 =	sadd.s32 @!p0 $0x88, s6;
	s7 =	simm.s32 @p2 $0x1082  }
0x22: {  	[simem:s7], [sflag:s8] =	dma.local @!p0 [hbm:s6], $0xF7A  }
0x23: {  	s9 =	sor.u32 $0xD0000000, s2;
	s6 =	simm.s32 $0x108;
	_ =	swait.ge @!p0 [sflag:s8], $0x0  }
0x24: {  	s3 =	sadd.s32 $0x88, s3;
	s6 =	simm.s32 @!p1 $0x1082;
	[sflag:s4] =	ssyncset.s32 $0xFFFFF086  }
0x25: {  	[simem:s6], [sflag:s4] =	dma.local [hbm:s3], $0xF7A  }
0x26: {  	[smem:$0x3F92] =	sst s1;
	(tag) =	ssettag s2;
	_ =	strace s9  }
0x27: {  	s1 =	sld [smem:$0x3FA2]  }
0x28: {  	s2 =	sld [smem:$0x3FA3]  }
0x29: {  	s4 =	sld [smem:$0x3FA5]  }
0x2a: {  	p0 =	seq.s32 s5, $0x0;
	s5 =	sld [smem:$0x3FA6]  }
0x2b: {  	s6 =	sld [smem:$0x3FA7]  }
0x2c: {  	s7 =	sld [smem:$0x3FA8]  }
0x2d: {  	s3 =	simm.s32 $0x108;
	s8 =	sld [smem:$0x3FA9]  }
0x2e: {  	s3 =	simm.s32 @!p0 $0x1082;
	s9 =	sld [smem:$0x3FAA]  }
0x2f: {  	lr =	sadd.s32 s0, s3;
	s0 =	sld [smem:$0x3FA1]  }
0x30: {  	s3 =	sld [smem:$0x3FA4]  }
0x31: {  	[smem:$0x3FAD] =	sst s10  }
0x32: {  	s10 =	sld [smem:$0x3FAB];
	_ =	sdelay $0x3  }
0x33: {  	p0 =	seq.s32 s10, $0x1;
	s10 =	sld [smem:$0x3FAD];
	_ =	sdelay $0x3  }
0x34: {  	[smem:$0x3FAD] =	sst s10  }
0x35: {  	s10 =	sld [smem:$0x3FAC];
	_ =	sdelay $0x3  }
0x36: {  	p1 =	seq.s32 s10, $0x1;
	s10 =	sld [smem:$0x3FAD];
	_ =	sdelay $0x3  }
0x37: {  	[smem:$0x3FAD] =	sst s10  }
0x38: {  	s10 =	sld [smem:$0x3FAE]  }
0x39: {  	_ = 	snop;
	(pc) =	sbr.ind lr, $3  }
0x3a: {  	_ = 	snop  }
0x3b: {  	_ = 	snop  }
0x3c: {  	p2 =	seq.s32 s10, $0x1;
	s10 =	sld [smem:$0x3FAD]  }
0x3d: {  	_ =	shalt  }
0x3e: {  	_ =	shalt  }
0x3f: {  	_ =	shalt  }
0x40: {  	_ =	shalt  }
0x41: {  	_ =	shalt  }
0x42: {  	_ =	shalt  }
0x43: {  	_ =	shalt  }
0x44: {  	_ =	shalt  }
0x45: {  	_ =	shalt  }
0x46: {  	_ =	shalt  }
0x47: {  	_ =	shalt  }
0x48: {  	_ =	shalt  }
0x49: {  	_ =	shalt  }
0x4a: {  	_ =	shalt  }
0x4b: {  	_ =	shalt  }
0x4c: {  	_ =	shalt  }
0x4d: {  	_ =	shalt  }
0x4e: {  	_ =	shalt  }
0x4f: {  	_ =	shalt  }
0x50: {  	_ =	shalt  }
0x51: {  	_ =	shalt  }
0x52: {  	_ =	shalt  }
0x53: {  	_ =	shalt  }
0x54: {  	_ =	shalt  }
0x55: {  	_ =	shalt  }
0x56: {  	_ =	shalt  }
0x57: {  	_ =	shalt  }
0x58: {  	_ =	shalt  }
0x59: {  	_ =	shalt  }
0x5a: {  	_ =	shalt  }
0x5b: {  	_ =	shalt  }
0x5c: {  	_ =	shalt  }
0x5d: {  	_ =	shalt  }
0x5e: {  	_ =	shalt  }
0x5f: {  	_ =	shalt  }
0x60: {  	_ =	shalt  }
0x61: {  	_ =	shalt  }
0x62: {  	_ =	shalt  }
0x63: {  	_ =	shalt  }
0x64: {  	_ =	shalt  }
0x65: {  	_ =	shalt  }
0x66: {  	_ =	shalt  }
0x67: {  	_ =	shalt  }
0x68: {  	_ =	shalt  }
0x69: {  	_ =	shalt  }
0x6a: {  	_ =	shalt  }
0x6b: {  	_ =	shalt  }
0x6c: {  	_ =	shalt  }
0x6d: {  	_ =	shalt  }
0x6e: {  	_ =	shalt  }
0x6f: {  	_ =	shalt  }
0x70: {  	_ =	shalt  }
0x71: {  	_ =	shalt  }
0x72: {  	_ =	shalt  }
0x73: {  	_ =	shalt  }
0x74: {  	_ =	shalt  }
0x75: {  	_ =	shalt  }
0x76: {  	_ =	shalt  }
0x77: {  	_ =	shalt  }
0x78: {  	_ =	shalt  }
0x79: {  	_ =	shalt  }
0x7a: {  	_ =	shalt  }
0x7b: {  	_ =	shalt  }
0x7c: {  	_ =	shalt  }
0x7d: {  	_ =	shalt  }
0x7e: {  	_ =	shalt  }
0x7f: {  	_ =	shalt  }
0x80: {  	_ =	shalt  }
0x81: {  	_ =	shalt  }
0x82: {  	_ =	shalt  }
0x83: {  	_ =	shalt  }
0x84: {  	_ =	shalt  }
0x85: {  	_ =	shalt  }
0x86: {  	_ =	shalt  }
0x87: {  	_ =	shalt  }
.Lfunc_end0:
.L_simem_size_0:
called_computation.3_lowered:
.L_overlay_start_0:
0x88: {  	s2 =	sld [smem:$0x3FD9]  }
0x89: {  	s3 =	sld [smem:$0x3FFE];
	_ =	sdelay $0x1  }
0x8a: {  	s1 =	srdreg.scid  }
0x8b: {  	s0 =	sand.u32 $0x1, s1  }
0x8c: {  	s16 =	sshll.u32 s0, $0xA;
	s2 =	sadd.s32 s3, s2  }
0x8d: {  	s2 =	sadd.s32 s2, s16  }
0x8e: {  	[smem:$0x3FB9] =	sst s2  }
0x8f: {  	_ = 	snop  }
0x90: {  	(tm) =	ssettm $0x1  }
0x91: {  	s17 =	sld [smem:$0x3FFB];
	_ =	sdelay $0x3  }
0x92: {  	_ =	strace s17  }
0x93: {  	s2 =	sld [smem:$0x3FFC];
	_ =	sdelay $0x3  }
0x94: {  	_ =	strace s2  }
0x95: {  	s2 =	sld [smem:$0x3FFD];
	_ =	sdelay $0x3  }
0x96: {  	_ =	strace s2  }
0x97: {  	_ =	strace $0x8FFFFFFF  }
0x98: {  	s18 =	sld [smem:$0x3FDB];
	_ =	sdelay $0x1  }
0x99: {  	s19 =	simm.s32 $_scs_section_size  }
0x9a: {  	s4 =	simm.s32 $_size__tile_overlayer_lowered;
	s5 =	simm.s32 $_tile_overlayer_lowered  }
0x9b: {  	s22 =	simm.s32 $0x1BFF;
	s21 =	sshll.u32 s5, $0x1;
	s2 =	sadd.s32 s19, s18  }
0x9c: {  	s6 =	simm.s32 $0x0;
	s20 =	sshll.u32 s4, $0x1;
	s4 =	sadd.s32 s21, s2  }
0x9d: {  	[timem:s6], [sflag:s22] =	dma.local [hbm:s4], s20  }
0x9e: {  	_ =	swait.ge [sflag:s22], s20  }
0x9f: {  	s3 =	ssub.s32 $0x0, s20;
	[sflag:s22] =	ssyncset.done $0x0  }
0xa0: {  	[sflag:s22] =	ssyncadd.s32 s3;
	_ =	sdelay $0x1  }
0xa1: {  	s23 =	simm.s32 $0x1B8B  }
0xa2: {  	_ =	swait.ge [sflag:s23], $0x1  }
0xa3: {  	[sflag:s23] =	ssyncset.done $0x0  }
0xa4: {  	s25 =	simm.s32 $0x1B8E;
	s24 =	sld [smem:$0x3FFE];
	[sflag:s23] =	ssyncadd.s32 $0xFFFFFFFF  }
0xa5: {  	s26 =	simm.s32 $execute0_lowered;
	[smem:$0x3FD2] =	sst s25  }
0xa6: {  	s4 =	sshll.u32 s26, $0x1;
	_ =	strace $0x8000004F;
	[dreg:$0x1] =	wrdreg $0xFFFFFFFF  }
0xa7: {  	s28 =	simm.s32 $_size_execute0_lowered;
	s2 =	sadd.s32 s2, s4;
	[dreg:$0x0] =	wrdreg $0x0  }
0xa8: {  	s4 =	sshll.u32 s28, $0x1;
	[dreg:$0x2] =	wrdreg s2  }
0xa9: {  	[dreg:$0x3] =	wrdreg s4  }
0xaa: {  	[dreg:$0x4] =	wrdreg $0xC0  }
0xab: {  	_ =	task [dreg:s6], $0x5FFFF  }
0xac: {  	[dreg:$0x1] =	wrdreg $0xFFFFFFFF  }
0xad: {  	[dreg:$0x0] =	wrdreg $0x60  }
0xae: {  	[dreg:$0x2] =	wrdreg s24  }
0xaf: {  	[dreg:$0x3] =	wrdreg $0xB0200  }
0xb0: {  	[dreg:$0x4] =	wrdreg $0x9  }
0xb1: {  	_ =	task.clear_ibuf [dreg:s6], $0x5FFFF;
	_ =	strace $0x9000004F  }
0xb2: {  	s29 =	simm.s32 $0x9;
	_ =	strace $0x80000051  }
0xb3: {  	_ =	swait.ge [sflag:s29], $0x1  }
0xb4: {  	[sflag:s29] =	ssyncadd.s32 $0xFFFFFFFF  }
0xb5: {  	_ =	strace $0x90000051  }
0xb6: {  	_ =	sfence  }
0xb7: {  	s30 =	sld [smem:$0x0];
	_ =	sdelay $0x2  }
0xb8: {  	s31 =	sshll.u32 s1, $0xD;
	s1 =	sshrl.u32 s1, $0x2  }
0xb9: {  	s3 =	sand.u32 $0x4000, s31;
	s1 =	sadd.s32 s1, s30  }
0xba: {  	s0 =	sor.u32 s3, s0;
	s1 =	sshll.u32 s1, $0x11  }
0xbb: {  	s0 =	sor.u32 s1, s0  }
0xbc: {  	s0 =	sadd.s32 $0x8F2B, s0  }
0xbd: {  	[sflag:s0] =	ssyncadd.remote.s32 $0x1  }
0xbe: {  	_ =	sfence.sel $0xFFFF  }
0xbf: {  	[dreg:$0x0] =	wrdreg $0xFFFFFFFF;
	(pc) =	sbr.abs _section_cstart, $3  }
0xc0: {  	[dreg:$0x1] =	wrdreg $0xFFFFFFFF  }
0xc1: {  	_ =	task.clear_ibuf [dreg:s6], $0x2FFFF;
	_ =	strace $0x9FFFFFFF  }
0xc2: {  	(tm) =	ssettm $0x7FFFFFFF  }
0xc3: {  	_ =	shalt  }
tec
execute0_lowered:
.L_overlay_start_1:
0x0: {  	(tag) =	ssettag $0x1  }
0x1: {  	s0 =	srdreg.scid;
	s1 =	rddreg [dreg:$0x0]  }
0x2: {  	s2 =	rddreg [dreg:$0x1];
	s11 =	stileid.u32;
	s3 =	simm.s32 $0x0  }
0x3: {  	s15 =	simm.s32 $0x4E10;
	s17 =	simm.s32 $0x8;
	s18 =	simm.s32 $0x7  }
0x4: {  	s28 =	simm.s32 $0x9020;
	s30 =	simm.s32 $0xA020;
	s31 =	simm.s32 $0x10  }
0x5: {  	s0 =	sand.u32 $0x1, s0;
	[smem:$0x7FF] =	sst s3;
	s9 =	smul.u32 $0x5000, s11  }
0x6: {  	s29 =	sshll.u32 s11, $0x6;
	s4 =	sshll.u32 s0, $0x4;
	_ =	strace $0x80000050  }
0x7: {  	s6 =	smul.u32 $0x50000, s0;
	s0 =	ssub.s32 $0x2, s0;
	s4 =	sor.u32 s11, s4  }
0x8: {  	s19 =	sshrl.u32 s9, $0x3;
	s21 =	sshrl.u32 s0, $0x1;
	s13 =	sadd.s32 s9, s2  }
0x9: {  	s5 =	smul.u32 $0x2700, s4;
	s4 =	sshll.u32 s4, $0x1;
	s6 =	sadd.s32 s9, s6  }
0xa: {  	s10 =	sadd.s32 s19, s1;
	s0 =	ssub.s32 s0, s21;
	s16 =	sshrl.u32 s13, $0x3  }
0xb: {  	s19 =	simm.s32 $0x80;
	s13 =	simm.s32 $0x3;
	s21 =	simm.s32 $0x5  }
0xc: {  	s8 =	sadd.s32 s4, s1;
	s4 =	sadd.s32 $0x16E00, s1;
	s20 =	sshrl.u32 s6, $0x3  }
0xd: {  	s26 =	sadd.s32 $0x20C00, s10;
	s10 =	sor.u32 $0x1C08, s29;
	s12 =	smax.u32 s0, $0x1  }
0xe: {  	s5 =	sshrl.u32 s5, $0x3;
	s24 =	sadd.s32 $0x16C00, s8;
	[dreg:$0x7] =	wrdreg s26  }
0xf: {  	s25 =	sadd.s32 $0x16C40, s8;
	s7 =	sadd.s32 s5, s1;
	[dreg:$0x5] =	wrdreg s24  }
.Ltmp0:
0x10: {  	[dreg:$0x6] =	wrdreg s25;
	s22 =	sadd.s32 $0x3400, s7;
	(pc) =	sbr.rel .LBB2_1-.Ltmp0, $4  }
0x11: {  	s1 =	sadd.s32 s20, s1;
	s23 =	sadd.s32 $0xD000, s7;
	[dreg:$0x3] =	wrdreg s22  }
0x12: {  	s0 =	simm.s32 $0x4E20;
	s1 =	sadd.s32 $0x2AC00, s1;
	[dreg:$0x4] =	wrdreg s23  }
0x13: {  	s20 =	simm.s32 $0x5020;
	s24 =	simm.s32 $0x0;
	[dreg:$0x8] =	wrdreg s1  }
0x14: {  	s23 =	simm.s32 $0x7020;
	s1 =	simm.s32 $0x1;
	s22 =	simm.s32 $0x6  }
.LBB2_4:
0x15: {  	_ =	swait.ge [sflag:s22], $0x1000  }
0x16: {  	[sflag:s22] =	ssyncset.done $0x0  }
0x17: {  	[sflag:s22] =	ssyncadd.s32 $0xFFFFF000  }
0x18: {  	[spmem:s2] =	stream.indirect.scatter.add.f32 [tilespmem:s30], [sflag:$0x8], $0x20, s29, s19, $0xb8;
	[tilespmem:$0x10020] =	vst v63  }
0x19: {  	_ =	swait.ge [sflag:s17], $0x1000  }
0x1a: {  	[sflag:s17] =	ssyncset.done $0x0  }
0x1b: {  	[sflag:s17] =	ssyncadd.s32 $0xFFFFF000  }
0x1c: {  	_ =	swait.ge [sflag:s18], $0x200  }
0x1d: {  	[sflag:s18] =	ssyncset.done $0x0  }
0x1e: {  	[sflag:s18] =	ssyncadd.s32 $0xFFFFFE00  }
0x1f: {  	[spmem:s2] =	stream.indirect.scatter.add.f32 [tilespmem:s0], [sflag:$0x8], $0x20, s15, s31, $0xb8;
	[tilespmem:$0x10020] =	vst v63  }
0x20: {  	_ =	swait.ge [sflag:s17], $0x200  }
0x21: {  	[sflag:s17] =	ssyncset.done $0x0  }
0x22: {  	s24 =	sadd.s32 $0x1, s24;
	[sflag:s17] =	ssyncadd.s32 $0xFFFFFE00  }
0x23: {  	p0 =	sne.s32 s24, s12;
	[bflag:$0x0] =	sbarrier.arrive $0xFFFF  }
.Ltmp1:
0x24: {  	s5 =	rddreg [dreg:$0x8];
	(pc) =	sbr.rel @!p0 .LBB2_5-.Ltmp1, $4  }
0x25: {  	[hbm:s5], [sflag:s10] =	dma.local [spmem:s16], $0xA00  }
0x26: {  	_ =	swait.ge [sflag:s17], $0xA00  }
0x27: {  	[sflag:s17] =	ssyncset.done $0x0  }
0x28: {  	[sflag:s17] =	ssyncadd.s32 $0xFFFFF600  }
.LBB2_1:
0x29: {  	s5 =	rddreg [dreg:$0x3]  }
0x2a: {  	s29 =	rddreg [dreg:$0x4]  }
0x2b: {  	[tilespmem:s3], [sflag:$0x7] =	stream.linear.gather [hbm4b:s5+s3], $0x2700, $0x38;
	[tilespmem:$0x10020] =	vst v63  }
0x2c: {  	s6 =	simm.s32 $0x2700;
	s7 =	rddreg [dreg:$0x5]  }
0x2d: {  	[tilespmem:s6], [sflag:$0x7] =	stream.linear.gather [hbm4b:s29+s3], $0x2700, $0x38;
	[tilespmem:$0x10020] =	vst v63  }
0x2e: {  	s8 =	rddreg [dreg:$0x6];
	s6 =	simm.s32 $0x4E00  }
0x2f: {  	[tilespmem:s6], [sflag:$0x7] =	stream.linear.gather [hbm4b:s7+s3], $0x10, $0x38;
	[tilespmem:$0x10020] =	vst v63  }
0x30: {  	s9 =	rddreg [dreg:$0x7]  }
0x31: {  	[tilespmem:s15], [sflag:$0x7] =	stream.linear.gather [hbm4b:s8+s3], $0x10, $0x38;
	[tilespmem:$0x10020] =	vst v63  }
0x32: {  	[spmem:s16], [sflag:s10] =	dma.local [hbm:s9], $0xA00  }
0x33: {  	_ =	swait.ge [sflag:s17], $0xA00  }
0x34: {  	[sflag:s17] =	ssyncset.done $0x0  }
0x35: {  	[sflag:s17] =	ssyncadd.s32 $0xFFFFF600  }
0x36: {  	_ =	swait.ge [sflag:s18], $0x2700  }
0x37: {  	[sflag:s18] =	ssyncset.done $0x0  }
0x38: {  	[sflag:s18] =	ssyncadd.s32 $0xFFFFD900  }
0x39: {  	_ =	swait.ge [sflag:s18], $0x2700  }
0x3a: {  	[sflag:s18] =	ssyncset.done $0x0  }
0x3b: {  	[sflag:s18] =	ssyncadd.s32 $0xFFFFD900  }
0x3c: {  	_ =	swait.ge [sflag:s18], $0x10  }
0x3d: {  	[sflag:s18] =	ssyncset.done $0x0  }
0x3e: {  	[sflag:s18] =	ssyncadd.s32 $0xFFFFFFF0  }
0x3f: {  	_ =	swait.ge [sflag:s18], $0x10  }
0x40: {  	[sflag:s18] =	ssyncset.done $0x0  }
0x41: {  	[sflag:s18] =	ssyncadd.s32 $0xFFFFFFF0  }
0x42: {  	[tilespmem:s20], [sflag:$0x1] =	stream.indirect.gather [hbm4b:s4+s19], $0x20, s3, s19, $0xb8;
	[tilespmem:$0x10020] =	vst v63  }
0x43: {  	s11 =	simm.s32 $0x6020  }
0x44: {  	[tilespmem:s11], [sflag:$0x2] =	stream.indirect.gather [hbm4b:s4+s19], $0x20, s19, s19, $0xb8;
	[tilespmem:$0x10020] =	vst v63  }
0x45: {  	s14 =	simm.s32 $0x100  }
0x46: {  	[tilespmem:s23], [sflag:$0x3] =	stream.indirect.gather [hbm4b:s4+s19], $0x20, s14, s19, $0xb8;
	[tilespmem:$0x10020] =	vst v63  }
0x47: {  	s25 =	simm.s32 $0x180;
	s7 =	simm.s32 $0x8020  }
0x48: {  	[tilespmem:s7], [sflag:$0x4] =	stream.indirect.gather [hbm4b:s4+s19], $0x20, s25, s19, $0xb8;
	[tilespmem:$0x10020] =	vst v63  }
0x49: {  	s26 =	simm.s32 $0x200  }
0x4a: {  	[tilespmem:s28], [sflag:$0x5] =	stream.indirect.gather [hbm4b:s4+s19], $0x20, s26, s19, $0xb8;
	[tilespmem:$0x10020] =	vst v63  }
0x4b: {  	s29 =	simm.s32 $0x280  }
0x4c: {  	[tilespmem:s30], [sflag:$0x6] =	stream.indirect.gather [hbm4b:s4+s19], $0x20, s29, s19, $0xb8;
	[tilespmem:$0x10020] =	vst v63  }
0x4d: {  	_ = 	snop  }
0x4e: {  	[tilespmem:s0], [sflag:$0x7] =	stream.indirect.gather [hbm4b:s4+s31], $0x20, s6, s31, $0xb8;
	[tilespmem:$0x10020] =	vst v63  }
0x4f: {  	s25 =	simm.s32 $0x0;
	[bflag:$0x0] =	sbarrier.arrive $0xFFFF  }
.LBB2_2:
0x50: {  	_ =	swait.ge [sflag:s1], $0x1000  }
0x51: {  	s26 =	sshra.s32 s25, $0x2;
	[sflag:s1] =	ssyncset.done $0x0  }
0x52: {  	s29 =	sadd.s32 $0x2700, s26;
	[sflag:s1] =	ssyncadd.s32 $0xFFFFF000  }
0x53: {  	[spmem:s2] =	stream.indirect.scatter.add.f32 [tilespmem:s20], [sflag:$0x8], $0x20, s29, s19, $0xb8;
	[tilespmem:$0x10020] =	vst v63  }
0x54: {  	_ =	swait.ge [sflag:s17], $0x1000  }
0x55: {  	p0 =	seq.s32 s25, $0x9000;
	[sflag:s17] =	ssyncset.done $0x0  }
0x56: {  	s29 =	simm.s32 @p0 $0x2;
	[sflag:s17] =	ssyncadd.s32 $0xFFFFF000  }
0x57: {  	_ =	swait.ge @p0 [sflag:s29], $0x1000  }
0x58: {  	[sflag:s29] =	ssyncset.done @p0 $0x0  }
0x59: {  	[sflag:s29] =	ssyncadd.s32 @p0 $0xFFFFF000;
	s29 =	sshra.s32 @p0 s25, $0x2  }
0x5a: {  	s6 =	simm.s32 @p0 $0x80;
	s7 =	simm.s32 @p0 $0x6020;
	s5 =	sadd.s32 @p0 $0x2780, s29  }
0x5b: {  	[spmem:s2] =	stream.indirect.scatter.add.f32 @p0 [tilespmem:s7], [sflag:$0x8], $0x20, s5, s6, $0xb8;
	[tilespmem:$0x10020] =	vst v63  }
0x5c: {  	s5 =	simm.s32 @p0 $0x8  }
0x5d: {  	_ =	swait.ge @p0 [sflag:s5], $0x1000  }
0x5e: {  	s9 =	simm.s32 @!p0 $0x80;
	s7 =	sshra.s32 @!p0 s25, $0x2;
	[sflag:s5] =	ssyncset.done @p0 $0x0  }
0x5f: {  	s14 =	simm.s32 @!p0 $0x5020;
	s8 =	sadd.s32 @!p0 $0x300, s7;
	[sflag:s5] =	ssyncadd.s32 @p0 $0xFFFFF000  }
0x60: {  	[tilespmem:s14], [sflag:$0x1] =	stream.indirect.gather @!p0 [hbm4b:s4+s9], $0x20, s8, s9, $0xb8;
	[tilespmem:$0x10020] =	vst v63  }
0x61: {  	s8 =	simm.s32 @!p0 $0x2  }
0x62: {  	_ =	swait.ge @!p0 [sflag:s8], $0x1000  }
0x63: {  	[sflag:s8] =	ssyncset.done @!p0 $0x0  }
0x64: {  	s14 =	simm.s32 @!p0 $0x6020;
	[sflag:s8] =	ssyncadd.s32 @!p0 $0xFFFFF000;
	s8 =	sadd.s32 @!p0 $0x2780, s7  }
0x65: {  	[spmem:s2] =	stream.indirect.scatter.add.f32 @!p0 [tilespmem:s14], [sflag:$0x8], $0x20, s8, s9, $0xb8;
	[tilespmem:$0x10020] =	vst v63  }
0x66: {  	s8 =	simm.s32 @!p0 $0x8  }
0x67: {  	_ =	swait.ge @!p0 [sflag:s8], $0x1000  }
0x68: {  	[sflag:s8] =	ssyncset.done @!p0 $0x0  }
0x69: {  	s11 =	sadd.s32 @!p0 $0x380, s7;
	[sflag:s8] =	ssyncadd.s32 @!p0 $0xFFFFF000  }
0x6a: {  	[tilespmem:s14], [sflag:$0x2] =	stream.indirect.gather @!p0 [hbm4b:s4+s9], $0x20, s11, s9, $0xb8;
	[tilespmem:$0x10020] =	vst v63  }
0x6b: {  	_ =	swait.ge [sflag:s13], $0x1000  }
0x6c: {  	[sflag:s13] =	ssyncset.done $0x0  }
0x6d: {  	s14 =	sadd.s32 $0x2800, s26;
	[sflag:s13] =	ssyncadd.s32 $0xFFFFF000  }
0x6e: {  	[spmem:s2] =	stream.indirect.scatter.add.f32 [tilespmem:s23], [sflag:$0x8], $0x20, s14, s19, $0xb8;
	[tilespmem:$0x10020] =	vst v63  }
0x6f: {  	_ =	swait.ge [sflag:s17], $0x1000  }
0x70: {  	[sflag:s17] =	ssyncset.done $0x0  }
0x71: {  	s11 =	simm.s32 @p0 $0x4;
	[sflag:s17] =	ssyncadd.s32 $0xFFFFF000  }
0x72: {  	_ =	swait.ge @p0 [sflag:s11], $0x1000  }
0x73: {  	[sflag:s11] =	ssyncset.done @p0 $0x0  }
0x74: {  	s14 =	simm.s32 @p0 $0x8020;
	[sflag:s11] =	ssyncadd.s32 @p0 $0xFFFFF000;
	s11 =	sadd.s32 @p0 $0x2880, s29  }
0x75: {  	[spmem:s2] =	stream.indirect.scatter.add.f32 @p0 [tilespmem:s14], [sflag:$0x8], $0x20, s11, s6, $0xb8;
	[tilespmem:$0x10020] =	vst v63  }
0x76: {  	_ =	swait.ge @p0 [sflag:s5], $0x1000  }
0x77: {  	[sflag:s5] =	ssyncset.done @p0 $0x0  }
0x78: {  	s6 =	simm.s32 @!p0 $0x7020;
	[sflag:s5] =	ssyncadd.s32 @p0 $0xFFFFF000;
	s5 =	sadd.s32 @!p0 $0x400, s7  }
0x79: {  	[tilespmem:s6], [sflag:$0x3] =	stream.indirect.gather @!p0 [hbm4b:s4+s9], $0x20, s5, s9, $0xb8;
	[tilespmem:$0x10020] =	vst v63  }
0x7a: {  	s5 =	simm.s32 @!p0 $0x4  }
0x7b: {  	_ =	swait.ge @!p0 [sflag:s5], $0x1000  }
0x7c: {  	[sflag:s5] =	ssyncset.done @!p0 $0x0  }
0x7d: {  	s6 =	simm.s32 @!p0 $0x8020;
	[sflag:s5] =	ssyncadd.s32 @!p0 $0xFFFFF000;
	s5 =	sadd.s32 @!p0 $0x2880, s7  }
0x7e: {  	[spmem:s2] =	stream.indirect.scatter.add.f32 @!p0 [tilespmem:s6], [sflag:$0x8], $0x20, s5, s9, $0xb8;
	[tilespmem:$0x10020] =	vst v63  }
0x7f: {  	_ =	swait.ge @!p0 [sflag:s8], $0x1000  }
0x80: {  	[sflag:s8] =	ssyncset.done @!p0 $0x0  }
0x81: {  	s5 =	sadd.s32 @!p0 $0x480, s7;
	[sflag:s8] =	ssyncadd.s32 @!p0 $0xFFFFF000  }
0x82: {  	[tilespmem:s6], [sflag:$0x4] =	stream.indirect.gather @!p0 [hbm4b:s4+s9], $0x20, s5, s9, $0xb8;
	[tilespmem:$0x10020] =	vst v63  }
0x83: {  	_ =	swait.ge [sflag:s21], $0x1000  }
0x84: {  	[sflag:s21] =	ssyncset.done $0x0  }
.Ltmp2:
0x85: {  	s14 =	sadd.s32 $0x2900, s26;
	[sflag:s21] =	ssyncadd.s32 $0xFFFFF000;
	(pc) =	sbr.rel @p0 .LBB2_4-.Ltmp2, $4  }
0x86: {  	[spmem:s2] =	stream.indirect.scatter.add.f32 [tilespmem:s28], [sflag:$0x8], $0x20, s14, s19, $0xb8;
	[tilespmem:$0x10020] =	vst v63  }
0x87: {  	_ =	swait.ge [sflag:s17], $0x1000  }
0x88: {  	[sflag:s17] =	ssyncset.done $0x0  }
0x89: {  	s29 =	sadd.s32 $0x2980, s26;
	[sflag:s17] =	ssyncadd.s32 $0xFFFFF000  }
0x8a: {  	s5 =	sadd.s32 $0x500, s26  }
0x8b: {  	[tilespmem:s28], [sflag:$0x5] =	stream.indirect.gather [hbm4b:s4+s19], $0x20, s5, s19, $0xb8;
	[tilespmem:$0x10020] =	vst v63  }
0x8c: {  	_ =	swait.ge [sflag:s22], $0x1000  }
0x8d: {  	[sflag:s22] =	ssyncset.done $0x0  }
0x8e: {  	[sflag:s22] =	ssyncadd.s32 $0xFFFFF000  }
0x8f: {  	[spmem:s2] =	stream.indirect.scatter.add.f32 [tilespmem:s30], [sflag:$0x8], $0x20, s29, s19, $0xb8;
	[tilespmem:$0x10020] =	vst v63  }
.Ltmp3:
0x90: {  	_ = 	snop;
	(pc) =	sbr.rel .LBB2_2-.Ltmp3, $4  }
0x91: {  	_ =	swait.ge [sflag:s17], $0x1000  }
0x92: {  	[sflag:s17] =	ssyncset.done $0x0  }
0x93: {  	s25 =	sadd.s32 $0xC00, s25;
	s29 =	sadd.s32 $0x580, s26;
	[sflag:s17] =	ssyncadd.s32 $0xFFFFF000  }
0x94: {  	[tilespmem:s30], [sflag:$0x6] =	stream.indirect.gather [hbm4b:s4+s19], $0x20, s29, s19, $0xb8;
	[tilespmem:$0x10020] =	vst v63  }
.LBB2_5:
0x95: {  	_ =	sfence.sel $0x180000  }
0x96: {  	[bflag:$0x0] =	sbarrier.arrive $0xFFFF  }
0x97: {  	_ =	strace $0x90000050  }
0x98: {  	s0 =	stileid.u32;
	[bflag:$0x2] =	sbarrier.arrive $0xFFFF  }
0x99: {  	p0 =	sne.s32 s0, $0x0;
	s0 =	rddreg [dreg:$0x2]  }
0x9a: {  	s0 =	sadd.s32 @!p0 $0x100000, s0  }
0x9b: {  	[sflag:s0] =	ssyncadd.tile.s32 @!p0 $0x1;
	_ =	shalt  }
.Lfunc_end2:
_tile_overlayer_lowered:
.L_overlay_start_2:
0x9c: {  	(tag) =	ssettag $0x2  }
0x9d: {  	s0 =	rddreg [dreg:$0x0];
	s2 =	stileid.u32  }
0x9e: {  	s1 =	rddreg [dreg:$0x1];
	p0 =	sne.s32 s2, $0x0  }
0x9f: {  	s3 =	rddreg [dreg:$0x2];
	[bflag:$0x3] =	sbarrier.arrive $0xFFFF;
	s2 =	simm.s32 @!p0 $0x1C08  }
0xa0: {  	[timem:s3], [sflag:s2] =	dma.local @!p0 [hbm:s0], s1  }
0xa1: {  	s0 =	simm.s32 @!p0 $0x8  }
0xa2: {  	_ =	swait.ge @!p0 [sflag:s0], s1  }
0xa3: {  	s1 =	ssub.s32 @!p0 $0x0, s1;
	[sflag:s0] =	ssyncset.done @!p0 $0x0  }
0xa4: {  	[sflag:s0] =	ssyncadd.s32 @!p0 s1  }
0xa5: {  	[bflag:$0x3] =	sbarrier.arrive $0xFFFF  }
0xa6: {  	_ =	shalt  }

</sc_bundles>
